<compile_context>
chip_gen: v7x
topology: tpu7x:2x2x1
jax: 0.10.2.dev20260603
libtpu: 0.0.44.dev20260713+nightly
codegen_flags: <defaults>
</compile_context>

<pallas_src>
import jax
import jax.numpy as jnp
from jax import lax
from jax.experimental import pallas as pl
from jax.experimental.pallas import tpu as pltpu
from jax.experimental.pallas import tpu_sc as plsc

ALPHA = 0.0813
BETA = 0.947

NC, NS, L = 2, 16, 16
NW = NC * NS

N = 10000
E = 320000
D = 128
NP = 10240
RPT = NP // NS
B1 = 80
C1 = (E // NW) // B1


def _zero_fill(ref, nwords):
    def body(i, c):
        ref[pl.ds(i * L, L)] = jnp.zeros((L,), jnp.float32)
        return c
    lax.fori_loop(0, nwords // L, body, 0)


def _deg_body(dst_hbm, deg_hbm, dst_v, ones_v, zero_v, acc_s, bounce_v, sem):
    cid = lax.axis_index("c")
    sid = lax.axis_index("s")
    wid = cid * NS + sid

    _zero_fill(zero_v, RPT)
    pltpu.sync_copy(zero_v, acc_s.at[pl.ds(sid * RPT, RPT)])
    plsc.subcore_barrier()

    pltpu.sync_copy(dst_hbm.at[wid], dst_v)
    for i in range(0, B1, L):
        ones_v[pl.ds(i, L)] = jnp.ones((L,), jnp.float32)

    def chunk(j, carry):
        pltpu.async_copy(ones_v, acc_s.at[dst_v.at[j]], sem, add=True)

        @pl.when(j >= 16)
        def _():
            pltpu.make_async_copy(ones_v, acc_s.at[dst_v.at[0]], sem).wait()
        return carry

    lax.fori_loop(0, C1, chunk, 0)

    def drain(j, carry):
        pltpu.make_async_copy(ones_v, acc_s.at[dst_v.at[0]], sem).wait()
        return carry

    lax.fori_loop(0, 16, drain, 0)
    plsc.subcore_barrier()

    pltpu.sync_copy(acc_s.at[pl.ds(sid * RPT, RPT)], bounce_v)
    pltpu.sync_copy(bounce_v, deg_hbm.at[pl.ds(cid * NP + sid * RPT, RPT)])


def _deg_partials(dst_r):
    mesh = plsc.VectorSubcoreMesh(core_axis_name="c", subcore_axis_name="s")
    return pl.kernel(
        _deg_body,
        out_type=jax.ShapeDtypeStruct((NC * NP,), jnp.float32),
        mesh=mesh,
        compiler_params=pltpu.CompilerParams(needs_layout_passes=False),
        scratch_types=[
            pltpu.VMEM((C1, B1), jnp.int32),
            pltpu.VMEM((B1,), jnp.float32),
            pltpu.VMEM((RPT,), jnp.float32),
            pltpu.VMEM_SHARED((NP,), jnp.float32),
            pltpu.VMEM((RPT,), jnp.float32),
            pltpu.SemaphoreType.DMA,
        ],
    )(dst_r)


def _spmm_body(xs_hbm, srcf_hbm, dst_hbm, zeros_hbm, out_hbm,
               srcf_v, dst_v, r2, rb, acc_s, sem, semb):
    cid = lax.axis_index("c")
    sid = lax.axis_index("s")
    wid = cid * NS + sid

    pltpu.sync_copy(zeros_hbm, r2)
    for t in range(RPT // B1):
        pltpu.sync_copy(r2, acc_s.at[pl.ds(sid * RPT + t * B1, B1)])
    plsc.subcore_barrier()

    pltpu.sync_copy(srcf_hbm.at[wid], srcf_v)
    pltpu.sync_copy(dst_hbm.at[wid], dst_v)

    pltpu.async_copy(xs_hbm.at[srcf_v.at[pl.ds(0, B1)]], r2, sem)

    def chunk(j, carry):
        sbase = j * B1

        @pl.when(j % 2 == 0)
        def _():
            @pl.when(j + 1 < C1)
            def _():
                pltpu.async_copy(
                    xs_hbm.at[srcf_v.at[pl.ds(sbase + B1, B1)]], rb, semb)
            pltpu.make_async_copy(xs_hbm.at[pl.ds(0, B1)], r2, sem).wait()
            pltpu.sync_copy(r2, acc_s.at[dst_v.at[j]], add=True)

        @pl.when(j % 2 == 1)
        def _():
            @pl.when(j + 1 < C1)
            def _():
                pltpu.async_copy(
                    xs_hbm.at[srcf_v.at[pl.ds(sbase + B1, B1)]], r2, sem)
            pltpu.make_async_copy(xs_hbm.at[pl.ds(0, B1)], rb, semb).wait()
            pltpu.sync_copy(rb, acc_s.at[dst_v.at[j]], add=True)

        return carry

    lax.fori_loop(0, C1, chunk, 0)
    plsc.subcore_barrier()

    for t in range(RPT // B1):
        base = sid * RPT + t * B1
        pltpu.sync_copy(acc_s.at[pl.ds(base, B1)], r2)
        pltpu.sync_copy(r2, out_hbm.at[pl.ds(cid * NP + base, B1)])


def _spmm_partials(xs, src_f, dst_r, zeros_bd):
    mesh = plsc.VectorSubcoreMesh(core_axis_name="c", subcore_axis_name="s")
    return pl.kernel(
        _spmm_body,
        out_type=jax.ShapeDtypeStruct((NC * NP, D), jnp.float32),
        mesh=mesh,
        compiler_params=pltpu.CompilerParams(needs_layout_passes=False),
        scratch_types=[
            pltpu.VMEM((E // NW,), jnp.int32),
            pltpu.VMEM((C1, B1), jnp.int32),
            pltpu.VMEM((B1, D), jnp.float32),
            pltpu.VMEM((B1, D), jnp.float32),
            pltpu.VMEM_SHARED((NP, D), jnp.float32),
            pltpu.SemaphoreType.DMA,
            pltpu.SemaphoreType.DMA,
        ],
    )(xs, src_f, dst_r, zeros_bd)


EPW = E // NW
PPW = 2 * E // NW
B2P = 128
C2P = 79
EPWP = C2P * B2P


def _spmm2_body(gsx_hbm, gsy_hbm, srcp_hbm, dstp_hbm, px_hbm, py_hbm,
                srcf_v, dst_v, gsx_v, gsy_v, rx_v, ry_v, rx2_v, ry2_v,
                zero_v, accx_s, accy_s, semx, semy, semx2, semy2):
    cid = lax.axis_index("c")
    sid = lax.axis_index("s")
    wid = cid * NS + sid

    _zero_fill(zero_v, RPT)
    pltpu.sync_copy(zero_v, accx_s.at[pl.ds(sid * RPT, RPT)])
    pltpu.sync_copy(zero_v, accy_s.at[pl.ds(sid * RPT, RPT)])
    pltpu.sync_copy(gsx_hbm, gsx_v)
    pltpu.sync_copy(gsy_hbm, gsy_v)
    pltpu.sync_copy(srcp_hbm.at[wid], srcf_v)
    pltpu.sync_copy(dstp_hbm.at[wid], dst_v)
    plsc.subcore_barrier()

    def build_fire(j, rx, ry, sx, sy):
        for m in range(B2P // L):
            s = pl.ds(m * L, L)
            si = srcf_v[pl.ds(j * B2P + m * L, L)]
            rx[s] = plsc.load_gather(gsx_v, [si])
            ry[s] = plsc.load_gather(gsy_v, [si])
        pltpu.async_copy(rx, accx_s.at[dst_v.at[j]], sx, add=True)
        pltpu.async_copy(ry, accy_s.at[dst_v.at[j]], sy, add=True)

    def chunk(j, carry):
        @pl.when(j % 2 == 0)
        def _():
            @pl.when(j >= 2)
            def _():
                pltpu.make_async_copy(rx_v, accx_s.at[dst_v.at[0]],
                                      semx).wait()
                pltpu.make_async_copy(ry_v, accy_s.at[dst_v.at[0]],
                                      semy).wait()
            build_fire(j, rx_v, ry_v, semx, semy)

        @pl.when(j % 2 == 1)
        def _():
            @pl.when(j >= 2)
            def _():
                pltpu.make_async_copy(rx2_v, accx_s.at[dst_v.at[0]],
                                      semx2).wait()
                pltpu.make_async_copy(ry2_v, accy_s.at[dst_v.at[0]],
                                      semy2).wait()
            build_fire(j, rx2_v, ry2_v, semx2, semy2)

        return carry

    lax.fori_loop(0, C2P, chunk, 0)
    pltpu.make_async_copy(rx_v, accx_s.at[dst_v.at[0]], semx).wait()
    pltpu.make_async_copy(ry_v, accy_s.at[dst_v.at[0]], semy).wait()
    pltpu.make_async_copy(rx2_v, accx_s.at[dst_v.at[0]], semx2).wait()
    pltpu.make_async_copy(ry2_v, accy_s.at[dst_v.at[0]], semy2).wait()
    plsc.subcore_barrier()

    rbase = sid * RPT
    pltpu.sync_copy(accx_s.at[pl.ds(rbase, RPT)], zero_v)
    pltpu.sync_copy(zero_v, px_hbm.at[pl.ds(cid * NP + rbase, RPT)])
    pltpu.sync_copy(accy_s.at[pl.ds(rbase, RPT)], zero_v)
    pltpu.sync_copy(zero_v, py_hbm.at[pl.ds(cid * NP + rbase, RPT)])


def _spmm2_partials(gsx, gsy, srcp, dstp):
    mesh = plsc.VectorSubcoreMesh(core_axis_name="c", subcore_axis_name="s")
    return pl.kernel(
        _spmm2_body,
        out_type=(
            jax.ShapeDtypeStruct((NC * NP,), jnp.float32),
            jax.ShapeDtypeStruct((NC * NP,), jnp.float32),
        ),
        mesh=mesh,
        compiler_params=pltpu.CompilerParams(needs_layout_passes=False),
        scratch_types=[
            pltpu.VMEM((EPWP,), jnp.int32),
            pltpu.VMEM((C2P, B2P), jnp.int32),
            pltpu.VMEM((NP,), jnp.float32),
            pltpu.VMEM((NP,), jnp.float32),
            pltpu.VMEM((B2P,), jnp.float32),
            pltpu.VMEM((B2P,), jnp.float32),
            pltpu.VMEM((B2P,), jnp.float32),
            pltpu.VMEM((B2P,), jnp.float32),
            pltpu.VMEM((RPT,), jnp.float32),
            pltpu.VMEM_SHARED((NP,), jnp.float32),
            pltpu.VMEM_SHARED((NP,), jnp.float32),
            pltpu.SemaphoreType.DMA,
            pltpu.SemaphoreType.DMA,
            pltpu.SemaphoreType.DMA,
            pltpu.SemaphoreType.DMA,
        ],
    )(gsx, gsy, srcp, dstp)


def _embdist_body(px_hbm, py_hbm, t2x_hbm, t2y_hbm, dinv_hbm,
                  src_hbm, dst_hbm, rn_hbm, cn_hbm,
                  embx_hbm, emby_hbm, ss_hbm,
                  ax_v, ay_v, bx_v, by_v, dv_v,
                  embx_s, emby_s, exf_v, eyf_v, paf_v, pbf_v, ssw_v):
    cid = lax.axis_index("c")
    sid = lax.axis_index("s")
    wid = cid * NS + sid

    rbase = sid * RPT
    pltpu.sync_copy(px_hbm.at[pl.ds(rbase, RPT)], ax_v)
    pltpu.sync_copy(px_hbm.at[pl.ds(NP + rbase, RPT)], bx_v)
    pltpu.sync_copy(py_hbm.at[pl.ds(rbase, RPT)], ay_v)
    pltpu.sync_copy(py_hbm.at[pl.ds(NP + rbase, RPT)], by_v)
    pltpu.sync_copy(dinv_hbm.at[pl.ds(rbase, RPT)], dv_v)

    def emb_rowx(k, carry):
        s = pl.ds(k * L, L)
        ax_v[s] = dv_v[s] * (ax_v[s] + bx_v[s])
        ay_v[s] = dv_v[s] * (ay_v[s] + by_v[s])
        return carry

    lax.fori_loop(0, RPT // L, emb_rowx, 0)
    pltpu.sync_copy(t2x_hbm.at[pl.ds(rbase, RPT)], bx_v)
    pltpu.sync_copy(t2y_hbm.at[pl.ds(rbase, RPT)], by_v)

    def emb_rowy(k, carry):
        s = pl.ds(k * L, L)
        ax_v[s] = ax_v[s] + bx_v[s]
        ay_v[s] = ay_v[s] + by_v[s]
        return carry

    lax.fori_loop(0, RPT // L, emb_rowy, 0)
    pltpu.sync_copy(ax_v, embx_s.at[pl.ds(rbase, RPT)])
    pltpu.sync_copy(ay_v, emby_s.at[pl.ds(rbase, RPT)])

    @pl.when(cid == 0)
    def _():
        pltpu.sync_copy(ax_v, embx_hbm.at[pl.ds(rbase, RPT)])
        pltpu.sync_copy(ay_v, emby_hbm.at[pl.ds(rbase, RPT)])

    plsc.subcore_barrier()

    pltpu.sync_copy(embx_s, exf_v)
    pltpu.sync_copy(emby_s, eyf_v)
    pbase = wid * PPW

    @pl.when(wid < NS)
    def _():
        pltpu.sync_copy(src_hbm.at[pl.ds(wid * PPW, PPW)], paf_v)
        pltpu.sync_copy(dst_hbm.at[pl.ds(wid * PPW, PPW)], pbf_v)

    @pl.when(wid >= NS)
    def _():
        pltpu.sync_copy(rn_hbm.at[pl.ds((wid - NS) * PPW, PPW)], paf_v)
        pltpu.sync_copy(cn_hbm.at[pl.ds((wid - NS) * PPW, PPW)], pbf_v)

    def pvec(v, carry):
        for r in range(5):
            s = pl.ds((v * 5 + r) * L, L)
            a = paf_v[s]
            b = pbf_v[s]
            dx = plsc.load_gather(exf_v, [a]) - plsc.load_gather(exf_v, [b])
            dy = plsc.load_gather(eyf_v, [a]) - plsc.load_gather(eyf_v, [b])
            ssw_v[s] = dx * dx + dy * dy
        return carry

    lax.fori_loop(0, PPW // L // 5, pvec, 0)
    pltpu.sync_copy(ssw_v, ss_hbm.at[pl.ds(pbase, PPW)])


def _embdist(px, py, t2x, t2y, dinv, src, dst, rn, cn):
    mesh = plsc.VectorSubcoreMesh(core_axis_name="c", subcore_axis_name="s")
    return pl.kernel(
        _embdist_body,
        out_type=(
            jax.ShapeDtypeStruct((NP,), jnp.float32),
            jax.ShapeDtypeStruct((NP,), jnp.float32),
            jax.ShapeDtypeStruct((2 * E,), jnp.float32),
        ),
        mesh=mesh,
        compiler_params=pltpu.CompilerParams(needs_layout_passes=False),
        scratch_types=[
            pltpu.VMEM((RPT,), jnp.float32),
            pltpu.VMEM((RPT,), jnp.float32),
            pltpu.VMEM((RPT,), jnp.float32),
            pltpu.VMEM((RPT,), jnp.float32),
            pltpu.VMEM((RPT,), jnp.float32),
            pltpu.VMEM_SHARED((NP,), jnp.float32),
            pltpu.VMEM_SHARED((NP,), jnp.float32),
            pltpu.VMEM((NP,), jnp.float32),
            pltpu.VMEM((NP,), jnp.float32),
            pltpu.VMEM((PPW,), jnp.int32),
            pltpu.VMEM((PPW,), jnp.int32),
            pltpu.VMEM((PPW,), jnp.float32),
        ],
    )(px, py, t2x, t2y, dinv, src, dst, rn, cn)


def _prep_body(degp_ref, x_ref, xs_ref, dinv_ref, dinv2_ref):
    deg = degp_ref[0, :] + degp_ref[1, :] + 1.0
    dinv = lax.rsqrt(deg)
    dinv_ref[...] = dinv
    dinv2_ref[...] = dinv * dinv
    xs_ref[pl.ds(0, N), :] = dinv[:N, None] * x_ref[...]
    xs_ref[pl.ds(N, NP - N), :] = jnp.zeros((NP - N, D), jnp.float32)


def _prep(deg_p, x):
    return pl.pallas_call(
        _prep_body,
        out_shape=(
            jax.ShapeDtypeStruct((NP, D), jnp.float32),
            jax.ShapeDtypeStruct((NP,), jnp.float32),
            jax.ShapeDtypeStruct((NP,), jnp.float32),
        ),
    )(deg_p.reshape(NC, NP), x)


_RB = 1024


def _mlp_body(p_ref, xs_ref, dinv_ref, dinv2_ref, w1_ref, b1_ref, w2_ref,
              b2_ref, gsx_ref, gsy_ref, t2x_ref, t2y_ref):
    dinv = dinv_ref[...]
    dinv2 = dinv2_ref[...]
    out1 = dinv[:, None] * (p_ref[0, :, :] + p_ref[1, :, :] + xs_ref[...])
    h = jnp.maximum(
        jnp.dot(out1, w1_ref[...], preferred_element_type=jnp.float32)
        + b1_ref[...], 0.0)
    g = jnp.dot(h, w2_ref[...], preferred_element_type=jnp.float32)
    gsx_ref[...] = dinv * g[:, 0]
    gsy_ref[...] = dinv * g[:, 1]
    t2x_ref[...] = dinv2 * g[:, 0] + b2_ref[0]
    t2y_ref[...] = dinv2 * g[:, 1] + b2_ref[1]


def _mlp(acc_p, xs, dinv, dinv2, W1, b1, W2, b2):
    grid = NP // _RB
    return pl.pallas_call(
        _mlp_body,
        grid=(grid,),
        in_specs=[
            pl.BlockSpec((NC, _RB, D), lambda i: (0, i, 0)),
            pl.BlockSpec((_RB, D), lambda i: (i, 0)),
            pl.BlockSpec((_RB,), lambda i: (i,)),
            pl.BlockSpec((_RB,), lambda i: (i,)),
            pl.BlockSpec((D, 256), lambda i: (0, 0)),
            pl.BlockSpec((256,), lambda i: (0,)),
            pl.BlockSpec((256, 2), lambda i: (0, 0)),
            pl.BlockSpec((2,), lambda i: (0,)),
        ],
        out_specs=[
            pl.BlockSpec((_RB,), lambda i: (i,)),
            pl.BlockSpec((_RB,), lambda i: (i,)),
            pl.BlockSpec((_RB,), lambda i: (i,)),
            pl.BlockSpec((_RB,), lambda i: (i,)),
        ],
        out_shape=[
            jax.ShapeDtypeStruct((NP,), jnp.float32),
            jax.ShapeDtypeStruct((NP,), jnp.float32),
            jax.ShapeDtypeStruct((NP,), jnp.float32),
            jax.ShapeDtypeStruct((NP,), jnp.float32),
        ],
    )(acc_p.reshape(NC, NP, D), xs, dinv, dinv2, W1, b1, W2, b2)


_QB = 128000


def _q_body(ss_ref, q_ref):
    ss = ss_ref[...]
    q_ref[...] = 1.0 / (1.0 + ALPHA * jnp.power(ss + 1e-12, BETA))


def _q_from_ss(ss):
    return pl.pallas_call(
        _q_body,
        grid=(2 * E // _QB,),
        in_specs=[pl.BlockSpec((_QB,), lambda i: (i,))],
        out_specs=pl.BlockSpec((_QB,), lambda i: (i,)),
        out_shape=jax.ShapeDtypeStruct((2 * E,), jnp.float32),
    )(ss)


def kernel(features, edge_index, row_neg, col_neg, W1, b1, W2, b2):
    src = edge_index[0]
    dst = edge_index[1]

    dst_r = dst.reshape(NW, C1, B1)
    src_f = src.reshape(NW, EPW)
    padrow = N + jnp.arange(EPWP - EPW, dtype=jnp.int32)
    padrows = jnp.broadcast_to(padrow, (NW, EPWP - EPW))
    srcp = jnp.concatenate([src.reshape(NW, EPW), padrows], axis=1)
    dstp = jnp.concatenate(
        [dst.reshape(NW, EPW), padrows], axis=1).reshape(NW, C2P, B2P)

    deg_p = _deg_partials(dst_r)
    xs, dinv, dinv2 = _prep(deg_p, features)

    acc_p = _spmm_partials(xs, src_f, dst_r, jnp.zeros((B1, D), jnp.float32))
    gsx, gsy, t2x, t2y = _mlp(acc_p, xs, dinv, dinv2, W1, b1, W2, b2)

    px, py = _spmm2_partials(gsx, gsy, srcp, dstp)
    embx, emby, ss = _embdist(px, py, t2x, t2y, dinv,
                              src, dst, row_neg, col_neg)
    emb = jnp.stack([embx[:N], emby[:N]], axis=1)

    q = _q_from_ss(ss)
    return (emb, q)

# --- scband reference (transcript-rebuilt; emitter-appended) ---
"""Pipeline reference for scband-gnumap2-47777216201257 (READ-ONLY COPY).

The authoritative reference and input builder live on the scoring server;
editing this copy changes nothing except your own understanding.
"""

import jax, jax.numpy as jnp
import numpy as np

N = 10000
E = 320000
D_IN = 128
D_HID = 256
D_OUT = 2
# alpha, beta from UMAP curve_fit with spread=5, min_dist=0.001 (precomputed; scipy-free)
ALPHA = 0.0813
BETA = 0.947


def setup_inputs(seed: int = 0) -> dict:
    key = jax.random.key(seed)
    k1, k2, k3, k4, k5, k6 = jax.random.split(key, 6)
    features = jax.random.normal(k1, (N, D_IN), dtype=jnp.float32)
    edge_index = jax.random.randint(k2, (2, E), 0, N, dtype=jnp.int32)
    row_neg = jax.random.randint(k3, (E,), 0, N, dtype=jnp.int32)
    col_neg = jax.random.randint(k4, (E,), 0, N, dtype=jnp.int32)
    # GCN parameters (2 layers: in_dim->nhid, nhid->out_dim), glorot-ish init
    W1 = jax.random.normal(k5, (D_IN, D_HID), dtype=jnp.float32) * (1.0 / np.sqrt(D_IN))
    b1 = jnp.zeros((D_HID,), dtype=jnp.float32)
    W2 = jax.random.normal(k6, (D_HID, D_OUT), dtype=jnp.float32) * (1.0 / np.sqrt(D_HID))
    b2 = jnp.zeros((D_OUT,), dtype=jnp.float32)
    return {"features": features, "edge_index": edge_index, "row_neg": row_neg,
            "col_neg": col_neg, "W1": W1, "b1": b1, "W2": W2, "b2": b2}


def _gcn_layer(x, src, dst, W, b):
    # x' = D^{-1/2} (A + I) D^{-1/2} (x W) + b
    h = x @ W
    loop = jnp.arange(N, dtype=src.dtype)
    src_ = jnp.concatenate([src, loop], axis=0)
    dst_ = jnp.concatenate([dst, loop], axis=0)
    deg = jax.ops.segment_sum(jnp.ones_like(src_, dtype=h.dtype), dst_, num_segments=N)
    dinv = jax.lax.rsqrt(jnp.maximum(deg, 1e-12))
    norm = dinv[src_] * dinv[dst_]
    msg = h[src_] * norm[:, None]
    out = jax.ops.segment_sum(msg, dst_, num_segments=N) + b
    return out


def reference(features, edge_index, row_neg, col_neg, W1, b1, W2, b2):
    src = edge_index[0]
    dst = edge_index[1]
    h = jax.nn.relu(_gcn_layer(features, src, dst, W1, b1))
    current_embedding = _gcn_layer(h, src, dst, W2, b2)
    source_embeddings = current_embedding[src]
    target_embeddings = current_embedding[dst]
    pos_diff = source_embeddings - target_embeddings
    pos_p_norm = jnp.sqrt(jnp.sum(pos_diff * pos_diff, axis=1) + 1e-12)
    source_neg = current_embedding[row_neg]
    target_neg = current_embedding[col_neg]
    neg_diff = source_neg - target_neg
    neg_p_norm = jnp.sqrt(jnp.sum(neg_diff * neg_diff, axis=1) + 1e-12)
    lowdim_dist = jnp.concatenate([pos_p_norm, neg_p_norm], axis=0)
    q = 1.0 / (1.0 + ALPHA * jnp.power(lowdim_dist, 2.0 * BETA))
    return (current_embedding, q)

if __name__ == "__main__":
    import jax
    _d = setup_inputs()
    print(jax.jit(kernel)(*tuple(_d.values())))

</pallas_src>

<mosaic_0001>
#map = affine_map<(d0, d1) -> (0)>
#map1 = affine_map<(d0, d1) -> (0, 0)>
#map2 = affine_map<(d0, d1) -> (0, 0, 0)>
module attributes {stable_mosaic.version = 14 : i64} {
  func.func @_spmm2_body(%arg0: i32, %arg1: i32, %arg2: memref<10240xf32, #tpu.memory_space<hbm>>, %arg3: memref<10240xf32, #tpu.memory_space<hbm>>, %arg4: memref<32x10112xi32, #tpu.memory_space<hbm>>, %arg5: memref<32x79x128xi32, #tpu.memory_space<hbm>>, %arg6: memref<20480xf32, #tpu.memory_space<hbm>>, %arg7: memref<20480xf32, #tpu.memory_space<hbm>>, %arg8: memref<10112xi32, #tpu.memory_space<vmem>>, %arg9: memref<79x128xi32, #tpu.memory_space<vmem>>, %arg10: memref<10240xf32, #tpu.memory_space<vmem>>, %arg11: memref<10240xf32, #tpu.memory_space<vmem>>, %arg12: memref<128xf32, #tpu.memory_space<vmem>>, %arg13: memref<128xf32, #tpu.memory_space<vmem>>, %arg14: memref<128xf32, #tpu.memory_space<vmem>>, %arg15: memref<128xf32, #tpu.memory_space<vmem>>, %arg16: memref<640xf32, #tpu.memory_space<vmem>>, %arg17: memref<10240xf32, #tpu.memory_space<vmem_shared>>, %arg18: memref<10240xf32, #tpu.memory_space<vmem_shared>>, %arg19: memref<!tpu.dma_semaphore, #tpu.memory_space<semaphore_mem>>, %arg20: memref<!tpu.dma_semaphore, #tpu.memory_space<semaphore_mem>>, %arg21: memref<!tpu.dma_semaphore, #tpu.memory_space<semaphore_mem>>, %arg22: memref<!tpu.dma_semaphore, #tpu.memory_space<semaphore_mem>>) attributes {dimension_semantics = [#tpu.dimension_semantics<core_parallel>, #tpu.dimension_semantics<subcore_parallel>], iteration_bounds = array<i64: 2, 16>, scalar_prefetch = 0 : i64, scratch_operands = 15 : i64, tpu.core_type = #tpu.core_type<sc_vector_subcore>, window_params = [{transform_indices = #map}, {transform_indices = #map}, {transform_indices = #map1}, {transform_indices = #map2}, {transform_indices = #map}, {transform_indices = #map}]} {
    %mul3A = arith.constant 16 : i32
    %mul3A_0 = arith.muli %arg0, %mul3A : i32
    %add3A = arith.addi %mul3A_0, %arg1 : i32
    %scan3A = arith.constant 0 : i32
    %scan3A_1 = arith.constant 0 : i32
    %scan3A_2 = arith.constant 40 : i32
    %scan3A_3 = arith.addi %scan3A_1, %scan3A_2 : i32
    %scan3A_4 = arith.constant 1 : i32
    scf.for %scan3A_48 = %scan3A_1 to %scan3A_3 step %scan3A_4  : i32 {
      %broadcast_in_dim3A = arith.constant 0.000000e+00 : f32
      %broadcast_in_dim3A_49 = vector.broadcast %broadcast_in_dim3A : f32 to vector<16xf32>
      %mul3A_50 = arith.constant 16 : i32
      %mul3A_51 = arith.muli %scan3A_48, %mul3A_50 : i32
      %swap3A = arith.index_cast %mul3A_51 : i32 to index
      %swap3A_52 = tpu.vector_load %arg16[%swap3A] {strides = array<i32>} : memref<640xf32, #tpu.memory_space<vmem>>, vector<16xf32>,
      tpu.vector_store %arg16[%swap3A], %broadcast_in_dim3A_49 {strides = array<i32>} : memref<640xf32, #tpu.memory_space<vmem>>, vector<16xf32>,
    }
    %scan3A_5 = arith.constant 40 : i32
    %mul3A_6 = arith.constant 640 : i32
    %mul3A_7 = arith.muli %arg1, %mul3A_6 : i32
    "tpu.region"() ({
      %run_scoped3A = tpu.sem_alloc : memref<!tpu.dma_semaphore, #tpu.memory_space<semaphore_mem>>
      %dma_start3A = tpu.memref_slice %arg17[%mul3A_7] : memref<10240xf32, #tpu.memory_space<vmem_shared>> -> memref<640xf32, #tpu.memory_space<vmem_shared>>
      %dma_start3A_48 = tpu.memref_slice %arg17[%mul3A_7] : memref<10240xf32, #tpu.memory_space<vmem_shared>> -> memref<640xf32, #tpu.memory_space<vmem_shared>>
      tpu.enqueue_dma source(%arg16 : memref<640xf32, #tpu.memory_space<vmem>>) target(%dma_start3A_48 : memref<640xf32, #tpu.memory_space<vmem_shared>>) target_semaphore(%run_scoped3A : memref<!tpu.dma_semaphore, #tpu.memory_space<semaphore_mem>>)
      %dma_wait3A_49 = tpu.memref_slice %arg17[%mul3A_7] : memref<10240xf32, #tpu.memory_space<vmem_shared>> -> memref<640xf32, #tpu.memory_space<vmem_shared>>
      %dma_wait3A_50 = tpu.memref_slice %arg17[%mul3A_7] : memref<10240xf32, #tpu.memory_space<vmem_shared>> -> memref<640xf32, #tpu.memory_space<vmem_shared>>
      tpu.wait_dma2 semaphore(%run_scoped3A : memref<!tpu.dma_semaphore, #tpu.memory_space<semaphore_mem>>) src(%arg16 : memref<640xf32, #tpu.memory_space<vmem>>) dst(%dma_wait3A_50 : memref<640xf32, #tpu.memory_space<vmem_shared>>)
      tpu.yield
    }) : () -> ()
    %mul3A_8 = arith.constant 640 : i32
    %mul3A_9 = arith.muli %arg1, %mul3A_8 : i32
    "tpu.region"() ({
      %run_scoped3A = tpu.sem_alloc : memref<!tpu.dma_semaphore, #tpu.memory_space<semaphore_mem>>
      %dma_start3A = tpu.memref_slice %arg18[%mul3A_9] : memref<10240xf32, #tpu.memory_space<vmem_shared>> -> memref<640xf32, #tpu.memory_space<vmem_shared>>
      %dma_start3A_48 = tpu.memref_slice %arg18[%mul3A_9] : memref<10240xf32, #tpu.memory_space<vmem_shared>> -> memref<640xf32, #tpu.memory_space<vmem_shared>>
      tpu.enqueue_dma source(%arg16 : memref<640xf32, #tpu.memory_space<vmem>>) target(%dma_start3A_48 : memref<640xf32, #tpu.memory_space<vmem_shared>>) target_semaphore(%run_scoped3A : memref<!tpu.dma_semaphore, #tpu.memory_space<semaphore_mem>>)
      %dma_wait3A_49 = tpu.memref_slice %arg18[%mul3A_9] : memref<10240xf32, #tpu.memory_space<vmem_shared>> -> memref<640xf32, #tpu.memory_space<vmem_shared>>
      %dma_wait3A_50 = tpu.memref_slice %arg18[%mul3A_9] : memref<10240xf32, #tpu.memory_space<vmem_shared>> -> memref<640xf32, #tpu.memory_space<vmem_shared>>
      tpu.wait_dma2 semaphore(%run_scoped3A : memref<!tpu.dma_semaphore, #tpu.memory_space<semaphore_mem>>) src(%arg16 : memref<640xf32, #tpu.memory_space<vmem>>) dst(%dma_wait3A_50 : memref<640xf32, #tpu.memory_space<vmem_shared>>)
      tpu.yield
    }) : () -> ()
    "tpu.region"() ({
      %run_scoped3A = tpu.sem_alloc : memref<!tpu.dma_semaphore, #tpu.memory_space<semaphore_mem>>
      tpu.enqueue_dma source(%arg2 : memref<10240xf32, #tpu.memory_space<hbm>>) target(%arg10 : memref<10240xf32, #tpu.memory_space<vmem>>) target_semaphore(%run_scoped3A : memref<!tpu.dma_semaphore, #tpu.memory_space<semaphore_mem>>)
      tpu.wait_dma2 semaphore(%run_scoped3A : memref<!tpu.dma_semaphore, #tpu.memory_space<semaphore_mem>>) src(%arg2 : memref<10240xf32, #tpu.memory_space<hbm>>) dst(%arg10 : memref<10240xf32, #tpu.memory_space<vmem>>)
      tpu.yield
    }) : () -> ()
    "tpu.region"() ({
      %run_scoped3A = tpu.sem_alloc : memref<!tpu.dma_semaphore, #tpu.memory_space<semaphore_mem>>
      tpu.enqueue_dma source(%arg3 : memref<10240xf32, #tpu.memory_space<hbm>>) target(%arg11 : memref<10240xf32, #tpu.memory_space<vmem>>) target_semaphore(%run_scoped3A : memref<!tpu.dma_semaphore, #tpu.memory_space<semaphore_mem>>)
      tpu.wait_dma2 semaphore(%run_scoped3A : memref<!tpu.dma_semaphore, #tpu.memory_space<semaphore_mem>>) src(%arg3 : memref<10240xf32, #tpu.memory_space<hbm>>) dst(%arg11 : memref<10240xf32, #tpu.memory_space<vmem>>)
      tpu.yield
    }) : () -> ()
    "tpu.region"() ({
      %run_scoped3A = tpu.sem_alloc : memref<!tpu.dma_semaphore, #tpu.memory_space<semaphore_mem>>
      %dma_start3A = arith.constant 0 : i32
      %dma_start3A_48 = tpu.memref_slice %arg4[%add3A, %dma_start3A] : memref<32x10112xi32, #tpu.memory_space<hbm>> -> memref<1x10112xi32, #tpu.memory_space<hbm>>
      %dma_start3A_49 = tpu.memref_squeeze %dma_start3A_48 : memref<1x10112xi32, #tpu.memory_space<hbm>> -> memref<10112xi32, #tpu.memory_space<hbm>>
      %dma_start3A_50 = arith.constant 0 : i32
      %dma_start3A_51 = tpu.memref_slice %arg4[%add3A, %dma_start3A_50] : memref<32x10112xi32, #tpu.memory_space<hbm>> -> memref<1x10112xi32, #tpu.memory_space<hbm>>
      %dma_start3A_52 = tpu.memref_squeeze %dma_start3A_51 : memref<1x10112xi32, #tpu.memory_space<hbm>> -> memref<10112xi32, #tpu.memory_space<hbm>>
      tpu.enqueue_dma source(%dma_start3A_52 : memref<10112xi32, #tpu.memory_space<hbm>>) target(%arg8 : memref<10112xi32, #tpu.memory_space<vmem>>) target_semaphore(%run_scoped3A : memref<!tpu.dma_semaphore, #tpu.memory_space<semaphore_mem>>)
      %dma_wait3A_53 = arith.constant 0 : i32
      %dma_wait3A_54 = tpu.memref_slice %arg4[%add3A, %dma_wait3A_53] : memref<32x10112xi32, #tpu.memory_space<hbm>> -> memref<1x10112xi32, #tpu.memory_space<hbm>>
      %dma_wait3A_55 = tpu.memref_squeeze %dma_wait3A_54 : memref<1x10112xi32, #tpu.memory_space<hbm>> -> memref<10112xi32, #tpu.memory_space<hbm>>
      %dma_wait3A_56 = arith.constant 0 : i32
      %dma_wait3A_57 = tpu.memref_slice %arg4[%add3A, %dma_wait3A_56] : memref<32x10112xi32, #tpu.memory_space<hbm>> -> memref<1x10112xi32, #tpu.memory_space<hbm>>
      %dma_wait3A_58 = tpu.memref_squeeze %dma_wait3A_57 : memref<1x10112xi32, #tpu.memory_space<hbm>> -> memref<10112xi32, #tpu.memory_space<hbm>>
      tpu.wait_dma2 semaphore(%run_scoped3A : memref<!tpu.dma_semaphore, #tpu.memory_space<semaphore_mem>>) src(%dma_wait3A_58 : memref<10112xi32, #tpu.memory_space<hbm>>) dst(%arg8 : memref<10112xi32, #tpu.memory_space<vmem>>)
      tpu.yield
    }) : () -> ()
    "tpu.region"() ({
      %run_scoped3A = tpu.sem_alloc : memref<!tpu.dma_semaphore, #tpu.memory_space<semaphore_mem>>
      %dma_start3A = arith.constant 0 : i32
      %dma_start3A_48 = arith.constant 0 : i32
      %dma_start3A_49 = tpu.memref_slice %arg5[%add3A, %dma_start3A, %dma_start3A_48] : memref<32x79x128xi32, #tpu.memory_space<hbm>> -> memref<1x79x128xi32, #tpu.memory_space<hbm>>
      %dma_start3A_50 = tpu.memref_squeeze %dma_start3A_49 : memref<1x79x128xi32, #tpu.memory_space<hbm>> -> memref<79x128xi32, #tpu.memory_space<hbm>>
      %dma_start3A_51 = arith.constant 0 : i32
      %dma_start3A_52 = arith.constant 0 : i32
      %dma_start3A_53 = tpu.memref_slice %arg5[%add3A, %dma_start3A_51, %dma_start3A_52] : memref<32x79x128xi32, #tpu.memory_space<hbm>> -> memref<1x79x128xi32, #tpu.memory_space<hbm>>
      %dma_start3A_54 = tpu.memref_squeeze %dma_start3A_53 : memref<1x79x128xi32, #tpu.memory_space<hbm>> -> memref<79x128xi32, #tpu.memory_space<hbm>>
      tpu.enqueue_dma source(%dma_start3A_54 : memref<79x128xi32, #tpu.memory_space<hbm>>) target(%arg9 : memref<79x128xi32, #tpu.memory_space<vmem>>) target_semaphore(%run_scoped3A : memref<!tpu.dma_semaphore, #tpu.memory_space<semaphore_mem>>)
      %dma_wait3A_55 = arith.constant 0 : i32
      %dma_wait3A_56 = arith.constant 0 : i32
      %dma_wait3A_57 = tpu.memref_slice %arg5[%add3A, %dma_wait3A_55, %dma_wait3A_56] : memref<32x79x128xi32, #tpu.memory_space<hbm>> -> memref<1x79x128xi32, #tpu.memory_space<hbm>>
      %dma_wait3A_58 = tpu.memref_squeeze %dma_wait3A_57 : memref<1x79x128xi32, #tpu.memory_space<hbm>> -> memref<79x128xi32, #tpu.memory_space<hbm>>
      %dma_wait3A_59 = arith.constant 0 : i32
      %dma_wait3A_60 = arith.constant 0 : i32
      %dma_wait3A_61 = tpu.memref_slice %arg5[%add3A, %dma_wait3A_59, %dma_wait3A_60] : memref<32x79x128xi32, #tpu.memory_space<hbm>> -> memref<1x79x128xi32, #tpu.memory_space<hbm>>
      %dma_wait3A_62 = tpu.memref_squeeze %dma_wait3A_61 : memref<1x79x128xi32, #tpu.memory_space<hbm>> -> memref<79x128xi32, #tpu.memory_space<hbm>>
      tpu.wait_dma2 semaphore(%run_scoped3A : memref<!tpu.dma_semaphore, #tpu.memory_space<semaphore_mem>>) src(%dma_wait3A_62 : memref<79x128xi32, #tpu.memory_space<hbm>>) dst(%arg9 : memref<79x128xi32, #tpu.memory_space<vmem>>)
      tpu.yield
    }) : () -> ()
    %barrier3A = arith.constant 0 : index
    tpu.barrier barrier_id(%barrier3A)
    %scan3A_10 = arith.constant 0 : i32
    %scan3A_11 = arith.constant 0 : i32
    %scan3A_12 = arith.constant 79 : i32
    %scan3A_13 = arith.addi %scan3A_11, %scan3A_12 : i32
    %scan3A_14 = arith.constant 1 : i32
    scf.for %scan3A_48 = %scan3A_11 to %scan3A_13 step %scan3A_14  : i32 {
      %jit3A = arith.constant 2 : i32
      %eq3A = arith.constant 0 : i32
      %eq3A_49 = arith.cmpi eq, %jit3A, %eq3A : i32
      %jit3A_50 = arith.constant 1 : i32
      %select_n3A = arith.select %eq3A_49, %jit3A_50, %jit3A : i32
      %rem3A = arith.remsi %scan3A_48, %select_n3A : i32
      %ne3A = arith.constant 0 : i32
      %ne3A_51 = arith.cmpi ne, %rem3A, %ne3A : i32
      %lt3A = arith.constant 0 : i32
      %lt3A_52 = arith.cmpi slt, %rem3A, %lt3A : i32
      %lt3A_53 = arith.constant 0 : i32
      %lt3A_54 = arith.cmpi slt, %select_n3A, %lt3A_53 : i32
      %ne3A_55 = arith.xori %lt3A_52, %lt3A_54 : i1
      %and3A = arith.andi %ne3A_55, %ne3A_51 : i1
      %add3A_56 = arith.addi %rem3A, %select_n3A : i32
      %select_n3A_57 = arith.select %and3A, %add3A_56, %rem3A : i32
      %eq3A_58 = arith.constant 0 : i32
      %eq3A_59 = arith.cmpi eq, %select_n3A_57, %eq3A_58 : i32
      %convert_element_type3A = arith.extui %eq3A_59 : i1 to i32
      %cond3A = arith.constant 0 : i32
      %cond3A_60 = arith.cmpi ne, %convert_element_type3A, %cond3A : i32
      scf.if %cond3A_60 {
        %ge3A = arith.constant 2 : i32
        %ge3A_82 = arith.cmpi sge, %scan3A_48, %ge3A : i32
        %convert_element_type3A_83 = arith.extui %ge3A_82 : i1 to i32
        %cond3A_84 = arith.constant 0 : i32
        %cond3A_85 = arith.cmpi ne, %convert_element_type3A_83, %cond3A_84 : i32
        scf.if %cond3A_85 {
          %dma_wait3A_188 = arith.constant 0 : i32
          %dma_wait3A_189 = arith.constant 0 : i32
          %dma_wait3A_190 = tpu.memref_slice %arg9[%dma_wait3A_188, %dma_wait3A_189] : memref<79x128xi32, #tpu.memory_space<vmem>> -> memref<1x128xi32, #tpu.memory_space<vmem>>
          %dma_wait3A_191 = tpu.memref_squeeze %dma_wait3A_190 : memref<1x128xi32, #tpu.memory_space<vmem>> -> memref<128xi32, #tpu.memory_space<vmem>>
          %dma_wait3A_192 = arith.constant 0 : i32
          %dma_wait3A_193 = tpu.memref_slice %arg17[%dma_wait3A_192] : memref<10240xf32, #tpu.memory_space<vmem_shared>> -> memref<10240xf32, #tpu.memory_space<vmem_shared>>
          tpu.wait_indirect_dma semaphore(%arg19 : memref<!tpu.dma_semaphore, #tpu.memory_space<semaphore_mem>>) src(%arg12 : memref<128xf32, #tpu.memory_space<vmem>>) dst(%dma_wait3A_193 : memref<10240xf32, #tpu.memory_space<vmem_shared>>)
          %dma_wait3A_194 = arith.constant 0 : i32
          %dma_wait3A_195 = arith.constant 0 : i32
          %dma_wait3A_196 = tpu.memref_slice %arg9[%dma_wait3A_194, %dma_wait3A_195] : memref<79x128xi32, #tpu.memory_space<vmem>> -> memref<1x128xi32, #tpu.memory_space<vmem>>
          %dma_wait3A_197 = tpu.memref_squeeze %dma_wait3A_196 : memref<1x128xi32, #tpu.memory_space<vmem>> -> memref<128xi32, #tpu.memory_space<vmem>>
          %dma_wait3A_198 = arith.constant 0 : i32
          %dma_wait3A_199 = tpu.memref_slice %arg18[%dma_wait3A_198] : memref<10240xf32, #tpu.memory_space<vmem_shared>> -> memref<10240xf32, #tpu.memory_space<vmem_shared>>
          tpu.wait_indirect_dma semaphore(%arg20 : memref<!tpu.dma_semaphore, #tpu.memory_space<semaphore_mem>>) src(%arg13 : memref<128xf32, #tpu.memory_space<vmem>>) dst(%dma_wait3A_199 : memref<10240xf32, #tpu.memory_space<vmem_shared>>)
        } else {
        }
        %mul3A_86 = arith.constant 128 : i32
        %mul3A_87 = arith.muli %scan3A_48, %mul3A_86 : i32
        %add3A_88 = arith.constant 0 : i32
        %add3A_89 = arith.addi %mul3A_87, %add3A_88 : i32
        %get3A = arith.index_cast %add3A_89 : i32 to index
        %get3A_90 = tpu.vector_load %arg8[%get3A] {strides = array<i32>} : memref<10112xi32, #tpu.memory_space<vmem>>, vector<16xi32>,
        %gather3A = tpu.vector_load_idx %arg10[%get3A_90] : memref<10240xf32, #tpu.memory_space<vmem>>[vector<16xi32>], vector<16xf32>,
        %swap3A = arith.constant 0 : index
        %swap3A_91 = tpu.vector_load %arg12[%swap3A] {strides = array<i32>} : memref<128xf32, #tpu.memory_space<vmem>>, vector<16xf32>,
        tpu.vector_store %arg12[%swap3A], %gather3A {strides = array<i32>} : memref<128xf32, #tpu.memory_space<vmem>>, vector<16xf32>,
        %gather3A_92 = tpu.vector_load_idx %arg11[%get3A_90] : memref<10240xf32, #tpu.memory_space<vmem>>[vector<16xi32>], vector<16xf32>,
        %swap3A_93 = arith.constant 0 : index
        %swap3A_94 = tpu.vector_load %arg13[%swap3A_93] {strides = array<i32>} : memref<128xf32, #tpu.memory_space<vmem>>, vector<16xf32>,
        tpu.vector_store %arg13[%swap3A_93], %gather3A_92 {strides = array<i32>} : memref<128xf32, #tpu.memory_space<vmem>>, vector<16xf32>,
        %mul3A_95 = arith.constant 128 : i32
        %mul3A_96 = arith.muli %scan3A_48, %mul3A_95 : i32
        %add3A_97 = arith.constant 16 : i32
        %add3A_98 = arith.addi %mul3A_96, %add3A_97 : i32
        %get3A_99 = arith.index_cast %add3A_98 : i32 to index
        %get3A_100 = tpu.vector_load %arg8[%get3A_99] {strides = array<i32>} : memref<10112xi32, #tpu.memory_space<vmem>>, vector<16xi32>,
        %gather3A_101 = tpu.vector_load_idx %arg10[%get3A_100] : memref<10240xf32, #tpu.memory_space<vmem>>[vector<16xi32>], vector<16xf32>,
        %swap3A_102 = arith.constant 16 : index
        %swap3A_103 = tpu.vector_load %arg12[%swap3A_102] {strides = array<i32>} : memref<128xf32, #tpu.memory_space<vmem>>, vector<16xf32>,
        tpu.vector_store %arg12[%swap3A_102], %gather3A_101 {strides = array<i32>} : memref<128xf32, #tpu.memory_space<vmem>>, vector<16xf32>,
        %gather3A_104 = tpu.vector_load_idx %arg11[%get3A_100] : memref<10240xf32, #tpu.memory_space<vmem>>[vector<16xi32>], vector<16xf32>,
        %swap3A_105 = arith.constant 16 : index
        %swap3A_106 = tpu.vector_load %arg13[%swap3A_105] {strides = array<i32>} : memref<128xf32, #tpu.memory_space<vmem>>, vector<16xf32>,
        tpu.vector_store %arg13[%swap3A_105], %gather3A_104 {strides = array<i32>} : memref<128xf32, #tpu.memory_space<vmem>>, vector<16xf32>,
        %mul3A_107 = arith.constant 128 : i32
        %mul3A_108 = arith.muli %scan3A_48, %mul3A_107 : i32
        %add3A_109 = arith.constant 32 : i32
        %add3A_110 = arith.addi %mul3A_108, %add3A_109 : i32
        %get3A_111 = arith.index_cast %add3A_110 : i32 to index
        %get3A_112 = tpu.vector_load %arg8[%get3A_111] {strides = array<i32>} : memref<10112xi32, #tpu.memory_space<vmem>>, vector<16xi32>,
        %gather3A_113 = tpu.vector_load_idx %arg10[%get3A_112] : memref<10240xf32, #tpu.memory_space<vmem>>[vector<16xi32>], vector<16xf32>,
        %swap3A_114 = arith.constant 32 : index
        %swap3A_115 = tpu.vector_load %arg12[%swap3A_114] {strides = array<i32>} : memref<128xf32, #tpu.memory_space<vmem>>, vector<16xf32>,
        tpu.vector_store %arg12[%swap3A_114], %gather3A_113 {strides = array<i32>} : memref<128xf32, #tpu.memory_space<vmem>>, vector<16xf32>,
        %gather3A_116 = tpu.vector_load_idx %arg11[%get3A_112] : memref<10240xf32, #tpu.memory_space<vmem>>[vector<16xi32>], vector<16xf32>,
        %swap3A_117 = arith.constant 32 : index
        %swap3A_118 = tpu.vector_load %arg13[%swap3A_117] {strides = array<i32>} : memref<128xf32, #tpu.memory_space<vmem>>, vector<16xf32>,
        tpu.vector_store %arg13[%swap3A_117], %gather3A_116 {strides = array<i32>} : memref<128xf32, #tpu.memory_space<vmem>>, vector<16xf32>,
        %mul3A_119 = arith.constant 128 : i32
        %mul3A_120 = arith.muli %scan3A_48, %mul3A_119 : i32
        %add3A_121 = arith.constant 48 : i32
        %add3A_122 = arith.addi %mul3A_120, %add3A_121 : i32
        %get3A_123 = arith.index_cast %add3A_122 : i32 to index
        %get3A_124 = tpu.vector_load %arg8[%get3A_123] {strides = array<i32>} : memref<10112xi32, #tpu.memory_space<vmem>>, vector<16xi32>,
        %gather3A_125 = tpu.vector_load_idx %arg10[%get3A_124] : memref<10240xf32, #tpu.memory_space<vmem>>[vector<16xi32>], vector<16xf32>,
        %swap3A_126 = arith.constant 48 : index
        %swap3A_127 = tpu.vector_load %arg12[%swap3A_126] {strides = array<i32>} : memref<128xf32, #tpu.memory_space<vmem>>, vector<16xf32>,
        tpu.vector_store %arg12[%swap3A_126], %gather3A_125 {strides = array<i32>} : memref<128xf32, #tpu.memory_space<vmem>>, vector<16xf32>,
        %gather3A_128 = tpu.vector_load_idx %arg11[%get3A_124] : memref<10240xf32, #tpu.memory_space<vmem>>[vector<16xi32>], vector<16xf32>,
        %swap3A_129 = arith.constant 48 : index
        %swap3A_130 = tpu.vector_load %arg13[%swap3A_129] {strides = array<i32>} : memref<128xf32, #tpu.memory_space<vmem>>, vector<16xf32>,
        tpu.vector_store %arg13[%swap3A_129], %gather3A_128 {strides = array<i32>} : memref<128xf32, #tpu.memory_space<vmem>>, vector<16xf32>,
        %mul3A_131 = arith.constant 128 : i32
        %mul3A_132 = arith.muli %scan3A_48, %mul3A_131 : i32
        %add3A_133 = arith.constant 64 : i32
        %add3A_134 = arith.addi %mul3A_132, %add3A_133 : i32
        %get3A_135 = arith.index_cast %add3A_134 : i32 to index
        %get3A_136 = tpu.vector_load %arg8[%get3A_135] {strides = array<i32>} : memref<10112xi32, #tpu.memory_space<vmem>>, vector<16xi32>,
        %gather3A_137 = tpu.vector_load_idx %arg10[%get3A_136] : memref<10240xf32, #tpu.memory_space<vmem>>[vector<16xi32>], vector<16xf32>,
        %swap3A_138 = arith.constant 64 : index
        %swap3A_139 = tpu.vector_load %arg12[%swap3A_138] {strides = array<i32>} : memref<128xf32, #tpu.memory_space<vmem>>, vector<16xf32>,
        tpu.vector_store %arg12[%swap3A_138], %gather3A_137 {strides = array<i32>} : memref<128xf32, #tpu.memory_space<vmem>>, vector<16xf32>,
        %gather3A_140 = tpu.vector_load_idx %arg11[%get3A_136] : memref<10240xf32, #tpu.memory_space<vmem>>[vector<16xi32>], vector<16xf32>,
        %swap3A_141 = arith.constant 64 : index
        %swap3A_142 = tpu.vector_load %arg13[%swap3A_141] {strides = array<i32>} : memref<128xf32, #tpu.memory_space<vmem>>, vector<16xf32>,
        tpu.vector_store %arg13[%swap3A_141], %gather3A_140 {strides = array<i32>} : memref<128xf32, #tpu.memory_space<vmem>>, vector<16xf32>,
        %mul3A_143 = arith.constant 128 : i32
        %mul3A_144 = arith.muli %scan3A_48, %mul3A_143 : i32
        %add3A_145 = arith.constant 80 : i32
        %add3A_146 = arith.addi %mul3A_144, %add3A_145 : i32
        %get3A_147 = arith.index_cast %add3A_146 : i32 to index
        %get3A_148 = tpu.vector_load %arg8[%get3A_147] {strides = array<i32>} : memref<10112xi32, #tpu.memory_space<vmem>>, vector<16xi32>,
        %gather3A_149 = tpu.vector_load_idx %arg10[%get3A_148] : memref<10240xf32, #tpu.memory_space<vmem>>[vector<16xi32>], vector<16xf32>,
        %swap3A_150 = arith.constant 80 : index
        %swap3A_151 = tpu.vector_load %arg12[%swap3A_150] {strides = array<i32>} : memref<128xf32, #tpu.memory_space<vmem>>, vector<16xf32>,
        tpu.vector_store %arg12[%swap3A_150], %gather3A_149 {strides = array<i32>} : memref<128xf32, #tpu.memory_space<vmem>>, vector<16xf32>,
        %gather3A_152 = tpu.vector_load_idx %arg11[%get3A_148] : memref<10240xf32, #tpu.memory_space<vmem>>[vector<16xi32>], vector<16xf32>,
        %swap3A_153 = arith.constant 80 : index
        %swap3A_154 = tpu.vector_load %arg13[%swap3A_153] {strides = array<i32>} : memref<128xf32, #tpu.memory_space<vmem>>, vector<16xf32>,
        tpu.vector_store %arg13[%swap3A_153], %gather3A_152 {strides = array<i32>} : memref<128xf32, #tpu.memory_space<vmem>>, vector<16xf32>,
        %mul3A_155 = arith.constant 128 : i32
        %mul3A_156 = arith.muli %scan3A_48, %mul3A_155 : i32
        %add3A_157 = arith.constant 96 : i32
        %add3A_158 = arith.addi %mul3A_156, %add3A_157 : i32
        %get3A_159 = arith.index_cast %add3A_158 : i32 to index
        %get3A_160 = tpu.vector_load %arg8[%get3A_159] {strides = array<i32>} : memref<10112xi32, #tpu.memory_space<vmem>>, vector<16xi32>,
        %gather3A_161 = tpu.vector_load_idx %arg10[%get3A_160] : memref<10240xf32, #tpu.memory_space<vmem>>[vector<16xi32>], vector<16xf32>,
        %swap3A_162 = arith.constant 96 : index
        %swap3A_163 = tpu.vector_load %arg12[%swap3A_162] {strides = array<i32>} : memref<128xf32, #tpu.memory_space<vmem>>, vector<16xf32>,
        tpu.vector_store %arg12[%swap3A_162], %gather3A_161 {strides = array<i32>} : memref<128xf32, #tpu.memory_space<vmem>>, vector<16xf32>,
        %gather3A_164 = tpu.vector_load_idx %arg11[%get3A_160] : memref<10240xf32, #tpu.memory_space<vmem>>[vector<16xi32>], vector<16xf32>,
        %swap3A_165 = arith.constant 96 : index
        %swap3A_166 = tpu.vector_load %arg13[%swap3A_165] {strides = array<i32>} : memref<128xf32, #tpu.memory_space<vmem>>, vector<16xf32>,
        tpu.vector_store %arg13[%swap3A_165], %gather3A_164 {strides = array<i32>} : memref<128xf32, #tpu.memory_space<vmem>>, vector<16xf32>,
        %mul3A_167 = arith.constant 128 : i32
        %mul3A_168 = arith.muli %scan3A_48, %mul3A_167 : i32
        %add3A_169 = arith.constant 112 : i32
        %add3A_170 = arith.addi %mul3A_168, %add3A_169 : i32
        %get3A_171 = arith.index_cast %add3A_170 : i32 to index
        %get3A_172 = tpu.vector_load %arg8[%get3A_171] {strides = array<i32>} : memref<10112xi32, #tpu.memory_space<vmem>>, vector<16xi32>,
        %gather3A_173 = tpu.vector_load_idx %arg10[%get3A_172] : memref<10240xf32, #tpu.memory_space<vmem>>[vector<16xi32>], vector<16xf32>,
        %swap3A_174 = arith.constant 112 : index
        %swap3A_175 = tpu.vector_load %arg12[%swap3A_174] {strides = array<i32>} : memref<128xf32, #tpu.memory_space<vmem>>, vector<16xf32>,
        tpu.vector_store %arg12[%swap3A_174], %gather3A_173 {strides = array<i32>} : memref<128xf32, #tpu.memory_space<vmem>>, vector<16xf32>,
        %gather3A_176 = tpu.vector_load_idx %arg11[%get3A_172] : memref<10240xf32, #tpu.memory_space<vmem>>[vector<16xi32>], vector<16xf32>,
        %swap3A_177 = arith.constant 112 : index
        %swap3A_178 = tpu.vector_load %arg13[%swap3A_177] {strides = array<i32>} : memref<128xf32, #tpu.memory_space<vmem>>, vector<16xf32>,
        tpu.vector_store %arg13[%swap3A_177], %gather3A_176 {strides = array<i32>} : memref<128xf32, #tpu.memory_space<vmem>>, vector<16xf32>,
        %dma_start3A = arith.constant 0 : i32
        %dma_start3A_179 = tpu.memref_slice %arg9[%scan3A_48, %dma_start3A] : memref<79x128xi32, #tpu.memory_space<vmem>> -> memref<1x128xi32, #tpu.memory_space<vmem>>
        %dma_start3A_180 = tpu.memref_squeeze %dma_start3A_179 : memref<1x128xi32, #tpu.memory_space<vmem>> -> memref<128xi32, #tpu.memory_space<vmem>>
        %dma_start3A_181 = arith.constant 0 : i32
        %dma_start3A_182 = tpu.memref_slice %arg17[%dma_start3A_181] : memref<10240xf32, #tpu.memory_space<vmem_shared>> -> memref<10240xf32, #tpu.memory_space<vmem_shared>>
        tpu.enqueue_indirect_dma source(%arg12 : memref<128xf32, #tpu.memory_space<vmem>>) target(%dma_start3A_182 : memref<10240xf32, #tpu.memory_space<vmem_shared>>) offsets(%dma_start3A_180 : memref<128xi32, #tpu.memory_space<vmem>>) semaphore(%arg19 : memref<!tpu.dma_semaphore, #tpu.memory_space<semaphore_mem>>) {add = true}
        %dma_start3A_183 = arith.constant 0 : i32
        %dma_start3A_184 = tpu.memref_slice %arg9[%scan3A_48, %dma_start3A_183] : memref<79x128xi32, #tpu.memory_space<vmem>> -> memref<1x128xi32, #tpu.memory_space<vmem>>
        %dma_start3A_185 = tpu.memref_squeeze %dma_start3A_184 : memref<1x128xi32, #tpu.memory_space<vmem>> -> memref<128xi32, #tpu.memory_space<vmem>>
        %dma_start3A_186 = arith.constant 0 : i32
        %dma_start3A_187 = tpu.memref_slice %arg18[%dma_start3A_186] : memref<10240xf32, #tpu.memory_space<vmem_shared>> -> memref<10240xf32, #tpu.memory_space<vmem_shared>>
        tpu.enqueue_indirect_dma source(%arg13 : memref<128xf32, #tpu.memory_space<vmem>>) target(%dma_start3A_187 : memref<10240xf32, #tpu.memory_space<vmem_shared>>) offsets(%dma_start3A_185 : memref<128xi32, #tpu.memory_space<vmem>>) semaphore(%arg20 : memref<!tpu.dma_semaphore, #tpu.memory_space<semaphore_mem>>) {add = true}
      } else {
      }
      %jit3A_61 = arith.constant 2 : i32
      %eq3A_62 = arith.constant 0 : i32
      %eq3A_63 = arith.cmpi eq, %jit3A_61, %eq3A_62 : i32
      %jit3A_64 = arith.constant 1 : i32
      %select_n3A_65 = arith.select %eq3A_63, %jit3A_64, %jit3A_61 : i32
      %rem3A_66 = arith.remsi %scan3A_48, %select_n3A_65 : i32
      %ne3A_67 = arith.constant 0 : i32
      %ne3A_68 = arith.cmpi ne, %rem3A_66, %ne3A_67 : i32
      %lt3A_69 = arith.constant 0 : i32
      %lt3A_70 = arith.cmpi slt, %rem3A_66, %lt3A_69 : i32
      %lt3A_71 = arith.constant 0 : i32
      %lt3A_72 = arith.cmpi slt, %select_n3A_65, %lt3A_71 : i32
      %ne3A_73 = arith.xori %lt3A_70, %lt3A_72 : i1
      %and3A_74 = arith.andi %ne3A_73, %ne3A_68 : i1
      %add3A_75 = arith.addi %rem3A_66, %select_n3A_65 : i32
      %select_n3A_76 = arith.select %and3A_74, %add3A_75, %rem3A_66 : i32
      %eq3A_77 = arith.constant 1 : i32
      %eq3A_78 = arith.cmpi eq, %select_n3A_76, %eq3A_77 : i32
      %convert_element_type3A_79 = arith.extui %eq3A_78 : i1 to i32
      %cond3A_80 = arith.constant 0 : i32
      %cond3A_81 = arith.cmpi ne, %convert_element_type3A_79, %cond3A_80 : i32
      scf.if %cond3A_81 {
        %ge3A = arith.constant 2 : i32
        %ge3A_82 = arith.cmpi sge, %scan3A_48, %ge3A : i32
        %convert_element_type3A_83 = arith.extui %ge3A_82 : i1 to i32
        %cond3A_84 = arith.constant 0 : i32
        %cond3A_85 = arith.cmpi ne, %convert_element_type3A_83, %cond3A_84 : i32
        scf.if %cond3A_85 {
          %dma_wait3A_188 = arith.constant 0 : i32
          %dma_wait3A_189 = arith.constant 0 : i32
          %dma_wait3A_190 = tpu.memref_slice %arg9[%dma_wait3A_188, %dma_wait3A_189] : memref<79x128xi32, #tpu.memory_space<vmem>> -> memref<1x128xi32, #tpu.memory_space<vmem>>
          %dma_wait3A_191 = tpu.memref_squeeze %dma_wait3A_190 : memref<1x128xi32, #tpu.memory_space<vmem>> -> memref<128xi32, #tpu.memory_space<vmem>>
          %dma_wait3A_192 = arith.constant 0 : i32
          %dma_wait3A_193 = tpu.memref_slice %arg17[%dma_wait3A_192] : memref<10240xf32, #tpu.memory_space<vmem_shared>> -> memref<10240xf32, #tpu.memory_space<vmem_shared>>
          tpu.wait_indirect_dma semaphore(%arg21 : memref<!tpu.dma_semaphore, #tpu.memory_space<semaphore_mem>>) src(%arg14 : memref<128xf32, #tpu.memory_space<vmem>>) dst(%dma_wait3A_193 : memref<10240xf32, #tpu.memory_space<vmem_shared>>)
          %dma_wait3A_194 = arith.constant 0 : i32
          %dma_wait3A_195 = arith.constant 0 : i32
          %dma_wait3A_196 = tpu.memref_slice %arg9[%dma_wait3A_194, %dma_wait3A_195] : memref<79x128xi32, #tpu.memory_space<vmem>> -> memref<1x128xi32, #tpu.memory_space<vmem>>
          %dma_wait3A_197 = tpu.memref_squeeze %dma_wait3A_196 : memref<1x128xi32, #tpu.memory_space<vmem>> -> memref<128xi32, #tpu.memory_space<vmem>>
          %dma_wait3A_198 = arith.constant 0 : i32
          %dma_wait3A_199 = tpu.memref_slice %arg18[%dma_wait3A_198] : memref<10240xf32, #tpu.memory_space<vmem_shared>> -> memref<10240xf32, #tpu.memory_space<vmem_shared>>
          tpu.wait_indirect_dma semaphore(%arg22 : memref<!tpu.dma_semaphore, #tpu.memory_space<semaphore_mem>>) src(%arg15 : memref<128xf32, #tpu.memory_space<vmem>>) dst(%dma_wait3A_199 : memref<10240xf32, #tpu.memory_space<vmem_shared>>)
        } else {
        }
        %mul3A_86 = arith.constant 128 : i32
        %mul3A_87 = arith.muli %scan3A_48, %mul3A_86 : i32
        %add3A_88 = arith.constant 0 : i32
        %add3A_89 = arith.addi %mul3A_87, %add3A_88 : i32
        %get3A = arith.index_cast %add3A_89 : i32 to index
        %get3A_90 = tpu.vector_load %arg8[%get3A] {strides = array<i32>} : memref<10112xi32, #tpu.memory_space<vmem>>, vector<16xi32>,
        %gather3A = tpu.vector_load_idx %arg10[%get3A_90] : memref<10240xf32, #tpu.memory_space<vmem>>[vector<16xi32>], vector<16xf32>,
        %swap3A = arith.constant 0 : index
        %swap3A_91 = tpu.vector_load %arg14[%swap3A] {strides = array<i32>} : memref<128xf32, #tpu.memory_space<vmem>>, vector<16xf32>,
        tpu.vector_store %arg14[%swap3A], %gather3A {strides = array<i32>} : memref<128xf32, #tpu.memory_space<vmem>>, vector<16xf32>,
        %gather3A_92 = tpu.vector_load_idx %arg11[%get3A_90] : memref<10240xf32, #tpu.memory_space<vmem>>[vector<16xi32>], vector<16xf32>,
        %swap3A_93 = arith.constant 0 : index
        %swap3A_94 = tpu.vector_load %arg15[%swap3A_93] {strides = array<i32>} : memref<128xf32, #tpu.memory_space<vmem>>, vector<16xf32>,
        tpu.vector_store %arg15[%swap3A_93], %gather3A_92 {strides = array<i32>} : memref<128xf32, #tpu.memory_space<vmem>>, vector<16xf32>,
        %mul3A_95 = arith.constant 128 : i32
        %mul3A_96 = arith.muli %scan3A_48, %mul3A_95 : i32
        %add3A_97 = arith.constant 16 : i32
        %add3A_98 = arith.addi %mul3A_96, %add3A_97 : i32
        %get3A_99 = arith.index_cast %add3A_98 : i32 to index
        %get3A_100 = tpu.vector_load %arg8[%get3A_99] {strides = array<i32>} : memref<10112xi32, #tpu.memory_space<vmem>>, vector<16xi32>,
        %gather3A_101 = tpu.vector_load_idx %arg10[%get3A_100] : memref<10240xf32, #tpu.memory_space<vmem>>[vector<16xi32>], vector<16xf32>,
        %swap3A_102 = arith.constant 16 : index
        %swap3A_103 = tpu.vector_load %arg14[%swap3A_102] {strides = array<i32>} : memref<128xf32, #tpu.memory_space<vmem>>, vector<16xf32>,
        tpu.vector_store %arg14[%swap3A_102], %gather3A_101 {strides = array<i32>} : memref<128xf32, #tpu.memory_space<vmem>>, vector<16xf32>,
        %gather3A_104 = tpu.vector_load_idx %arg11[%get3A_100] : memref<10240xf32, #tpu.memory_space<vmem>>[vector<16xi32>], vector<16xf32>,
        %swap3A_105 = arith.constant 16 : index
        %swap3A_106 = tpu.vector_load %arg15[%swap3A_105] {strides = array<i32>} : memref<128xf32, #tpu.memory_space<vmem>>, vector<16xf32>,
        tpu.vector_store %arg15[%swap3A_105], %gather3A_104 {strides = array<i32>} : memref<128xf32, #tpu.memory_space<vmem>>, vector<16xf32>,
        %mul3A_107 = arith.constant 128 : i32
        %mul3A_108 = arith.muli %scan3A_48, %mul3A_107 : i32
        %add3A_109 = arith.constant 32 : i32
        %add3A_110 = arith.addi %mul3A_108, %add3A_109 : i32
        %get3A_111 = arith.index_cast %add3A_110 : i32 to index
        %get3A_112 = tpu.vector_load %arg8[%get3A_111] {strides = array<i32>} : memref<10112xi32, #tpu.memory_space<vmem>>, vector<16xi32>,
        %gather3A_113 = tpu.vector_load_idx %arg10[%get3A_112] : memref<10240xf32, #tpu.memory_space<vmem>>[vector<16xi32>], vector<16xf32>,
        %swap3A_114 = arith.constant 32 : index
        %swap3A_115 = tpu.vector_load %arg14[%swap3A_114] {strides = array<i32>} : memref<128xf32, #tpu.memory_space<vmem>>, vector<16xf32>,
        tpu.vector_store %arg14[%swap3A_114], %gather3A_113 {strides = array<i32>} : memref<128xf32, #tpu.memory_space<vmem>>, vector<16xf32>,
        %gather3A_116 = tpu.vector_load_idx %arg11[%get3A_112] : memref<10240xf32, #tpu.memory_space<vmem>>[vector<16xi32>], vector<16xf32>,
        %swap3A_117 = arith.constant 32 : index
        %swap3A_118 = tpu.vector_load %arg15[%swap3A_117] {strides = array<i32>} : memref<128xf32, #tpu.memory_space<vmem>>, vector<16xf32>,
        tpu.vector_store %arg15[%swap3A_117], %gather3A_116 {strides = array<i32>} : memref<128xf32, #tpu.memory_space<vmem>>, vector<16xf32>,
        %mul3A_119 = arith.constant 128 : i32
        %mul3A_120 = arith.muli %scan3A_48, %mul3A_119 : i32
        %add3A_121 = arith.constant 48 : i32
        %add3A_122 = arith.addi %mul3A_120, %add3A_121 : i32
        %get3A_123 = arith.index_cast %add3A_122 : i32 to index
        %get3A_124 = tpu.vector_load %arg8[%get3A_123] {strides = array<i32>} : memref<10112xi32, #tpu.memory_space<vmem>>, vector<16xi32>,
        %gather3A_125 = tpu.vector_load_idx %arg10[%get3A_124] : memref<10240xf32, #tpu.memory_space<vmem>>[vector<16xi32>], vector<16xf32>,
        %swap3A_126 = arith.constant 48 : index
        %swap3A_127 = tpu.vector_load %arg14[%swap3A_126] {strides = array<i32>} : memref<128xf32, #tpu.memory_space<vmem>>, vector<16xf32>,
        tpu.vector_store %arg14[%swap3A_126], %gather3A_125 {strides = array<i32>} : memref<128xf32, #tpu.memory_space<vmem>>, vector<16xf32>,
        %gather3A_128 = tpu.vector_load_idx %arg11[%get3A_124] : memref<10240xf32, #tpu.memory_space<vmem>>[vector<16xi32>], vector<16xf32>,
        %swap3A_129 = arith.constant 48 : index
        %swap3A_130 = tpu.vector_load %arg15[%swap3A_129] {strides = array<i32>} : memref<128xf32, #tpu.memory_space<vmem>>, vector<16xf32>,
        tpu.vector_store %arg15[%swap3A_129], %gather3A_128 {strides = array<i32>} : memref<128xf32, #tpu.memory_space<vmem>>, vector<16xf32>,
        %mul3A_131 = arith.constant 128 : i32
        %mul3A_132 = arith.muli %scan3A_48, %mul3A_131 : i32
        %add3A_133 = arith.constant 64 : i32
        %add3A_134 = arith.addi %mul3A_132, %add3A_133 : i32
        %get3A_135 = arith.index_cast %add3A_134 : i32 to index
        %get3A_136 = tpu.vector_load %arg8[%get3A_135] {strides = array<i32>} : memref<10112xi32, #tpu.memory_space<vmem>>, vector<16xi32>,
        %gather3A_137 = tpu.vector_load_idx %arg10[%get3A_136] : memref<10240xf32, #tpu.memory_space<vmem>>[vector<16xi32>], vector<16xf32>,
        %swap3A_138 = arith.constant 64 : index
        %swap3A_139 = tpu.vector_load %arg14[%swap3A_138] {strides = array<i32>} : memref<128xf32, #tpu.memory_space<vmem>>, vector<16xf32>,
        tpu.vector_store %arg14[%swap3A_138], %gather3A_137 {strides = array<i32>} : memref<128xf32, #tpu.memory_space<vmem>>, vector<16xf32>,
        %gather3A_140 = tpu.vector_load_idx %arg11[%get3A_136] : memref<10240xf32, #tpu.memory_space<vmem>>[vector<16xi32>], vector<16xf32>,
        %swap3A_141 = arith.constant 64 : index
        %swap3A_142 = tpu.vector_load %arg15[%swap3A_141] {strides = array<i32>} : memref<128xf32, #tpu.memory_space<vmem>>, vector<16xf32>,
        tpu.vector_store %arg15[%swap3A_141], %gather3A_140 {strides = array<i32>} : memref<128xf32, #tpu.memory_space<vmem>>, vector<16xf32>,
        %mul3A_143 = arith.constant 128 : i32
        %mul3A_144 = arith.muli %scan3A_48, %mul3A_143 : i32
        %add3A_145 = arith.constant 80 : i32
        %add3A_146 = arith.addi %mul3A_144, %add3A_145 : i32
        %get3A_147 = arith.index_cast %add3A_146 : i32 to index
        %get3A_148 = tpu.vector_load %arg8[%get3A_147] {strides = array<i32>} : memref<10112xi32, #tpu.memory_space<vmem>>, vector<16xi32>,
        %gather3A_149 = tpu.vector_load_idx %arg10[%get3A_148] : memref<10240xf32, #tpu.memory_space<vmem>>[vector<16xi32>], vector<16xf32>,
        %swap3A_150 = arith.constant 80 : index
        %swap3A_151 = tpu.vector_load %arg14[%swap3A_150] {strides = array<i32>} : memref<128xf32, #tpu.memory_space<vmem>>, vector<16xf32>,
        tpu.vector_store %arg14[%swap3A_150], %gather3A_149 {strides = array<i32>} : memref<128xf32, #tpu.memory_space<vmem>>, vector<16xf32>,
        %gather3A_152 = tpu.vector_load_idx %arg11[%get3A_148] : memref<10240xf32, #tpu.memory_space<vmem>>[vector<16xi32>], vector<16xf32>,
        %swap3A_153 = arith.constant 80 : index
        %swap3A_154 = tpu.vector_load %arg15[%swap3A_153] {strides = array<i32>} : memref<128xf32, #tpu.memory_space<vmem>>, vector<16xf32>,
        tpu.vector_store %arg15[%swap3A_153], %gather3A_152 {strides = array<i32>} : memref<128xf32, #tpu.memory_space<vmem>>, vector<16xf32>,
        %mul3A_155 = arith.constant 128 : i32
        %mul3A_156 = arith.muli %scan3A_48, %mul3A_155 : i32
        %add3A_157 = arith.constant 96 : i32
        %add3A_158 = arith.addi %mul3A_156, %add3A_157 : i32
        %get3A_159 = arith.index_cast %add3A_158 : i32 to index
        %get3A_160 = tpu.vector_load %arg8[%get3A_159] {strides = array<i32>} : memref<10112xi32, #tpu.memory_space<vmem>>, vector<16xi32>,
        %gather3A_161 = tpu.vector_load_idx %arg10[%get3A_160] : memref<10240xf32, #tpu.memory_space<vmem>>[vector<16xi32>], vector<16xf32>,
        %swap3A_162 = arith.constant 96 : index
        %swap3A_163 = tpu.vector_load %arg14[%swap3A_162] {strides = array<i32>} : memref<128xf32, #tpu.memory_space<vmem>>, vector<16xf32>,
        tpu.vector_store %arg14[%swap3A_162], %gather3A_161 {strides = array<i32>} : memref<128xf32, #tpu.memory_space<vmem>>, vector<16xf32>,
        %gather3A_164 = tpu.vector_load_idx %arg11[%get3A_160] : memref<10240xf32, #tpu.memory_space<vmem>>[vector<16xi32>], vector<16xf32>,
        %swap3A_165 = arith.constant 96 : index
        %swap3A_166 = tpu.vector_load %arg15[%swap3A_165] {strides = array<i32>} : memref<128xf32, #tpu.memory_space<vmem>>, vector<16xf32>,
        tpu.vector_store %arg15[%swap3A_165], %gather3A_164 {strides = array<i32>} : memref<128xf32, #tpu.memory_space<vmem>>, vector<16xf32>,
        %mul3A_167 = arith.constant 128 : i32
        %mul3A_168 = arith.muli %scan3A_48, %mul3A_167 : i32
        %add3A_169 = arith.constant 112 : i32
        %add3A_170 = arith.addi %mul3A_168, %add3A_169 : i32
        %get3A_171 = arith.index_cast %add3A_170 : i32 to index
        %get3A_172 = tpu.vector_load %arg8[%get3A_171] {strides = array<i32>} : memref<10112xi32, #tpu.memory_space<vmem>>, vector<16xi32>,
        %gather3A_173 = tpu.vector_load_idx %arg10[%get3A_172] : memref<10240xf32, #tpu.memory_space<vmem>>[vector<16xi32>], vector<16xf32>,
        %swap3A_174 = arith.constant 112 : index
        %swap3A_175 = tpu.vector_load %arg14[%swap3A_174] {strides = array<i32>} : memref<128xf32, #tpu.memory_space<vmem>>, vector<16xf32>,
        tpu.vector_store %arg14[%swap3A_174], %gather3A_173 {strides = array<i32>} : memref<128xf32, #tpu.memory_space<vmem>>, vector<16xf32>,
        %gather3A_176 = tpu.vector_load_idx %arg11[%get3A_172] : memref<10240xf32, #tpu.memory_space<vmem>>[vector<16xi32>], vector<16xf32>,
        %swap3A_177 = arith.constant 112 : index
        %swap3A_178 = tpu.vector_load %arg15[%swap3A_177] {strides = array<i32>} : memref<128xf32, #tpu.memory_space<vmem>>, vector<16xf32>,
        tpu.vector_store %arg15[%swap3A_177], %gather3A_176 {strides = array<i32>} : memref<128xf32, #tpu.memory_space<vmem>>, vector<16xf32>,
        %dma_start3A = arith.constant 0 : i32
        %dma_start3A_179 = tpu.memref_slice %arg9[%scan3A_48, %dma_start3A] : memref<79x128xi32, #tpu.memory_space<vmem>> -> memref<1x128xi32, #tpu.memory_space<vmem>>
        %dma_start3A_180 = tpu.memref_squeeze %dma_start3A_179 : memref<1x128xi32, #tpu.memory_space<vmem>> -> memref<128xi32, #tpu.memory_space<vmem>>
        %dma_start3A_181 = arith.constant 0 : i32
        %dma_start3A_182 = tpu.memref_slice %arg17[%dma_start3A_181] : memref<10240xf32, #tpu.memory_space<vmem_shared>> -> memref<10240xf32, #tpu.memory_space<vmem_shared>>
        tpu.enqueue_indirect_dma source(%arg14 : memref<128xf32, #tpu.memory_space<vmem>>) target(%dma_start3A_182 : memref<10240xf32, #tpu.memory_space<vmem_shared>>) offsets(%dma_start3A_180 : memref<128xi32, #tpu.memory_space<vmem>>) semaphore(%arg21 : memref<!tpu.dma_semaphore, #tpu.memory_space<semaphore_mem>>) {add = true}
        %dma_start3A_183 = arith.constant 0 : i32
        %dma_start3A_184 = tpu.memref_slice %arg9[%scan3A_48, %dma_start3A_183] : memref<79x128xi32, #tpu.memory_space<vmem>> -> memref<1x128xi32, #tpu.memory_space<vmem>>
        %dma_start3A_185 = tpu.memref_squeeze %dma_start3A_184 : memref<1x128xi32, #tpu.memory_space<vmem>> -> memref<128xi32, #tpu.memory_space<vmem>>
        %dma_start3A_186 = arith.constant 0 : i32
        %dma_start3A_187 = tpu.memref_slice %arg18[%dma_start3A_186] : memref<10240xf32, #tpu.memory_space<vmem_shared>> -> memref<10240xf32, #tpu.memory_space<vmem_shared>>
        tpu.enqueue_indirect_dma source(%arg15 : memref<128xf32, #tpu.memory_space<vmem>>) target(%dma_start3A_187 : memref<10240xf32, #tpu.memory_space<vmem_shared>>) offsets(%dma_start3A_185 : memref<128xi32, #tpu.memory_space<vmem>>) semaphore(%arg22 : memref<!tpu.dma_semaphore, #tpu.memory_space<semaphore_mem>>) {add = true}
      } else {
      }
    }
    %scan3A_15 = arith.constant 79 : i32
    %dma_wait3A = arith.constant 0 : i32
    %dma_wait3A_16 = arith.constant 0 : i32
    %dma_wait3A_17 = tpu.memref_slice %arg9[%dma_wait3A, %dma_wait3A_16] : memref<79x128xi32, #tpu.memory_space<vmem>> -> memref<1x128xi32, #tpu.memory_space<vmem>>
    %dma_wait3A_18 = tpu.memref_squeeze %dma_wait3A_17 : memref<1x128xi32, #tpu.memory_space<vmem>> -> memref<128xi32, #tpu.memory_space<vmem>>
    %dma_wait3A_19 = arith.constant 0 : i32
    %dma_wait3A_20 = tpu.memref_slice %arg17[%dma_wait3A_19] : memref<10240xf32, #tpu.memory_space<vmem_shared>> -> memref<10240xf32, #tpu.memory_space<vmem_shared>>
    tpu.wait_indirect_dma semaphore(%arg19 : memref<!tpu.dma_semaphore, #tpu.memory_space<semaphore_mem>>) src(%arg12 : memref<128xf32, #tpu.memory_space<vmem>>) dst(%dma_wait3A_20 : memref<10240xf32, #tpu.memory_space<vmem_shared>>)
    %dma_wait3A_21 = arith.constant 0 : i32
    %dma_wait3A_22 = arith.constant 0 : i32
    %dma_wait3A_23 = tpu.memref_slice %arg9[%dma_wait3A_21, %dma_wait3A_22] : memref<79x128xi32, #tpu.memory_space<vmem>> -> memref<1x128xi32, #tpu.memory_space<vmem>>
    %dma_wait3A_24 = tpu.memref_squeeze %dma_wait3A_23 : memref<1x128xi32, #tpu.memory_space<vmem>> -> memref<128xi32, #tpu.memory_space<vmem>>
    %dma_wait3A_25 = arith.constant 0 : i32
    %dma_wait3A_26 = tpu.memref_slice %arg18[%dma_wait3A_25] : memref<10240xf32, #tpu.memory_space<vmem_shared>> -> memref<10240xf32, #tpu.memory_space<vmem_shared>>
    tpu.wait_indirect_dma semaphore(%arg20 : memref<!tpu.dma_semaphore, #tpu.memory_space<semaphore_mem>>) src(%arg13 : memref<128xf32, #tpu.memory_space<vmem>>) dst(%dma_wait3A_26 : memref<10240xf32, #tpu.memory_space<vmem_shared>>)
    %dma_wait3A_27 = arith.constant 0 : i32
    %dma_wait3A_28 = arith.constant 0 : i32
    %dma_wait3A_29 = tpu.memref_slice %arg9[%dma_wait3A_27, %dma_wait3A_28] : memref<79x128xi32, #tpu.memory_space<vmem>> -> memref<1x128xi32, #tpu.memory_space<vmem>>
    %dma_wait3A_30 = tpu.memref_squeeze %dma_wait3A_29 : memref<1x128xi32, #tpu.memory_space<vmem>> -> memref<128xi32, #tpu.memory_space<vmem>>
    %dma_wait3A_31 = arith.constant 0 : i32
    %dma_wait3A_32 = tpu.memref_slice %arg17[%dma_wait3A_31] : memref<10240xf32, #tpu.memory_space<vmem_shared>> -> memref<10240xf32, #tpu.memory_space<vmem_shared>>
    tpu.wait_indirect_dma semaphore(%arg21 : memref<!tpu.dma_semaphore, #tpu.memory_space<semaphore_mem>>) src(%arg14 : memref<128xf32, #tpu.memory_space<vmem>>) dst(%dma_wait3A_32 : memref<10240xf32, #tpu.memory_space<vmem_shared>>)
    %dma_wait3A_33 = arith.constant 0 : i32
    %dma_wait3A_34 = arith.constant 0 : i32
    %dma_wait3A_35 = tpu.memref_slice %arg9[%dma_wait3A_33, %dma_wait3A_34] : memref<79x128xi32, #tpu.memory_space<vmem>> -> memref<1x128xi32, #tpu.memory_space<vmem>>
    %dma_wait3A_36 = tpu.memref_squeeze %dma_wait3A_35 : memref<1x128xi32, #tpu.memory_space<vmem>> -> memref<128xi32, #tpu.memory_space<vmem>>
    %dma_wait3A_37 = arith.constant 0 : i32
    %dma_wait3A_38 = tpu.memref_slice %arg18[%dma_wait3A_37] : memref<10240xf32, #tpu.memory_space<vmem_shared>> -> memref<10240xf32, #tpu.memory_space<vmem_shared>>
    tpu.wait_indirect_dma semaphore(%arg22 : memref<!tpu.dma_semaphore, #tpu.memory_space<semaphore_mem>>) src(%arg15 : memref<128xf32, #tpu.memory_space<vmem>>) dst(%dma_wait3A_38 : memref<10240xf32, #tpu.memory_space<vmem_shared>>)
    %barrier3A_39 = arith.constant 0 : index
    tpu.barrier barrier_id(%barrier3A_39)
    %mul3A_40 = arith.constant 640 : i32
    %mul3A_41 = arith.muli %arg1, %mul3A_40 : i32
    "tpu.region"() ({
      %run_scoped3A = tpu.sem_alloc : memref<!tpu.dma_semaphore, #tpu.memory_space<semaphore_mem>>
      %dma_start3A = tpu.memref_slice %arg17[%mul3A_41] : memref<10240xf32, #tpu.memory_space<vmem_shared>> -> memref<640xf32, #tpu.memory_space<vmem_shared>>
      %dma_start3A_48 = tpu.memref_slice %arg17[%mul3A_41] : memref<10240xf32, #tpu.memory_space<vmem_shared>> -> memref<640xf32, #tpu.memory_space<vmem_shared>>
      tpu.enqueue_dma source(%dma_start3A_48 : memref<640xf32, #tpu.memory_space<vmem_shared>>) target(%arg16 : memref<640xf32, #tpu.memory_space<vmem>>) target_semaphore(%run_scoped3A : memref<!tpu.dma_semaphore, #tpu.memory_space<semaphore_mem>>)
      %dma_wait3A_49 = tpu.memref_slice %arg17[%mul3A_41] : memref<10240xf32, #tpu.memory_space<vmem_shared>> -> memref<640xf32, #tpu.memory_space<vmem_shared>>
      %dma_wait3A_50 = tpu.memref_slice %arg17[%mul3A_41] : memref<10240xf32, #tpu.memory_space<vmem_shared>> -> memref<640xf32, #tpu.memory_space<vmem_shared>>
      tpu.wait_dma2 semaphore(%run_scoped3A : memref<!tpu.dma_semaphore, #tpu.memory_space<semaphore_mem>>) src(%dma_wait3A_50 : memref<640xf32, #tpu.memory_space<vmem_shared>>) dst(%arg16 : memref<640xf32, #tpu.memory_space<vmem>>)
      tpu.yield
    }) : () -> ()
    %mul3A_42 = arith.constant 10240 : i32
    %mul3A_43 = arith.muli %arg0, %mul3A_42 : i32
    %add3A_44 = arith.addi %mul3A_43, %mul3A_41 : i32
    "tpu.region"() ({
      %run_scoped3A = tpu.sem_alloc : memref<!tpu.dma_semaphore, #tpu.memory_space<semaphore_mem>>
      %dma_start3A = tpu.memref_slice %arg6[%add3A_44] : memref<20480xf32, #tpu.memory_space<hbm>> -> memref<640xf32, #tpu.memory_space<hbm>>
      %dma_start3A_48 = tpu.memref_slice %arg6[%add3A_44] : memref<20480xf32, #tpu.memory_space<hbm>> -> memref<640xf32, #tpu.memory_space<hbm>>
      tpu.enqueue_dma source(%arg16 : memref<640xf32, #tpu.memory_space<vmem>>) target(%dma_start3A_48 : memref<640xf32, #tpu.memory_space<hbm>>) target_semaphore(%run_scoped3A : memref<!tpu.dma_semaphore, #tpu.memory_space<semaphore_mem>>)
      %dma_wait3A_49 = tpu.memref_slice %arg6[%add3A_44] : memref<20480xf32, #tpu.memory_space<hbm>> -> memref<640xf32, #tpu.memory_space<hbm>>
      %dma_wait3A_50 = tpu.memref_slice %arg6[%add3A_44] : memref<20480xf32, #tpu.memory_space<hbm>> -> memref<640xf32, #tpu.memory_space<hbm>>
      tpu.wait_dma2 semaphore(%run_scoped3A : memref<!tpu.dma_semaphore, #tpu.memory_space<semaphore_mem>>) src(%arg16 : memref<640xf32, #tpu.memory_space<vmem>>) dst(%dma_wait3A_50 : memref<640xf32, #tpu.memory_space<hbm>>)
      tpu.yield
    }) : () -> ()
    "tpu.region"() ({
      %run_scoped3A = tpu.sem_alloc : memref<!tpu.dma_semaphore, #tpu.memory_space<semaphore_mem>>
      %dma_start3A = tpu.memref_slice %arg18[%mul3A_41] : memref<10240xf32, #tpu.memory_space<vmem_shared>> -> memref<640xf32, #tpu.memory_space<vmem_shared>>
      %dma_start3A_48 = tpu.memref_slice %arg18[%mul3A_41] : memref<10240xf32, #tpu.memory_space<vmem_shared>> -> memref<640xf32, #tpu.memory_space<vmem_shared>>
      tpu.enqueue_dma source(%dma_start3A_48 : memref<640xf32, #tpu.memory_space<vmem_shared>>) target(%arg16 : memref<640xf32, #tpu.memory_space<vmem>>) target_semaphore(%run_scoped3A : memref<!tpu.dma_semaphore, #tpu.memory_space<semaphore_mem>>)
      %dma_wait3A_49 = tpu.memref_slice %arg18[%mul3A_41] : memref<10240xf32, #tpu.memory_space<vmem_shared>> -> memref<640xf32, #tpu.memory_space<vmem_shared>>
      %dma_wait3A_50 = tpu.memref_slice %arg18[%mul3A_41] : memref<10240xf32, #tpu.memory_space<vmem_shared>> -> memref<640xf32, #tpu.memory_space<vmem_shared>>
      tpu.wait_dma2 semaphore(%run_scoped3A : memref<!tpu.dma_semaphore, #tpu.memory_space<semaphore_mem>>) src(%dma_wait3A_50 : memref<640xf32, #tpu.memory_space<vmem_shared>>) dst(%arg16 : memref<640xf32, #tpu.memory_space<vmem>>)
      tpu.yield
    }) : () -> ()
    %mul3A_45 = arith.constant 10240 : i32
    %mul3A_46 = arith.muli %arg0, %mul3A_45 : i32
    %add3A_47 = arith.addi %mul3A_46, %mul3A_41 : i32
    "tpu.region"() ({
      %run_scoped3A = tpu.sem_alloc : memref<!tpu.dma_semaphore, #tpu.memory_space<semaphore_mem>>
      %dma_start3A = tpu.memref_slice %arg7[%add3A_47] : memref<20480xf32, #tpu.memory_space<hbm>> -> memref<640xf32, #tpu.memory_space<hbm>>
      %dma_start3A_48 = tpu.memref_slice %arg7[%add3A_47] : memref<20480xf32, #tpu.memory_space<hbm>> -> memref<640xf32, #tpu.memory_space<hbm>>
      tpu.enqueue_dma source(%arg16 : memref<640xf32, #tpu.memory_space<vmem>>) target(%dma_start3A_48 : memref<640xf32, #tpu.memory_space<hbm>>) target_semaphore(%run_scoped3A : memref<!tpu.dma_semaphore, #tpu.memory_space<semaphore_mem>>)
      %dma_wait3A_49 = tpu.memref_slice %arg7[%add3A_47] : memref<20480xf32, #tpu.memory_space<hbm>> -> memref<640xf32, #tpu.memory_space<hbm>>
      %dma_wait3A_50 = tpu.memref_slice %arg7[%add3A_47] : memref<20480xf32, #tpu.memory_space<hbm>> -> memref<640xf32, #tpu.memory_space<hbm>>
      tpu.wait_dma2 semaphore(%run_scoped3A : memref<!tpu.dma_semaphore, #tpu.memory_space<semaphore_mem>>) src(%arg16 : memref<640xf32, #tpu.memory_space<vmem>>) dst(%dma_wait3A_50 : memref<640xf32, #tpu.memory_space<hbm>>)
      tpu.yield
    }) : () -> ()
    return
  }
}

#map = affine_map<(d0, d1) -> (0, 0, 0)>
#map1 = affine_map<(d0, d1) -> (0)>
module attributes {stable_mosaic.version = 14 : i64} {
  func.func @_deg_body(%arg0: i32, %arg1: i32, %arg2: memref<32x125x80xi32, #tpu.memory_space<hbm>>, %arg3: memref<20480xf32, #tpu.memory_space<hbm>>, %arg4: memref<125x80xi32, #tpu.memory_space<vmem>>, %arg5: memref<80xf32, #tpu.memory_space<vmem>>, %arg6: memref<640xf32, #tpu.memory_space<vmem>>, %arg7: memref<10240xf32, #tpu.memory_space<vmem_shared>>, %arg8: memref<640xf32, #tpu.memory_space<vmem>>, %arg9: memref<!tpu.dma_semaphore, #tpu.memory_space<semaphore_mem>>) attributes {dimension_semantics = [#tpu.dimension_semantics<core_parallel>, #tpu.dimension_semantics<subcore_parallel>], iteration_bounds = array<i64: 2, 16>, scalar_prefetch = 0 : i64, scratch_operands = 6 : i64, tpu.core_type = #tpu.core_type<sc_vector_subcore>, window_params = [{transform_indices = #map}, {transform_indices = #map1}]} {
    %mul3A = arith.constant 16 : i32
    %mul3A_0 = arith.muli %arg0, %mul3A : i32
    %add3A = arith.addi %mul3A_0, %arg1 : i32
    %scan3A = arith.constant 0 : i32
    %scan3A_1 = arith.constant 0 : i32
    %scan3A_2 = arith.constant 40 : i32
    %scan3A_3 = arith.addi %scan3A_1, %scan3A_2 : i32
    %scan3A_4 = arith.constant 1 : i32
    scf.for %scan3A_46 = %scan3A_1 to %scan3A_3 step %scan3A_4  : i32 {
      %broadcast_in_dim3A_47 = arith.constant 0.000000e+00 : f32
      %broadcast_in_dim3A_48 = vector.broadcast %broadcast_in_dim3A_47 : f32 to vector<16xf32>
      %mul3A_49 = arith.constant 16 : i32
      %mul3A_50 = arith.muli %scan3A_46, %mul3A_49 : i32
      %swap3A_51 = arith.index_cast %mul3A_50 : i32 to index
      %swap3A_52 = tpu.vector_load %arg6[%swap3A_51] {strides = array<i32>} : memref<640xf32, #tpu.memory_space<vmem>>, vector<16xf32>,
      tpu.vector_store %arg6[%swap3A_51], %broadcast_in_dim3A_48 {strides = array<i32>} : memref<640xf32, #tpu.memory_space<vmem>>, vector<16xf32>,
    }
    %scan3A_5 = arith.constant 40 : i32
    %mul3A_6 = arith.constant 640 : i32
    %mul3A_7 = arith.muli %arg1, %mul3A_6 : i32
    "tpu.region"() ({
      %run_scoped3A = tpu.sem_alloc : memref<!tpu.dma_semaphore, #tpu.memory_space<semaphore_mem>>
      %dma_start3A = tpu.memref_slice %arg7[%mul3A_7] : memref<10240xf32, #tpu.memory_space<vmem_shared>> -> memref<640xf32, #tpu.memory_space<vmem_shared>>
      %dma_start3A_46 = tpu.memref_slice %arg7[%mul3A_7] : memref<10240xf32, #tpu.memory_space<vmem_shared>> -> memref<640xf32, #tpu.memory_space<vmem_shared>>
      tpu.enqueue_dma source(%arg6 : memref<640xf32, #tpu.memory_space<vmem>>) target(%dma_start3A_46 : memref<640xf32, #tpu.memory_space<vmem_shared>>) target_semaphore(%run_scoped3A : memref<!tpu.dma_semaphore, #tpu.memory_space<semaphore_mem>>)
      %dma_wait3A = tpu.memref_slice %arg7[%mul3A_7] : memref<10240xf32, #tpu.memory_space<vmem_shared>> -> memref<640xf32, #tpu.memory_space<vmem_shared>>
      %dma_wait3A_47 = tpu.memref_slice %arg7[%mul3A_7] : memref<10240xf32, #tpu.memory_space<vmem_shared>> -> memref<640xf32, #tpu.memory_space<vmem_shared>>
      tpu.wait_dma2 semaphore(%run_scoped3A : memref<!tpu.dma_semaphore, #tpu.memory_space<semaphore_mem>>) src(%arg6 : memref<640xf32, #tpu.memory_space<vmem>>) dst(%dma_wait3A_47 : memref<640xf32, #tpu.memory_space<vmem_shared>>)
      tpu.yield
    }) : () -> ()
    %barrier3A = arith.constant 0 : index
    tpu.barrier barrier_id(%barrier3A)
    "tpu.region"() ({
      %run_scoped3A = tpu.sem_alloc : memref<!tpu.dma_semaphore, #tpu.memory_space<semaphore_mem>>
      %dma_start3A = arith.constant 0 : i32
      %dma_start3A_46 = arith.constant 0 : i32
      %dma_start3A_47 = tpu.memref_slice %arg2[%add3A, %dma_start3A, %dma_start3A_46] : memref<32x125x80xi32, #tpu.memory_space<hbm>> -> memref<1x125x80xi32, #tpu.memory_space<hbm>>
      %dma_start3A_48 = tpu.memref_squeeze %dma_start3A_47 : memref<1x125x80xi32, #tpu.memory_space<hbm>> -> memref<125x80xi32, #tpu.memory_space<hbm>>
      %dma_start3A_49 = arith.constant 0 : i32
      %dma_start3A_50 = arith.constant 0 : i32
      %dma_start3A_51 = tpu.memref_slice %arg2[%add3A, %dma_start3A_49, %dma_start3A_50] : memref<32x125x80xi32, #tpu.memory_space<hbm>> -> memref<1x125x80xi32, #tpu.memory_space<hbm>>
      %dma_start3A_52 = tpu.memref_squeeze %dma_start3A_51 : memref<1x125x80xi32, #tpu.memory_space<hbm>> -> memref<125x80xi32, #tpu.memory_space<hbm>>
      tpu.enqueue_dma source(%dma_start3A_52 : memref<125x80xi32, #tpu.memory_space<hbm>>) target(%arg4 : memref<125x80xi32, #tpu.memory_space<vmem>>) target_semaphore(%run_scoped3A : memref<!tpu.dma_semaphore, #tpu.memory_space<semaphore_mem>>)
      %dma_wait3A = arith.constant 0 : i32
      %dma_wait3A_53 = arith.constant 0 : i32
      %dma_wait3A_54 = tpu.memref_slice %arg2[%add3A, %dma_wait3A, %dma_wait3A_53] : memref<32x125x80xi32, #tpu.memory_space<hbm>> -> memref<1x125x80xi32, #tpu.memory_space<hbm>>
      %dma_wait3A_55 = tpu.memref_squeeze %dma_wait3A_54 : memref<1x125x80xi32, #tpu.memory_space<hbm>> -> memref<125x80xi32, #tpu.memory_space<hbm>>
      %dma_wait3A_56 = arith.constant 0 : i32
      %dma_wait3A_57 = arith.constant 0 : i32
      %dma_wait3A_58 = tpu.memref_slice %arg2[%add3A, %dma_wait3A_56, %dma_wait3A_57] : memref<32x125x80xi32, #tpu.memory_space<hbm>> -> memref<1x125x80xi32, #tpu.memory_space<hbm>>
      %dma_wait3A_59 = tpu.memref_squeeze %dma_wait3A_58 : memref<1x125x80xi32, #tpu.memory_space<hbm>> -> memref<125x80xi32, #tpu.memory_space<hbm>>
      tpu.wait_dma2 semaphore(%run_scoped3A : memref<!tpu.dma_semaphore, #tpu.memory_space<semaphore_mem>>) src(%dma_wait3A_59 : memref<125x80xi32, #tpu.memory_space<hbm>>) dst(%arg4 : memref<125x80xi32, #tpu.memory_space<vmem>>)
      tpu.yield
    }) : () -> ()
    %broadcast_in_dim3A = arith.constant 1.000000e+00 : f32
    %broadcast_in_dim3A_8 = vector.broadcast %broadcast_in_dim3A : f32 to vector<16xf32>
    %swap3A = arith.constant 0 : index
    %swap3A_9 = tpu.vector_load %arg5[%swap3A] {strides = array<i32>} : memref<80xf32, #tpu.memory_space<vmem>>, vector<16xf32>,
    tpu.vector_store %arg5[%swap3A], %broadcast_in_dim3A_8 {strides = array<i32>} : memref<80xf32, #tpu.memory_space<vmem>>, vector<16xf32>,
    %broadcast_in_dim3A_10 = arith.constant 1.000000e+00 : f32
    %broadcast_in_dim3A_11 = vector.broadcast %broadcast_in_dim3A_10 : f32 to vector<16xf32>
    %swap3A_12 = arith.constant 16 : index
    %swap3A_13 = tpu.vector_load %arg5[%swap3A_12] {strides = array<i32>} : memref<80xf32, #tpu.memory_space<vmem>>, vector<16xf32>,
    tpu.vector_store %arg5[%swap3A_12], %broadcast_in_dim3A_11 {strides = array<i32>} : memref<80xf32, #tpu.memory_space<vmem>>, vector<16xf32>,
    %broadcast_in_dim3A_14 = arith.constant 1.000000e+00 : f32
    %broadcast_in_dim3A_15 = vector.broadcast %broadcast_in_dim3A_14 : f32 to vector<16xf32>
    %swap3A_16 = arith.constant 32 : index
    %swap3A_17 = tpu.vector_load %arg5[%swap3A_16] {strides = array<i32>} : memref<80xf32, #tpu.memory_space<vmem>>, vector<16xf32>,
    tpu.vector_store %arg5[%swap3A_16], %broadcast_in_dim3A_15 {strides = array<i32>} : memref<80xf32, #tpu.memory_space<vmem>>, vector<16xf32>,
    %broadcast_in_dim3A_18 = arith.constant 1.000000e+00 : f32
    %broadcast_in_dim3A_19 = vector.broadcast %broadcast_in_dim3A_18 : f32 to vector<16xf32>
    %swap3A_20 = arith.constant 48 : index
    %swap3A_21 = tpu.vector_load %arg5[%swap3A_20] {strides = array<i32>} : memref<80xf32, #tpu.memory_space<vmem>>, vector<16xf32>,
    tpu.vector_store %arg5[%swap3A_20], %broadcast_in_dim3A_19 {strides = array<i32>} : memref<80xf32, #tpu.memory_space<vmem>>, vector<16xf32>,
    %broadcast_in_dim3A_22 = arith.constant 1.000000e+00 : f32
    %broadcast_in_dim3A_23 = vector.broadcast %broadcast_in_dim3A_22 : f32 to vector<16xf32>
    %swap3A_24 = arith.constant 64 : index
    %swap3A_25 = tpu.vector_load %arg5[%swap3A_24] {strides = array<i32>} : memref<80xf32, #tpu.memory_space<vmem>>, vector<16xf32>,
    tpu.vector_store %arg5[%swap3A_24], %broadcast_in_dim3A_23 {strides = array<i32>} : memref<80xf32, #tpu.memory_space<vmem>>, vector<16xf32>,
    %scan3A_26 = arith.constant 0 : i32
    %scan3A_27 = arith.constant 0 : i32
    %scan3A_28 = arith.constant 125 : i32
    %scan3A_29 = arith.addi %scan3A_27, %scan3A_28 : i32
    %scan3A_30 = arith.constant 1 : i32
    scf.for %scan3A_46 = %scan3A_27 to %scan3A_29 step %scan3A_30  : i32 {
      %dma_start3A = arith.constant 0 : i32
      %dma_start3A_47 = tpu.memref_slice %arg4[%scan3A_46, %dma_start3A] : memref<125x80xi32, #tpu.memory_space<vmem>> -> memref<1x80xi32, #tpu.memory_space<vmem>>
      %dma_start3A_48 = tpu.memref_squeeze %dma_start3A_47 : memref<1x80xi32, #tpu.memory_space<vmem>> -> memref<80xi32, #tpu.memory_space<vmem>>
      %dma_start3A_49 = arith.constant 0 : i32
      %dma_start3A_50 = tpu.memref_slice %arg7[%dma_start3A_49] : memref<10240xf32, #tpu.memory_space<vmem_shared>> -> memref<10240xf32, #tpu.memory_space<vmem_shared>>
      tpu.enqueue_indirect_dma source(%arg5 : memref<80xf32, #tpu.memory_space<vmem>>) target(%dma_start3A_50 : memref<10240xf32, #tpu.memory_space<vmem_shared>>) offsets(%dma_start3A_48 : memref<80xi32, #tpu.memory_space<vmem>>) semaphore(%arg9 : memref<!tpu.dma_semaphore, #tpu.memory_space<semaphore_mem>>) {add = true}
      %ge3A = arith.constant 16 : i32
      %ge3A_51 = arith.cmpi sge, %scan3A_46, %ge3A : i32
      %convert_element_type3A = arith.extui %ge3A_51 : i1 to i32
      %cond3A = arith.constant 0 : i32
      %cond3A_52 = arith.cmpi ne, %convert_element_type3A, %cond3A : i32
      scf.if %cond3A_52 {
        %dma_wait3A = arith.constant 0 : i32
        %dma_wait3A_53 = arith.constant 0 : i32
        %dma_wait3A_54 = tpu.memref_slice %arg4[%dma_wait3A, %dma_wait3A_53] : memref<125x80xi32, #tpu.memory_space<vmem>> -> memref<1x80xi32, #tpu.memory_space<vmem>>
        %dma_wait3A_55 = tpu.memref_squeeze %dma_wait3A_54 : memref<1x80xi32, #tpu.memory_space<vmem>> -> memref<80xi32, #tpu.memory_space<vmem>>
        %dma_wait3A_56 = arith.constant 0 : i32
        %dma_wait3A_57 = tpu.memref_slice %arg7[%dma_wait3A_56] : memref<10240xf32, #tpu.memory_space<vmem_shared>> -> memref<10240xf32, #tpu.memory_space<vmem_shared>>
        tpu.wait_indirect_dma semaphore(%arg9 : memref<!tpu.dma_semaphore, #tpu.memory_space<semaphore_mem>>) src(%arg5 : memref<80xf32, #tpu.memory_space<vmem>>) dst(%dma_wait3A_57 : memref<10240xf32, #tpu.memory_space<vmem_shared>>)
      } else {
      }
    }
    %scan3A_31 = arith.constant 125 : i32
    %scan3A_32 = arith.constant 0 : i32
    %scan3A_33 = arith.constant 0 : i32
    %scan3A_34 = arith.constant 16 : i32
    %scan3A_35 = arith.addi %scan3A_33, %scan3A_34 : i32
    %scan3A_36 = arith.constant 1 : i32
    scf.for %scan3A_46 = %scan3A_33 to %scan3A_35 step %scan3A_36  : i32 {
      %dma_wait3A = arith.constant 0 : i32
      %dma_wait3A_47 = arith.constant 0 : i32
      %dma_wait3A_48 = tpu.memref_slice %arg4[%dma_wait3A, %dma_wait3A_47] : memref<125x80xi32, #tpu.memory_space<vmem>> -> memref<1x80xi32, #tpu.memory_space<vmem>>
      %dma_wait3A_49 = tpu.memref_squeeze %dma_wait3A_48 : memref<1x80xi32, #tpu.memory_space<vmem>> -> memref<80xi32, #tpu.memory_space<vmem>>
      %dma_wait3A_50 = arith.constant 0 : i32
      %dma_wait3A_51 = tpu.memref_slice %arg7[%dma_wait3A_50] : memref<10240xf32, #tpu.memory_space<vmem_shared>> -> memref<10240xf32, #tpu.memory_space<vmem_shared>>
      tpu.wait_indirect_dma semaphore(%arg9 : memref<!tpu.dma_semaphore, #tpu.memory_space<semaphore_mem>>) src(%arg5 : memref<80xf32, #tpu.memory_space<vmem>>) dst(%dma_wait3A_51 : memref<10240xf32, #tpu.memory_space<vmem_shared>>)
    }
    %scan3A_37 = arith.constant 16 : i32
    %barrier3A_38 = arith.constant 0 : index
    tpu.barrier barrier_id(%barrier3A_38)
    %mul3A_39 = arith.constant 640 : i32
    %mul3A_40 = arith.muli %arg1, %mul3A_39 : i32
    "tpu.region"() ({
      %run_scoped3A = tpu.sem_alloc : memref<!tpu.dma_semaphore, #tpu.memory_space<semaphore_mem>>
      %dma_start3A = tpu.memref_slice %arg7[%mul3A_40] : memref<10240xf32, #tpu.memory_space<vmem_shared>> -> memref<640xf32, #tpu.memory_space<vmem_shared>>
      %dma_start3A_46 = tpu.memref_slice %arg7[%mul3A_40] : memref<10240xf32, #tpu.memory_space<vmem_shared>> -> memref<640xf32, #tpu.memory_space<vmem_shared>>
      tpu.enqueue_dma source(%dma_start3A_46 : memref<640xf32, #tpu.memory_space<vmem_shared>>) target(%arg8 : memref<640xf32, #tpu.memory_space<vmem>>) target_semaphore(%run_scoped3A : memref<!tpu.dma_semaphore, #tpu.memory_space<semaphore_mem>>)
      %dma_wait3A = tpu.memref_slice %arg7[%mul3A_40] : memref<10240xf32, #tpu.memory_space<vmem_shared>> -> memref<640xf32, #tpu.memory_space<vmem_shared>>
      %dma_wait3A_47 = tpu.memref_slice %arg7[%mul3A_40] : memref<10240xf32, #tpu.memory_space<vmem_shared>> -> memref<640xf32, #tpu.memory_space<vmem_shared>>
      tpu.wait_dma2 semaphore(%run_scoped3A : memref<!tpu.dma_semaphore, #tpu.memory_space<semaphore_mem>>) src(%dma_wait3A_47 : memref<640xf32, #tpu.memory_space<vmem_shared>>) dst(%arg8 : memref<640xf32, #tpu.memory_space<vmem>>)
      tpu.yield
    }) : () -> ()
    %mul3A_41 = arith.constant 10240 : i32
    %mul3A_42 = arith.muli %arg0, %mul3A_41 : i32
    %mul3A_43 = arith.constant 640 : i32
    %mul3A_44 = arith.muli %arg1, %mul3A_43 : i32
    %add3A_45 = arith.addi %mul3A_42, %mul3A_44 : i32
    "tpu.region"() ({
      %run_scoped3A = tpu.sem_alloc : memref<!tpu.dma_semaphore, #tpu.memory_space<semaphore_mem>>
      %dma_start3A = tpu.memref_slice %arg3[%add3A_45] : memref<20480xf32, #tpu.memory_space<hbm>> -> memref<640xf32, #tpu.memory_space<hbm>>
      %dma_start3A_46 = tpu.memref_slice %arg3[%add3A_45] : memref<20480xf32, #tpu.memory_space<hbm>> -> memref<640xf32, #tpu.memory_space<hbm>>
      tpu.enqueue_dma source(%arg8 : memref<640xf32, #tpu.memory_space<vmem>>) target(%dma_start3A_46 : memref<640xf32, #tpu.memory_space<hbm>>) target_semaphore(%run_scoped3A : memref<!tpu.dma_semaphore, #tpu.memory_space<semaphore_mem>>)
      %dma_wait3A = tpu.memref_slice %arg3[%add3A_45] : memref<20480xf32, #tpu.memory_space<hbm>> -> memref<640xf32, #tpu.memory_space<hbm>>
      %dma_wait3A_47 = tpu.memref_slice %arg3[%add3A_45] : memref<20480xf32, #tpu.memory_space<hbm>> -> memref<640xf32, #tpu.memory_space<hbm>>
      tpu.wait_dma2 semaphore(%run_scoped3A : memref<!tpu.dma_semaphore, #tpu.memory_space<semaphore_mem>>) src(%arg8 : memref<640xf32, #tpu.memory_space<vmem>>) dst(%dma_wait3A_47 : memref<640xf32, #tpu.memory_space<hbm>>)
      tpu.yield
    }) : () -> ()
    return
  }
}

#map = affine_map<(d0, d1) -> (0, 0)>
#map1 = affine_map<(d0, d1) -> (0, 0, 0)>
module attributes {stable_mosaic.version = 14 : i64} {
  func.func @_spmm_body(%arg0: i32, %arg1: i32, %arg2: memref<10240x128xf32, #tpu.memory_space<hbm>>, %arg3: memref<32x10000xi32, #tpu.memory_space<hbm>>, %arg4: memref<32x125x80xi32, #tpu.memory_space<hbm>>, %arg5: memref<80x128xf32, #tpu.memory_space<hbm>>, %arg6: memref<20480x128xf32, #tpu.memory_space<hbm>>, %arg7: memref<10000xi32, #tpu.memory_space<vmem>>, %arg8: memref<125x80xi32, #tpu.memory_space<vmem>>, %arg9: memref<80x128xf32, #tpu.memory_space<vmem>>, %arg10: memref<80x128xf32, #tpu.memory_space<vmem>>, %arg11: memref<10240x128xf32, #tpu.memory_space<vmem_shared>>, %arg12: memref<!tpu.dma_semaphore, #tpu.memory_space<semaphore_mem>>, %arg13: memref<!tpu.dma_semaphore, #tpu.memory_space<semaphore_mem>>) attributes {dimension_semantics = [#tpu.dimension_semantics<core_parallel>, #tpu.dimension_semantics<subcore_parallel>], iteration_bounds = array<i64: 2, 16>, scalar_prefetch = 0 : i64, scratch_operands = 7 : i64, tpu.core_type = #tpu.core_type<sc_vector_subcore>, window_params = [{transform_indices = #map}, {transform_indices = #map}, {transform_indices = #map1}, {transform_indices = #map}, {transform_indices = #map}]} {
    %mul3A = arith.constant 16 : i32
    %mul3A_0 = arith.muli %arg0, %mul3A : i32
    %add3A = arith.addi %mul3A_0, %arg1 : i32
    "tpu.region"() ({
      %run_scoped3A = tpu.sem_alloc : memref<!tpu.dma_semaphore, #tpu.memory_space<semaphore_mem>>
      tpu.enqueue_dma source(%arg5 : memref<80x128xf32, #tpu.memory_space<hbm>>) target(%arg9 : memref<80x128xf32, #tpu.memory_space<vmem>>) target_semaphore(%run_scoped3A : memref<!tpu.dma_semaphore, #tpu.memory_space<semaphore_mem>>)
      tpu.wait_dma2 semaphore(%run_scoped3A : memref<!tpu.dma_semaphore, #tpu.memory_space<semaphore_mem>>) src(%arg5 : memref<80x128xf32, #tpu.memory_space<hbm>>) dst(%arg9 : memref<80x128xf32, #tpu.memory_space<vmem>>)
      tpu.yield
    }) : () -> ()
    %mul3A_1 = arith.constant 640 : i32
    %mul3A_2 = arith.muli %arg1, %mul3A_1 : i32
    %add3A_3 = arith.constant 0 : i32
    %add3A_4 = arith.addi %mul3A_2, %add3A_3 : i32
    "tpu.region"() ({
      %run_scoped3A = tpu.sem_alloc : memref<!tpu.dma_semaphore, #tpu.memory_space<semaphore_mem>>
      %dma_start3A_99 = arith.constant 0 : i32
      %dma_start3A_100 = tpu.memref_slice %arg11[%add3A_4, %dma_start3A_99] : memref<10240x128xf32, #tpu.memory_space<vmem_shared>> -> memref<80x128xf32, #tpu.memory_space<vmem_shared>>
      %dma_start3A_101 = arith.constant 0 : i32
      %dma_start3A_102 = tpu.memref_slice %arg11[%add3A_4, %dma_start3A_101] : memref<10240x128xf32, #tpu.memory_space<vmem_shared>> -> memref<80x128xf32, #tpu.memory_space<vmem_shared>>
      tpu.enqueue_dma source(%arg9 : memref<80x128xf32, #tpu.memory_space<vmem>>) target(%dma_start3A_102 : memref<80x128xf32, #tpu.memory_space<vmem_shared>>) target_semaphore(%run_scoped3A : memref<!tpu.dma_semaphore, #tpu.memory_space<semaphore_mem>>)
      %dma_wait3A = arith.constant 0 : i32
      %dma_wait3A_103 = tpu.memref_slice %arg11[%add3A_4, %dma_wait3A] : memref<10240x128xf32, #tpu.memory_space<vmem_shared>> -> memref<80x128xf32, #tpu.memory_space<vmem_shared>>
      %dma_wait3A_104 = arith.constant 0 : i32
      %dma_wait3A_105 = tpu.memref_slice %arg11[%add3A_4, %dma_wait3A_104] : memref<10240x128xf32, #tpu.memory_space<vmem_shared>> -> memref<80x128xf32, #tpu.memory_space<vmem_shared>>
      tpu.wait_dma2 semaphore(%run_scoped3A : memref<!tpu.dma_semaphore, #tpu.memory_space<semaphore_mem>>) src(%arg9 : memref<80x128xf32, #tpu.memory_space<vmem>>) dst(%dma_wait3A_105 : memref<80x128xf32, #tpu.memory_space<vmem_shared>>)
      tpu.yield
    }) : () -> ()
    %mul3A_5 = arith.constant 640 : i32
    %mul3A_6 = arith.muli %arg1, %mul3A_5 : i32
    %add3A_7 = arith.constant 80 : i32
    %add3A_8 = arith.addi %mul3A_6, %add3A_7 : i32
    "tpu.region"() ({
      %run_scoped3A = tpu.sem_alloc : memref<!tpu.dma_semaphore, #tpu.memory_space<semaphore_mem>>
      %dma_start3A_99 = arith.constant 0 : i32
      %dma_start3A_100 = tpu.memref_slice %arg11[%add3A_8, %dma_start3A_99] : memref<10240x128xf32, #tpu.memory_space<vmem_shared>> -> memref<80x128xf32, #tpu.memory_space<vmem_shared>>
      %dma_start3A_101 = arith.constant 0 : i32
      %dma_start3A_102 = tpu.memref_slice %arg11[%add3A_8, %dma_start3A_101] : memref<10240x128xf32, #tpu.memory_space<vmem_shared>> -> memref<80x128xf32, #tpu.memory_space<vmem_shared>>
      tpu.enqueue_dma source(%arg9 : memref<80x128xf32, #tpu.memory_space<vmem>>) target(%dma_start3A_102 : memref<80x128xf32, #tpu.memory_space<vmem_shared>>) target_semaphore(%run_scoped3A : memref<!tpu.dma_semaphore, #tpu.memory_space<semaphore_mem>>)
      %dma_wait3A = arith.constant 0 : i32
      %dma_wait3A_103 = tpu.memref_slice %arg11[%add3A_8, %dma_wait3A] : memref<10240x128xf32, #tpu.memory_space<vmem_shared>> -> memref<80x128xf32, #tpu.memory_space<vmem_shared>>
      %dma_wait3A_104 = arith.constant 0 : i32
      %dma_wait3A_105 = tpu.memref_slice %arg11[%add3A_8, %dma_wait3A_104] : memref<10240x128xf32, #tpu.memory_space<vmem_shared>> -> memref<80x128xf32, #tpu.memory_space<vmem_shared>>
      tpu.wait_dma2 semaphore(%run_scoped3A : memref<!tpu.dma_semaphore, #tpu.memory_space<semaphore_mem>>) src(%arg9 : memref<80x128xf32, #tpu.memory_space<vmem>>) dst(%dma_wait3A_105 : memref<80x128xf32, #tpu.memory_space<vmem_shared>>)
      tpu.yield
    }) : () -> ()
    %mul3A_9 = arith.constant 640 : i32
    %mul3A_10 = arith.muli %arg1, %mul3A_9 : i32
    %add3A_11 = arith.constant 160 : i32
    %add3A_12 = arith.addi %mul3A_10, %add3A_11 : i32
    "tpu.region"() ({
      %run_scoped3A = tpu.sem_alloc : memref<!tpu.dma_semaphore, #tpu.memory_space<semaphore_mem>>
      %dma_start3A_99 = arith.constant 0 : i32
      %dma_start3A_100 = tpu.memref_slice %arg11[%add3A_12, %dma_start3A_99] : memref<10240x128xf32, #tpu.memory_space<vmem_shared>> -> memref<80x128xf32, #tpu.memory_space<vmem_shared>>
      %dma_start3A_101 = arith.constant 0 : i32
      %dma_start3A_102 = tpu.memref_slice %arg11[%add3A_12, %dma_start3A_101] : memref<10240x128xf32, #tpu.memory_space<vmem_shared>> -> memref<80x128xf32, #tpu.memory_space<vmem_shared>>
      tpu.enqueue_dma source(%arg9 : memref<80x128xf32, #tpu.memory_space<vmem>>) target(%dma_start3A_102 : memref<80x128xf32, #tpu.memory_space<vmem_shared>>) target_semaphore(%run_scoped3A : memref<!tpu.dma_semaphore, #tpu.memory_space<semaphore_mem>>)
      %dma_wait3A = arith.constant 0 : i32
      %dma_wait3A_103 = tpu.memref_slice %arg11[%add3A_12, %dma_wait3A] : memref<10240x128xf32, #tpu.memory_space<vmem_shared>> -> memref<80x128xf32, #tpu.memory_space<vmem_shared>>
      %dma_wait3A_104 = arith.constant 0 : i32
      %dma_wait3A_105 = tpu.memref_slice %arg11[%add3A_12, %dma_wait3A_104] : memref<10240x128xf32, #tpu.memory_space<vmem_shared>> -> memref<80x128xf32, #tpu.memory_space<vmem_shared>>
      tpu.wait_dma2 semaphore(%run_scoped3A : memref<!tpu.dma_semaphore, #tpu.memory_space<semaphore_mem>>) src(%arg9 : memref<80x128xf32, #tpu.memory_space<vmem>>) dst(%dma_wait3A_105 : memref<80x128xf32, #tpu.memory_space<vmem_shared>>)
      tpu.yield
    }) : () -> ()
    %mul3A_13 = arith.constant 640 : i32
    %mul3A_14 = arith.muli %arg1, %mul3A_13 : i32
    %add3A_15 = arith.constant 240 : i32
    %add3A_16 = arith.addi %mul3A_14, %add3A_15 : i32
    "tpu.region"() ({
      %run_scoped3A = tpu.sem_alloc : memref<!tpu.dma_semaphore, #tpu.memory_space<semaphore_mem>>
      %dma_start3A_99 = arith.constant 0 : i32
      %dma_start3A_100 = tpu.memref_slice %arg11[%add3A_16, %dma_start3A_99] : memref<10240x128xf32, #tpu.memory_space<vmem_shared>> -> memref<80x128xf32, #tpu.memory_space<vmem_shared>>
      %dma_start3A_101 = arith.constant 0 : i32
      %dma_start3A_102 = tpu.memref_slice %arg11[%add3A_16, %dma_start3A_101] : memref<10240x128xf32, #tpu.memory_space<vmem_shared>> -> memref<80x128xf32, #tpu.memory_space<vmem_shared>>
      tpu.enqueue_dma source(%arg9 : memref<80x128xf32, #tpu.memory_space<vmem>>) target(%dma_start3A_102 : memref<80x128xf32, #tpu.memory_space<vmem_shared>>) target_semaphore(%run_scoped3A : memref<!tpu.dma_semaphore, #tpu.memory_space<semaphore_mem>>)
      %dma_wait3A = arith.constant 0 : i32
      %dma_wait3A_103 = tpu.memref_slice %arg11[%add3A_16, %dma_wait3A] : memref<10240x128xf32, #tpu.memory_space<vmem_shared>> -> memref<80x128xf32, #tpu.memory_space<vmem_shared>>
      %dma_wait3A_104 = arith.constant 0 : i32
      %dma_wait3A_105 = tpu.memref_slice %arg11[%add3A_16, %dma_wait3A_104] : memref<10240x128xf32, #tpu.memory_space<vmem_shared>> -> memref<80x128xf32, #tpu.memory_space<vmem_shared>>
      tpu.wait_dma2 semaphore(%run_scoped3A : memref<!tpu.dma_semaphore, #tpu.memory_space<semaphore_mem>>) src(%arg9 : memref<80x128xf32, #tpu.memory_space<vmem>>) dst(%dma_wait3A_105 : memref<80x128xf32, #tpu.memory_space<vmem_shared>>)
      tpu.yield
    }) : () -> ()
    %mul3A_17 = arith.constant 640 : i32
    %mul3A_18 = arith.muli %arg1, %mul3A_17 : i32
    %add3A_19 = arith.constant 320 : i32
    %add3A_20 = arith.addi %mul3A_18, %add3A_19 : i32
    "tpu.region"() ({
      %run_scoped3A = tpu.sem_alloc : memref<!tpu.dma_semaphore, #tpu.memory_space<semaphore_mem>>
      %dma_start3A_99 = arith.constant 0 : i32
      %dma_start3A_100 = tpu.memref_slice %arg11[%add3A_20, %dma_start3A_99] : memref<10240x128xf32, #tpu.memory_space<vmem_shared>> -> memref<80x128xf32, #tpu.memory_space<vmem_shared>>
      %dma_start3A_101 = arith.constant 0 : i32
      %dma_start3A_102 = tpu.memref_slice %arg11[%add3A_20, %dma_start3A_101] : memref<10240x128xf32, #tpu.memory_space<vmem_shared>> -> memref<80x128xf32, #tpu.memory_space<vmem_shared>>
      tpu.enqueue_dma source(%arg9 : memref<80x128xf32, #tpu.memory_space<vmem>>) target(%dma_start3A_102 : memref<80x128xf32, #tpu.memory_space<vmem_shared>>) target_semaphore(%run_scoped3A : memref<!tpu.dma_semaphore, #tpu.memory_space<semaphore_mem>>)
      %dma_wait3A = arith.constant 0 : i32
      %dma_wait3A_103 = tpu.memref_slice %arg11[%add3A_20, %dma_wait3A] : memref<10240x128xf32, #tpu.memory_space<vmem_shared>> -> memref<80x128xf32, #tpu.memory_space<vmem_shared>>
      %dma_wait3A_104 = arith.constant 0 : i32
      %dma_wait3A_105 = tpu.memref_slice %arg11[%add3A_20, %dma_wait3A_104] : memref<10240x128xf32, #tpu.memory_space<vmem_shared>> -> memref<80x128xf32, #tpu.memory_space<vmem_shared>>
      tpu.wait_dma2 semaphore(%run_scoped3A : memref<!tpu.dma_semaphore, #tpu.memory_space<semaphore_mem>>) src(%arg9 : memref<80x128xf32, #tpu.memory_space<vmem>>) dst(%dma_wait3A_105 : memref<80x128xf32, #tpu.memory_space<vmem_shared>>)
      tpu.yield
    }) : () -> ()
    %mul3A_21 = arith.constant 640 : i32
    %mul3A_22 = arith.muli %arg1, %mul3A_21 : i32
    %add3A_23 = arith.constant 400 : i32
    %add3A_24 = arith.addi %mul3A_22, %add3A_23 : i32
    "tpu.region"() ({
      %run_scoped3A = tpu.sem_alloc : memref<!tpu.dma_semaphore, #tpu.memory_space<semaphore_mem>>
      %dma_start3A_99 = arith.constant 0 : i32
      %dma_start3A_100 = tpu.memref_slice %arg11[%add3A_24, %dma_start3A_99] : memref<10240x128xf32, #tpu.memory_space<vmem_shared>> -> memref<80x128xf32, #tpu.memory_space<vmem_shared>>
      %dma_start3A_101 = arith.constant 0 : i32
      %dma_start3A_102 = tpu.memref_slice %arg11[%add3A_24, %dma_start3A_101] : memref<10240x128xf32, #tpu.memory_space<vmem_shared>> -> memref<80x128xf32, #tpu.memory_space<vmem_shared>>
      tpu.enqueue_dma source(%arg9 : memref<80x128xf32, #tpu.memory_space<vmem>>) target(%dma_start3A_102 : memref<80x128xf32, #tpu.memory_space<vmem_shared>>) target_semaphore(%run_scoped3A : memref<!tpu.dma_semaphore, #tpu.memory_space<semaphore_mem>>)
      %dma_wait3A = arith.constant 0 : i32
      %dma_wait3A_103 = tpu.memref_slice %arg11[%add3A_24, %dma_wait3A] : memref<10240x128xf32, #tpu.memory_space<vmem_shared>> -> memref<80x128xf32, #tpu.memory_space<vmem_shared>>
      %dma_wait3A_104 = arith.constant 0 : i32
      %dma_wait3A_105 = tpu.memref_slice %arg11[%add3A_24, %dma_wait3A_104] : memref<10240x128xf32, #tpu.memory_space<vmem_shared>> -> memref<80x128xf32, #tpu.memory_space<vmem_shared>>
      tpu.wait_dma2 semaphore(%run_scoped3A : memref<!tpu.dma_semaphore, #tpu.memory_space<semaphore_mem>>) src(%arg9 : memref<80x128xf32, #tpu.memory_space<vmem>>) dst(%dma_wait3A_105 : memref<80x128xf32, #tpu.memory_space<vmem_shared>>)
      tpu.yield
    }) : () -> ()
    %mul3A_25 = arith.constant 640 : i32
    %mul3A_26 = arith.muli %arg1, %mul3A_25 : i32
    %add3A_27 = arith.constant 480 : i32
    %add3A_28 = arith.addi %mul3A_26, %add3A_27 : i32
    "tpu.region"() ({
      %run_scoped3A = tpu.sem_alloc : memref<!tpu.dma_semaphore, #tpu.memory_space<semaphore_mem>>
      %dma_start3A_99 = arith.constant 0 : i32
      %dma_start3A_100 = tpu.memref_slice %arg11[%add3A_28, %dma_start3A_99] : memref<10240x128xf32, #tpu.memory_space<vmem_shared>> -> memref<80x128xf32, #tpu.memory_space<vmem_shared>>
      %dma_start3A_101 = arith.constant 0 : i32
      %dma_start3A_102 = tpu.memref_slice %arg11[%add3A_28, %dma_start3A_101] : memref<10240x128xf32, #tpu.memory_space<vmem_shared>> -> memref<80x128xf32, #tpu.memory_space<vmem_shared>>
      tpu.enqueue_dma source(%arg9 : memref<80x128xf32, #tpu.memory_space<vmem>>) target(%dma_start3A_102 : memref<80x128xf32, #tpu.memory_space<vmem_shared>>) target_semaphore(%run_scoped3A : memref<!tpu.dma_semaphore, #tpu.memory_space<semaphore_mem>>)
      %dma_wait3A = arith.constant 0 : i32
      %dma_wait3A_103 = tpu.memref_slice %arg11[%add3A_28, %dma_wait3A] : memref<10240x128xf32, #tpu.memory_space<vmem_shared>> -> memref<80x128xf32, #tpu.memory_space<vmem_shared>>
      %dma_wait3A_104 = arith.constant 0 : i32
      %dma_wait3A_105 = tpu.memref_slice %arg11[%add3A_28, %dma_wait3A_104] : memref<10240x128xf32, #tpu.memory_space<vmem_shared>> -> memref<80x128xf32, #tpu.memory_space<vmem_shared>>
      tpu.wait_dma2 semaphore(%run_scoped3A : memref<!tpu.dma_semaphore, #tpu.memory_space<semaphore_mem>>) src(%arg9 : memref<80x128xf32, #tpu.memory_space<vmem>>) dst(%dma_wait3A_105 : memref<80x128xf32, #tpu.memory_space<vmem_shared>>)
      tpu.yield
    }) : () -> ()
    %mul3A_29 = arith.constant 640 : i32
    %mul3A_30 = arith.muli %arg1, %mul3A_29 : i32
    %add3A_31 = arith.constant 560 : i32
    %add3A_32 = arith.addi %mul3A_30, %add3A_31 : i32
    "tpu.region"() ({
      %run_scoped3A = tpu.sem_alloc : memref<!tpu.dma_semaphore, #tpu.memory_space<semaphore_mem>>
      %dma_start3A_99 = arith.constant 0 : i32
      %dma_start3A_100 = tpu.memref_slice %arg11[%add3A_32, %dma_start3A_99] : memref<10240x128xf32, #tpu.memory_space<vmem_shared>> -> memref<80x128xf32, #tpu.memory_space<vmem_shared>>
      %dma_start3A_101 = arith.constant 0 : i32
      %dma_start3A_102 = tpu.memref_slice %arg11[%add3A_32, %dma_start3A_101] : memref<10240x128xf32, #tpu.memory_space<vmem_shared>> -> memref<80x128xf32, #tpu.memory_space<vmem_shared>>
      tpu.enqueue_dma source(%arg9 : memref<80x128xf32, #tpu.memory_space<vmem>>) target(%dma_start3A_102 : memref<80x128xf32, #tpu.memory_space<vmem_shared>>) target_semaphore(%run_scoped3A : memref<!tpu.dma_semaphore, #tpu.memory_space<semaphore_mem>>)
      %dma_wait3A = arith.constant 0 : i32
      %dma_wait3A_103 = tpu.memref_slice %arg11[%add3A_32, %dma_wait3A] : memref<10240x128xf32, #tpu.memory_space<vmem_shared>> -> memref<80x128xf32, #tpu.memory_space<vmem_shared>>
      %dma_wait3A_104 = arith.constant 0 : i32
      %dma_wait3A_105 = tpu.memref_slice %arg11[%add3A_32, %dma_wait3A_104] : memref<10240x128xf32, #tpu.memory_space<vmem_shared>> -> memref<80x128xf32, #tpu.memory_space<vmem_shared>>
      tpu.wait_dma2 semaphore(%run_scoped3A : memref<!tpu.dma_semaphore, #tpu.memory_space<semaphore_mem>>) src(%arg9 : memref<80x128xf32, #tpu.memory_space<vmem>>) dst(%dma_wait3A_105 : memref<80x128xf32, #tpu.memory_space<vmem_shared>>)
      tpu.yield
    }) : () -> ()
    %barrier3A = arith.constant 0 : index
    tpu.barrier barrier_id(%barrier3A)
    "tpu.region"() ({
      %run_scoped3A = tpu.sem_alloc : memref<!tpu.dma_semaphore, #tpu.memory_space<semaphore_mem>>
      %dma_start3A_99 = arith.constant 0 : i32
      %dma_start3A_100 = tpu.memref_slice %arg3[%add3A, %dma_start3A_99] : memref<32x10000xi32, #tpu.memory_space<hbm>> -> memref<1x10000xi32, #tpu.memory_space<hbm>>
      %dma_start3A_101 = tpu.memref_squeeze %dma_start3A_100 : memref<1x10000xi32, #tpu.memory_space<hbm>> -> memref<10000xi32, #tpu.memory_space<hbm>>
      %dma_start3A_102 = arith.constant 0 : i32
      %dma_start3A_103 = tpu.memref_slice %arg3[%add3A, %dma_start3A_102] : memref<32x10000xi32, #tpu.memory_space<hbm>> -> memref<1x10000xi32, #tpu.memory_space<hbm>>
      %dma_start3A_104 = tpu.memref_squeeze %dma_start3A_103 : memref<1x10000xi32, #tpu.memory_space<hbm>> -> memref<10000xi32, #tpu.memory_space<hbm>>
      tpu.enqueue_dma source(%dma_start3A_104 : memref<10000xi32, #tpu.memory_space<hbm>>) target(%arg7 : memref<10000xi32, #tpu.memory_space<vmem>>) target_semaphore(%run_scoped3A : memref<!tpu.dma_semaphore, #tpu.memory_space<semaphore_mem>>)
      %dma_wait3A = arith.constant 0 : i32
      %dma_wait3A_105 = tpu.memref_slice %arg3[%add3A, %dma_wait3A] : memref<32x10000xi32, #tpu.memory_space<hbm>> -> memref<1x10000xi32, #tpu.memory_space<hbm>>
      %dma_wait3A_106 = tpu.memref_squeeze %dma_wait3A_105 : memref<1x10000xi32, #tpu.memory_space<hbm>> -> memref<10000xi32, #tpu.memory_space<hbm>>
      %dma_wait3A_107 = arith.constant 0 : i32
      %dma_wait3A_108 = tpu.memref_slice %arg3[%add3A, %dma_wait3A_107] : memref<32x10000xi32, #tpu.memory_space<hbm>> -> memref<1x10000xi32, #tpu.memory_space<hbm>>
      %dma_wait3A_109 = tpu.memref_squeeze %dma_wait3A_108 : memref<1x10000xi32, #tpu.memory_space<hbm>> -> memref<10000xi32, #tpu.memory_space<hbm>>
      tpu.wait_dma2 semaphore(%run_scoped3A : memref<!tpu.dma_semaphore, #tpu.memory_space<semaphore_mem>>) src(%dma_wait3A_109 : memref<10000xi32, #tpu.memory_space<hbm>>) dst(%arg7 : memref<10000xi32, #tpu.memory_space<vmem>>)
      tpu.yield
    }) : () -> ()
    "tpu.region"() ({
      %run_scoped3A = tpu.sem_alloc : memref<!tpu.dma_semaphore, #tpu.memory_space<semaphore_mem>>
      %dma_start3A_99 = arith.constant 0 : i32
      %dma_start3A_100 = arith.constant 0 : i32
      %dma_start3A_101 = tpu.memref_slice %arg4[%add3A, %dma_start3A_99, %dma_start3A_100] : memref<32x125x80xi32, #tpu.memory_space<hbm>> -> memref<1x125x80xi32, #tpu.memory_space<hbm>>
      %dma_start3A_102 = tpu.memref_squeeze %dma_start3A_101 : memref<1x125x80xi32, #tpu.memory_space<hbm>> -> memref<125x80xi32, #tpu.memory_space<hbm>>
      %dma_start3A_103 = arith.constant 0 : i32
      %dma_start3A_104 = arith.constant 0 : i32
      %dma_start3A_105 = tpu.memref_slice %arg4[%add3A, %dma_start3A_103, %dma_start3A_104] : memref<32x125x80xi32, #tpu.memory_space<hbm>> -> memref<1x125x80xi32, #tpu.memory_space<hbm>>
      %dma_start3A_106 = tpu.memref_squeeze %dma_start3A_105 : memref<1x125x80xi32, #tpu.memory_space<hbm>> -> memref<125x80xi32, #tpu.memory_space<hbm>>
      tpu.enqueue_dma source(%dma_start3A_106 : memref<125x80xi32, #tpu.memory_space<hbm>>) target(%arg8 : memref<125x80xi32, #tpu.memory_space<vmem>>) target_semaphore(%run_scoped3A : memref<!tpu.dma_semaphore, #tpu.memory_space<semaphore_mem>>)
      %dma_wait3A = arith.constant 0 : i32
      %dma_wait3A_107 = arith.constant 0 : i32
      %dma_wait3A_108 = tpu.memref_slice %arg4[%add3A, %dma_wait3A, %dma_wait3A_107] : memref<32x125x80xi32, #tpu.memory_space<hbm>> -> memref<1x125x80xi32, #tpu.memory_space<hbm>>
      %dma_wait3A_109 = tpu.memref_squeeze %dma_wait3A_108 : memref<1x125x80xi32, #tpu.memory_space<hbm>> -> memref<125x80xi32, #tpu.memory_space<hbm>>
      %dma_wait3A_110 = arith.constant 0 : i32
      %dma_wait3A_111 = arith.constant 0 : i32
      %dma_wait3A_112 = tpu.memref_slice %arg4[%add3A, %dma_wait3A_110, %dma_wait3A_111] : memref<32x125x80xi32, #tpu.memory_space<hbm>> -> memref<1x125x80xi32, #tpu.memory_space<hbm>>
      %dma_wait3A_113 = tpu.memref_squeeze %dma_wait3A_112 : memref<1x125x80xi32, #tpu.memory_space<hbm>> -> memref<125x80xi32, #tpu.memory_space<hbm>>
      tpu.wait_dma2 semaphore(%run_scoped3A : memref<!tpu.dma_semaphore, #tpu.memory_space<semaphore_mem>>) src(%dma_wait3A_113 : memref<125x80xi32, #tpu.memory_space<hbm>>) dst(%arg8 : memref<125x80xi32, #tpu.memory_space<vmem>>)
      tpu.yield
    }) : () -> ()
    %dma_start3A = arith.constant 0 : i32
    %dma_start3A_33 = tpu.memref_slice %arg7[%dma_start3A] : memref<10000xi32, #tpu.memory_space<vmem>> -> memref<80xi32, #tpu.memory_space<vmem>>
    %dma_start3A_34 = arith.constant 0 : i32
    %dma_start3A_35 = arith.constant 0 : i32
    %dma_start3A_36 = tpu.memref_slice %arg2[%dma_start3A_34, %dma_start3A_35] : memref<10240x128xf32, #tpu.memory_space<hbm>> -> memref<10240x128xf32, #tpu.memory_space<hbm>>
    tpu.enqueue_indirect_dma source(%dma_start3A_36 : memref<10240x128xf32, #tpu.memory_space<hbm>>) target(%arg9 : memref<80x128xf32, #tpu.memory_space<vmem>>) offsets(%dma_start3A_33 : memref<80xi32, #tpu.memory_space<vmem>>) semaphore(%arg12 : memref<!tpu.dma_semaphore, #tpu.memory_space<semaphore_mem>>)
    %scan3A = arith.constant 0 : i32
    %scan3A_37 = arith.constant 0 : i32
    %scan3A_38 = arith.constant 125 : i32
    %scan3A_39 = arith.addi %scan3A_37, %scan3A_38 : i32
    %scan3A_40 = arith.constant 1 : i32
    scf.for %scan3A_99 = %scan3A_37 to %scan3A_39 step %scan3A_40  : i32 {
      %mul3A_100 = arith.constant 80 : i32
      %mul3A_101 = arith.muli %scan3A_99, %mul3A_100 : i32
      %jit3A = arith.constant 2 : i32
      %eq3A = arith.constant 0 : i32
      %eq3A_102 = arith.cmpi eq, %jit3A, %eq3A : i32
      %jit3A_103 = arith.constant 1 : i32
      %select_n3A = arith.select %eq3A_102, %jit3A_103, %jit3A : i32
      %rem3A = arith.remsi %scan3A_99, %select_n3A : i32
      %ne3A = arith.constant 0 : i32
      %ne3A_104 = arith.cmpi ne, %rem3A, %ne3A : i32
      %lt3A = arith.constant 0 : i32
      %lt3A_105 = arith.cmpi slt, %rem3A, %lt3A : i32
      %lt3A_106 = arith.constant 0 : i32
      %lt3A_107 = arith.cmpi slt, %select_n3A, %lt3A_106 : i32
      %ne3A_108 = arith.xori %lt3A_105, %lt3A_107 : i1
      %and3A = arith.andi %ne3A_108, %ne3A_104 : i1
      %add3A_109 = arith.addi %rem3A, %select_n3A : i32
      %select_n3A_110 = arith.select %and3A, %add3A_109, %rem3A : i32
      %eq3A_111 = arith.constant 0 : i32
      %eq3A_112 = arith.cmpi eq, %select_n3A_110, %eq3A_111 : i32
      %convert_element_type3A = arith.extui %eq3A_112 : i1 to i32
      %cond3A = arith.constant 0 : i32
      %cond3A_113 = arith.cmpi ne, %convert_element_type3A, %cond3A : i32
      scf.if %cond3A_113 {
        %add3A_135 = arith.constant 1 : i32
        %add3A_136 = arith.addi %scan3A_99, %add3A_135 : i32
        %lt3A_137 = arith.constant 125 : i32
        %lt3A_138 = arith.cmpi slt, %add3A_136, %lt3A_137 : i32
        %convert_element_type3A_139 = arith.extui %lt3A_138 : i1 to i32
        %cond3A_140 = arith.constant 0 : i32
        %cond3A_141 = arith.cmpi ne, %convert_element_type3A_139, %cond3A_140 : i32
        scf.if %cond3A_141 {
          %add3A_147 = arith.constant 80 : i32
          %add3A_148 = arith.addi %mul3A_101, %add3A_147 : i32
          %dma_start3A_149 = tpu.memref_slice %arg7[%add3A_148] : memref<10000xi32, #tpu.memory_space<vmem>> -> memref<80xi32, #tpu.memory_space<vmem>>
          %dma_start3A_150 = arith.constant 0 : i32
          %dma_start3A_151 = arith.constant 0 : i32
          %dma_start3A_152 = tpu.memref_slice %arg2[%dma_start3A_150, %dma_start3A_151] : memref<10240x128xf32, #tpu.memory_space<hbm>> -> memref<10240x128xf32, #tpu.memory_space<hbm>>
          tpu.enqueue_indirect_dma source(%dma_start3A_152 : memref<10240x128xf32, #tpu.memory_space<hbm>>) target(%arg10 : memref<80x128xf32, #tpu.memory_space<vmem>>) offsets(%dma_start3A_149 : memref<80xi32, #tpu.memory_space<vmem>>) semaphore(%arg13 : memref<!tpu.dma_semaphore, #tpu.memory_space<semaphore_mem>>)
        } else {
        }
        %dma_wait3A = arith.constant 0 : i32
        %dma_wait3A_142 = arith.constant 0 : i32
        %dma_wait3A_143 = tpu.memref_slice %arg2[%dma_wait3A, %dma_wait3A_142] : memref<10240x128xf32, #tpu.memory_space<hbm>> -> memref<80x128xf32, #tpu.memory_space<hbm>>
        %dma_wait3A_144 = arith.constant 0 : i32
        %dma_wait3A_145 = arith.constant 0 : i32
        %dma_wait3A_146 = tpu.memref_slice %arg2[%dma_wait3A_144, %dma_wait3A_145] : memref<10240x128xf32, #tpu.memory_space<hbm>> -> memref<80x128xf32, #tpu.memory_space<hbm>>
        tpu.wait_dma2 semaphore(%arg12 : memref<!tpu.dma_semaphore, #tpu.memory_space<semaphore_mem>>) src(%dma_wait3A_146 : memref<80x128xf32, #tpu.memory_space<hbm>>) dst(%arg9 : memref<80x128xf32, #tpu.memory_space<vmem>>)
        "tpu.region"() ({
          %run_scoped3A = tpu.sem_alloc : memref<!tpu.dma_semaphore, #tpu.memory_space<semaphore_mem>>
          %dma_start3A_147 = arith.constant 0 : i32
          %dma_start3A_148 = tpu.memref_slice %arg8[%scan3A_99, %dma_start3A_147] : memref<125x80xi32, #tpu.memory_space<vmem>> -> memref<1x80xi32, #tpu.memory_space<vmem>>
          %dma_start3A_149 = tpu.memref_squeeze %dma_start3A_148 : memref<1x80xi32, #tpu.memory_space<vmem>> -> memref<80xi32, #tpu.memory_space<vmem>>
          %dma_start3A_150 = arith.constant 0 : i32
          %dma_start3A_151 = arith.constant 0 : i32
          %dma_start3A_152 = tpu.memref_slice %arg11[%dma_start3A_150, %dma_start3A_151] : memref<10240x128xf32, #tpu.memory_space<vmem_shared>> -> memref<10240x128xf32, #tpu.memory_space<vmem_shared>>
          tpu.enqueue_indirect_dma source(%arg9 : memref<80x128xf32, #tpu.memory_space<vmem>>) target(%dma_start3A_152 : memref<10240x128xf32, #tpu.memory_space<vmem_shared>>) offsets(%dma_start3A_149 : memref<80xi32, #tpu.memory_space<vmem>>) semaphore(%run_scoped3A : memref<!tpu.dma_semaphore, #tpu.memory_space<semaphore_mem>>) {add = true}
          %dma_wait3A_153 = arith.constant 0 : i32
          %dma_wait3A_154 = tpu.memref_slice %arg8[%scan3A_99, %dma_wait3A_153] : memref<125x80xi32, #tpu.memory_space<vmem>> -> memref<1x80xi32, #tpu.memory_space<vmem>>
          %dma_wait3A_155 = tpu.memref_squeeze %dma_wait3A_154 : memref<1x80xi32, #tpu.memory_space<vmem>> -> memref<80xi32, #tpu.memory_space<vmem>>
          %dma_wait3A_156 = arith.constant 0 : i32
          %dma_wait3A_157 = arith.constant 0 : i32
          %dma_wait3A_158 = tpu.memref_slice %arg11[%dma_wait3A_156, %dma_wait3A_157] : memref<10240x128xf32, #tpu.memory_space<vmem_shared>> -> memref<10240x128xf32, #tpu.memory_space<vmem_shared>>
          tpu.wait_indirect_dma semaphore(%run_scoped3A : memref<!tpu.dma_semaphore, #tpu.memory_space<semaphore_mem>>) src(%arg9 : memref<80x128xf32, #tpu.memory_space<vmem>>) dst(%dma_wait3A_158 : memref<10240x128xf32, #tpu.memory_space<vmem_shared>>)
          tpu.yield
        }) : () -> ()
      } else {
      }
      %jit3A_114 = arith.constant 2 : i32
      %eq3A_115 = arith.constant 0 : i32
      %eq3A_116 = arith.cmpi eq, %jit3A_114, %eq3A_115 : i32
      %jit3A_117 = arith.constant 1 : i32
      %select_n3A_118 = arith.select %eq3A_116, %jit3A_117, %jit3A_114 : i32
      %rem3A_119 = arith.remsi %scan3A_99, %select_n3A_118 : i32
      %ne3A_120 = arith.constant 0 : i32
      %ne3A_121 = arith.cmpi ne, %rem3A_119, %ne3A_120 : i32
      %lt3A_122 = arith.constant 0 : i32
      %lt3A_123 = arith.cmpi slt, %rem3A_119, %lt3A_122 : i32
      %lt3A_124 = arith.constant 0 : i32
      %lt3A_125 = arith.cmpi slt, %select_n3A_118, %lt3A_124 : i32
      %ne3A_126 = arith.xori %lt3A_123, %lt3A_125 : i1
      %and3A_127 = arith.andi %ne3A_126, %ne3A_121 : i1
      %add3A_128 = arith.addi %rem3A_119, %select_n3A_118 : i32
      %select_n3A_129 = arith.select %and3A_127, %add3A_128, %rem3A_119 : i32
      %eq3A_130 = arith.constant 1 : i32
      %eq3A_131 = arith.cmpi eq, %select_n3A_129, %eq3A_130 : i32
      %convert_element_type3A_132 = arith.extui %eq3A_131 : i1 to i32
      %cond3A_133 = arith.constant 0 : i32
      %cond3A_134 = arith.cmpi ne, %convert_element_type3A_132, %cond3A_133 : i32
      scf.if %cond3A_134 {
        %add3A_135 = arith.constant 1 : i32
        %add3A_136 = arith.addi %scan3A_99, %add3A_135 : i32
        %lt3A_137 = arith.constant 125 : i32
        %lt3A_138 = arith.cmpi slt, %add3A_136, %lt3A_137 : i32
        %convert_element_type3A_139 = arith.extui %lt3A_138 : i1 to i32
        %cond3A_140 = arith.constant 0 : i32
        %cond3A_141 = arith.cmpi ne, %convert_element_type3A_139, %cond3A_140 : i32
        scf.if %cond3A_141 {
          %add3A_147 = arith.constant 80 : i32
          %add3A_148 = arith.addi %mul3A_101, %add3A_147 : i32
          %dma_start3A_149 = tpu.memref_slice %arg7[%add3A_148] : memref<10000xi32, #tpu.memory_space<vmem>> -> memref<80xi32, #tpu.memory_space<vmem>>
          %dma_start3A_150 = arith.constant 0 : i32
          %dma_start3A_151 = arith.constant 0 : i32
          %dma_start3A_152 = tpu.memref_slice %arg2[%dma_start3A_150, %dma_start3A_151] : memref<10240x128xf32, #tpu.memory_space<hbm>> -> memref<10240x128xf32, #tpu.memory_space<hbm>>
          tpu.enqueue_indirect_dma source(%dma_start3A_152 : memref<10240x128xf32, #tpu.memory_space<hbm>>) target(%arg9 : memref<80x128xf32, #tpu.memory_space<vmem>>) offsets(%dma_start3A_149 : memref<80xi32, #tpu.memory_space<vmem>>) semaphore(%arg12 : memref<!tpu.dma_semaphore, #tpu.memory_space<semaphore_mem>>)
        } else {
        }
        %dma_wait3A = arith.constant 0 : i32
        %dma_wait3A_142 = arith.constant 0 : i32
        %dma_wait3A_143 = tpu.memref_slice %arg2[%dma_wait3A, %dma_wait3A_142] : memref<10240x128xf32, #tpu.memory_space<hbm>> -> memref<80x128xf32, #tpu.memory_space<hbm>>
        %dma_wait3A_144 = arith.constant 0 : i32
        %dma_wait3A_145 = arith.constant 0 : i32
        %dma_wait3A_146 = tpu.memref_slice %arg2[%dma_wait3A_144, %dma_wait3A_145] : memref<10240x128xf32, #tpu.memory_space<hbm>> -> memref<80x128xf32, #tpu.memory_space<hbm>>
        tpu.wait_dma2 semaphore(%arg13 : memref<!tpu.dma_semaphore, #tpu.memory_space<semaphore_mem>>) src(%dma_wait3A_146 : memref<80x128xf32, #tpu.memory_space<hbm>>) dst(%arg10 : memref<80x128xf32, #tpu.memory_space<vmem>>)
        "tpu.region"() ({
          %run_scoped3A = tpu.sem_alloc : memref<!tpu.dma_semaphore, #tpu.memory_space<semaphore_mem>>
          %dma_start3A_147 = arith.constant 0 : i32
          %dma_start3A_148 = tpu.memref_slice %arg8[%scan3A_99, %dma_start3A_147] : memref<125x80xi32, #tpu.memory_space<vmem>> -> memref<1x80xi32, #tpu.memory_space<vmem>>
          %dma_start3A_149 = tpu.memref_squeeze %dma_start3A_148 : memref<1x80xi32, #tpu.memory_space<vmem>> -> memref<80xi32, #tpu.memory_space<vmem>>
          %dma_start3A_150 = arith.constant 0 : i32
          %dma_start3A_151 = arith.constant 0 : i32
          %dma_start3A_152 = tpu.memref_slice %arg11[%dma_start3A_150, %dma_start3A_151] : memref<10240x128xf32, #tpu.memory_space<vmem_shared>> -> memref<10240x128xf32, #tpu.memory_space<vmem_shared>>
          tpu.enqueue_indirect_dma source(%arg10 : memref<80x128xf32, #tpu.memory_space<vmem>>) target(%dma_start3A_152 : memref<10240x128xf32, #tpu.memory_space<vmem_shared>>) offsets(%dma_start3A_149 : memref<80xi32, #tpu.memory_space<vmem>>) semaphore(%run_scoped3A : memref<!tpu.dma_semaphore, #tpu.memory_space<semaphore_mem>>) {add = true}
          %dma_wait3A_153 = arith.constant 0 : i32
          %dma_wait3A_154 = tpu.memref_slice %arg8[%scan3A_99, %dma_wait3A_153] : memref<125x80xi32, #tpu.memory_space<vmem>> -> memref<1x80xi32, #tpu.memory_space<vmem>>
          %dma_wait3A_155 = tpu.memref_squeeze %dma_wait3A_154 : memref<1x80xi32, #tpu.memory_space<vmem>> -> memref<80xi32, #tpu.memory_space<vmem>>
          %dma_wait3A_156 = arith.constant 0 : i32
          %dma_wait3A_157 = arith.constant 0 : i32
          %dma_wait3A_158 = tpu.memref_slice %arg11[%dma_wait3A_156, %dma_wait3A_157] : memref<10240x128xf32, #tpu.memory_space<vmem_shared>> -> memref<10240x128xf32, #tpu.memory_space<vmem_shared>>
          tpu.wait_indirect_dma semaphore(%run_scoped3A : memref<!tpu.dma_semaphore, #tpu.memory_space<semaphore_mem>>) src(%arg10 : memref<80x128xf32, #tpu.memory_space<vmem>>) dst(%dma_wait3A_158 : memref<10240x128xf32, #tpu.memory_space<vmem_shared>>)
          tpu.yield
        }) : () -> ()
      } else {
      }
    }
    %scan3A_41 = arith.constant 125 : i32
    %barrier3A_42 = arith.constant 0 : index
    tpu.barrier barrier_id(%barrier3A_42)
    %mul3A_43 = arith.constant 640 : i32
    %mul3A_44 = arith.muli %arg1, %mul3A_43 : i32
    %add3A_45 = arith.constant 0 : i32
    %add3A_46 = arith.addi %mul3A_44, %add3A_45 : i32
    "tpu.region"() ({
      %run_scoped3A = tpu.sem_alloc : memref<!tpu.dma_semaphore, #tpu.memory_space<semaphore_mem>>
      %dma_start3A_99 = arith.constant 0 : i32
      %dma_start3A_100 = tpu.memref_slice %arg11[%add3A_46, %dma_start3A_99] : memref<10240x128xf32, #tpu.memory_space<vmem_shared>> -> memref<80x128xf32, #tpu.memory_space<vmem_shared>>
      %dma_start3A_101 = arith.constant 0 : i32
      %dma_start3A_102 = tpu.memref_slice %arg11[%add3A_46, %dma_start3A_101] : memref<10240x128xf32, #tpu.memory_space<vmem_shared>> -> memref<80x128xf32, #tpu.memory_space<vmem_shared>>
      tpu.enqueue_dma source(%dma_start3A_102 : memref<80x128xf32, #tpu.memory_space<vmem_shared>>) target(%arg9 : memref<80x128xf32, #tpu.memory_space<vmem>>) target_semaphore(%run_scoped3A : memref<!tpu.dma_semaphore, #tpu.memory_space<semaphore_mem>>)
      %dma_wait3A = arith.constant 0 : i32
      %dma_wait3A_103 = tpu.memref_slice %arg11[%add3A_46, %dma_wait3A] : memref<10240x128xf32, #tpu.memory_space<vmem_shared>> -> memref<80x128xf32, #tpu.memory_space<vmem_shared>>
      %dma_wait3A_104 = arith.constant 0 : i32
      %dma_wait3A_105 = tpu.memref_slice %arg11[%add3A_46, %dma_wait3A_104] : memref<10240x128xf32, #tpu.memory_space<vmem_shared>> -> memref<80x128xf32, #tpu.memory_space<vmem_shared>>
      tpu.wait_dma2 semaphore(%run_scoped3A : memref<!tpu.dma_semaphore, #tpu.memory_space<semaphore_mem>>) src(%dma_wait3A_105 : memref<80x128xf32, #tpu.memory_space<vmem_shared>>) dst(%arg9 : memref<80x128xf32, #tpu.memory_space<vmem>>)
      tpu.yield
    }) : () -> ()
    %mul3A_47 = arith.constant 10240 : i32
    %mul3A_48 = arith.muli %arg0, %mul3A_47 : i32
    %add3A_49 = arith.addi %mul3A_48, %add3A_46 : i32
    "tpu.region"() ({
      %run_scoped3A = tpu.sem_alloc : memref<!tpu.dma_semaphore, #tpu.memory_space<semaphore_mem>>
      %dma_start3A_99 = arith.constant 0 : i32
      %dma_start3A_100 = tpu.memref_slice %arg6[%add3A_49, %dma_start3A_99] : memref<20480x128xf32, #tpu.memory_space<hbm>> -> memref<80x128xf32, #tpu.memory_space<hbm>>
      %dma_start3A_101 = arith.constant 0 : i32
      %dma_start3A_102 = tpu.memref_slice %arg6[%add3A_49, %dma_start3A_101] : memref<20480x128xf32, #tpu.memory_space<hbm>> -> memref<80x128xf32, #tpu.memory_space<hbm>>
      tpu.enqueue_dma source(%arg9 : memref<80x128xf32, #tpu.memory_space<vmem>>) target(%dma_start3A_102 : memref<80x128xf32, #tpu.memory_space<hbm>>) target_semaphore(%run_scoped3A : memref<!tpu.dma_semaphore, #tpu.memory_space<semaphore_mem>>)
      %dma_wait3A = arith.constant 0 : i32
      %dma_wait3A_103 = tpu.memref_slice %arg6[%add3A_49, %dma_wait3A] : memref<20480x128xf32, #tpu.memory_space<hbm>> -> memref<80x128xf32, #tpu.memory_space<hbm>>
      %dma_wait3A_104 = arith.constant 0 : i32
      %dma_wait3A_105 = tpu.memref_slice %arg6[%add3A_49, %dma_wait3A_104] : memref<20480x128xf32, #tpu.memory_space<hbm>> -> memref<80x128xf32, #tpu.memory_space<hbm>>
      tpu.wait_dma2 semaphore(%run_scoped3A : memref<!tpu.dma_semaphore, #tpu.memory_space<semaphore_mem>>) src(%arg9 : memref<80x128xf32, #tpu.memory_space<vmem>>) dst(%dma_wait3A_105 : memref<80x128xf32, #tpu.memory_space<hbm>>)
      tpu.yield
    }) : () -> ()
    %mul3A_50 = arith.constant 640 : i32
    %mul3A_51 = arith.muli %arg1, %mul3A_50 : i32
    %add3A_52 = arith.constant 80 : i32
    %add3A_53 = arith.addi %mul3A_51, %add3A_52 : i32
    "tpu.region"() ({
      %run_scoped3A = tpu.sem_alloc : memref<!tpu.dma_semaphore, #tpu.memory_space<semaphore_mem>>
      %dma_start3A_99 = arith.constant 0 : i32
      %dma_start3A_100 = tpu.memref_slice %arg11[%add3A_53, %dma_start3A_99] : memref<10240x128xf32, #tpu.memory_space<vmem_shared>> -> memref<80x128xf32, #tpu.memory_space<vmem_shared>>
      %dma_start3A_101 = arith.constant 0 : i32
      %dma_start3A_102 = tpu.memref_slice %arg11[%add3A_53, %dma_start3A_101] : memref<10240x128xf32, #tpu.memory_space<vmem_shared>> -> memref<80x128xf32, #tpu.memory_space<vmem_shared>>
      tpu.enqueue_dma source(%dma_start3A_102 : memref<80x128xf32, #tpu.memory_space<vmem_shared>>) target(%arg9 : memref<80x128xf32, #tpu.memory_space<vmem>>) target_semaphore(%run_scoped3A : memref<!tpu.dma_semaphore, #tpu.memory_space<semaphore_mem>>)
      %dma_wait3A = arith.constant 0 : i32
      %dma_wait3A_103 = tpu.memref_slice %arg11[%add3A_53, %dma_wait3A] : memref<10240x128xf32, #tpu.memory_space<vmem_shared>> -> memref<80x128xf32, #tpu.memory_space<vmem_shared>>
      %dma_wait3A_104 = arith.constant 0 : i32
      %dma_wait3A_105 = tpu.memref_slice %arg11[%add3A_53, %dma_wait3A_104] : memref<10240x128xf32, #tpu.memory_space<vmem_shared>> -> memref<80x128xf32, #tpu.memory_space<vmem_shared>>
      tpu.wait_dma2 semaphore(%run_scoped3A : memref<!tpu.dma_semaphore, #tpu.memory_space<semaphore_mem>>) src(%dma_wait3A_105 : memref<80x128xf32, #tpu.memory_space<vmem_shared>>) dst(%arg9 : memref<80x128xf32, #tpu.memory_space<vmem>>)
      tpu.yield
    }) : () -> ()
    %mul3A_54 = arith.constant 10240 : i32
    %mul3A_55 = arith.muli %arg0, %mul3A_54 : i32
    %add3A_56 = arith.addi %mul3A_55, %add3A_53 : i32
    "tpu.region"() ({
      %run_scoped3A = tpu.sem_alloc : memref<!tpu.dma_semaphore, #tpu.memory_space<semaphore_mem>>
      %dma_start3A_99 = arith.constant 0 : i32
      %dma_start3A_100 = tpu.memref_slice %arg6[%add3A_56, %dma_start3A_99] : memref<20480x128xf32, #tpu.memory_space<hbm>> -> memref<80x128xf32, #tpu.memory_space<hbm>>
      %dma_start3A_101 = arith.constant 0 : i32
      %dma_start3A_102 = tpu.memref_slice %arg6[%add3A_56, %dma_start3A_101] : memref<20480x128xf32, #tpu.memory_space<hbm>> -> memref<80x128xf32, #tpu.memory_space<hbm>>
      tpu.enqueue_dma source(%arg9 : memref<80x128xf32, #tpu.memory_space<vmem>>) target(%dma_start3A_102 : memref<80x128xf32, #tpu.memory_space<hbm>>) target_semaphore(%run_scoped3A : memref<!tpu.dma_semaphore, #tpu.memory_space<semaphore_mem>>)
      %dma_wait3A = arith.constant 0 : i32
      %dma_wait3A_103 = tpu.memref_slice %arg6[%add3A_56, %dma_wait3A] : memref<20480x128xf32, #tpu.memory_space<hbm>> -> memref<80x128xf32, #tpu.memory_space<hbm>>
      %dma_wait3A_104 = arith.constant 0 : i32
      %dma_wait3A_105 = tpu.memref_slice %arg6[%add3A_56, %dma_wait3A_104] : memref<20480x128xf32, #tpu.memory_space<hbm>> -> memref<80x128xf32, #tpu.memory_space<hbm>>
      tpu.wait_dma2 semaphore(%run_scoped3A : memref<!tpu.dma_semaphore, #tpu.memory_space<semaphore_mem>>) src(%arg9 : memref<80x128xf32, #tpu.memory_space<vmem>>) dst(%dma_wait3A_105 : memref<80x128xf32, #tpu.memory_space<hbm>>)
      tpu.yield
    }) : () -> ()
    %mul3A_57 = arith.constant 640 : i32
    %mul3A_58 = arith.muli %arg1, %mul3A_57 : i32
    %add3A_59 = arith.constant 160 : i32
    %add3A_60 = arith.addi %mul3A_58, %add3A_59 : i32
    "tpu.region"() ({
      %run_scoped3A = tpu.sem_alloc : memref<!tpu.dma_semaphore, #tpu.memory_space<semaphore_mem>>
      %dma_start3A_99 = arith.constant 0 : i32
      %dma_start3A_100 = tpu.memref_slice %arg11[%add3A_60, %dma_start3A_99] : memref<10240x128xf32, #tpu.memory_space<vmem_shared>> -> memref<80x128xf32, #tpu.memory_space<vmem_shared>>
      %dma_start3A_101 = arith.constant 0 : i32
      %dma_start3A_102 = tpu.memref_slice %arg11[%add3A_60, %dma_start3A_101] : memref<10240x128xf32, #tpu.memory_space<vmem_shared>> -> memref<80x128xf32, #tpu.memory_space<vmem_shared>>
      tpu.enqueue_dma source(%dma_start3A_102 : memref<80x128xf32, #tpu.memory_space<vmem_shared>>) target(%arg9 : memref<80x128xf32, #tpu.memory_space<vmem>>) target_semaphore(%run_scoped3A : memref<!tpu.dma_semaphore, #tpu.memory_space<semaphore_mem>>)
      %dma_wait3A = arith.constant 0 : i32
      %dma_wait3A_103 = tpu.memref_slice %arg11[%add3A_60, %dma_wait3A] : memref<10240x128xf32, #tpu.memory_space<vmem_shared>> -> memref<80x128xf32, #tpu.memory_space<vmem_shared>>
      %dma_wait3A_104 = arith.constant 0 : i32
      %dma_wait3A_105 = tpu.memref_slice %arg11[%add3A_60, %dma_wait3A_104] : memref<10240x128xf32, #tpu.memory_space<vmem_shared>> -> memref<80x128xf32, #tpu.memory_space<vmem_shared>>
      tpu.wait_dma2 semaphore(%run_scoped3A : memref<!tpu.dma_semaphore, #tpu.memory_space<semaphore_mem>>) src(%dma_wait3A_105 : memref<80x128xf32, #tpu.memory_space<vmem_shared>>) dst(%arg9 : memref<80x128xf32, #tpu.memory_space<vmem>>)
      tpu.yield
    }) : () -> ()
    %mul3A_61 = arith.constant 10240 : i32
    %mul3A_62 = arith.muli %arg0, %mul3A_61 : i32
    %add3A_63 = arith.addi %mul3A_62, %add3A_60 : i32
    "tpu.region"() ({
      %run_scoped3A = tpu.sem_alloc : memref<!tpu.dma_semaphore, #tpu.memory_space<semaphore_mem>>
      %dma_start3A_99 = arith.constant 0 : i32
      %dma_start3A_100 = tpu.memref_slice %arg6[%add3A_63, %dma_start3A_99] : memref<20480x128xf32, #tpu.memory_space<hbm>> -> memref<80x128xf32, #tpu.memory_space<hbm>>
      %dma_start3A_101 = arith.constant 0 : i32
      %dma_start3A_102 = tpu.memref_slice %arg6[%add3A_63, %dma_start3A_101] : memref<20480x128xf32, #tpu.memory_space<hbm>> -> memref<80x128xf32, #tpu.memory_space<hbm>>
      tpu.enqueue_dma source(%arg9 : memref<80x128xf32, #tpu.memory_space<vmem>>) target(%dma_start3A_102 : memref<80x128xf32, #tpu.memory_space<hbm>>) target_semaphore(%run_scoped3A : memref<!tpu.dma_semaphore, #tpu.memory_space<semaphore_mem>>)
      %dma_wait3A = arith.constant 0 : i32
      %dma_wait3A_103 = tpu.memref_slice %arg6[%add3A_63, %dma_wait3A] : memref<20480x128xf32, #tpu.memory_space<hbm>> -> memref<80x128xf32, #tpu.memory_space<hbm>>
      %dma_wait3A_104 = arith.constant 0 : i32
      %dma_wait3A_105 = tpu.memref_slice %arg6[%add3A_63, %dma_wait3A_104] : memref<20480x128xf32, #tpu.memory_space<hbm>> -> memref<80x128xf32, #tpu.memory_space<hbm>>
      tpu.wait_dma2 semaphore(%run_scoped3A : memref<!tpu.dma_semaphore, #tpu.memory_space<semaphore_mem>>) src(%arg9 : memref<80x128xf32, #tpu.memory_space<vmem>>) dst(%dma_wait3A_105 : memref<80x128xf32, #tpu.memory_space<hbm>>)
      tpu.yield
    }) : () -> ()
    %mul3A_64 = arith.constant 640 : i32
    %mul3A_65 = arith.muli %arg1, %mul3A_64 : i32
    %add3A_66 = arith.constant 240 : i32
    %add3A_67 = arith.addi %mul3A_65, %add3A_66 : i32
    "tpu.region"() ({
      %run_scoped3A = tpu.sem_alloc : memref<!tpu.dma_semaphore, #tpu.memory_space<semaphore_mem>>
      %dma_start3A_99 = arith.constant 0 : i32
      %dma_start3A_100 = tpu.memref_slice %arg11[%add3A_67, %dma_start3A_99] : memref<10240x128xf32, #tpu.memory_space<vmem_shared>> -> memref<80x128xf32, #tpu.memory_space<vmem_shared>>
      %dma_start3A_101 = arith.constant 0 : i32
      %dma_start3A_102 = tpu.memref_slice %arg11[%add3A_67, %dma_start3A_101] : memref<10240x128xf32, #tpu.memory_space<vmem_shared>> -> memref<80x128xf32, #tpu.memory_space<vmem_shared>>
      tpu.enqueue_dma source(%dma_start3A_102 : memref<80x128xf32, #tpu.memory_space<vmem_shared>>) target(%arg9 : memref<80x128xf32, #tpu.memory_space<vmem>>) target_semaphore(%run_scoped3A : memref<!tpu.dma_semaphore, #tpu.memory_space<semaphore_mem>>)
      %dma_wait3A = arith.constant 0 : i32
      %dma_wait3A_103 = tpu.memref_slice %arg11[%add3A_67, %dma_wait3A] : memref<10240x128xf32, #tpu.memory_space<vmem_shared>> -> memref<80x128xf32, #tpu.memory_space<vmem_shared>>
      %dma_wait3A_104 = arith.constant 0 : i32
      %dma_wait3A_105 = tpu.memref_slice %arg11[%add3A_67, %dma_wait3A_104] : memref<10240x128xf32, #tpu.memory_space<vmem_shared>> -> memref<80x128xf32, #tpu.memory_space<vmem_shared>>
      tpu.wait_dma2 semaphore(%run_scoped3A : memref<!tpu.dma_semaphore, #tpu.memory_space<semaphore_mem>>) src(%dma_wait3A_105 : memref<80x128xf32, #tpu.memory_space<vmem_shared>>) dst(%arg9 : memref<80x128xf32, #tpu.memory_space<vmem>>)
      tpu.yield
    }) : () -> ()
    %mul3A_68 = arith.constant 10240 : i32
    %mul3A_69 = arith.muli %arg0, %mul3A_68 : i32
    %add3A_70 = arith.addi %mul3A_69, %add3A_67 : i32
    "tpu.region"() ({
      %run_scoped3A = tpu.sem_alloc : memref<!tpu.dma_semaphore, #tpu.memory_space<semaphore_mem>>
      %dma_start3A_99 = arith.constant 0 : i32
      %dma_start3A_100 = tpu.memref_slice %arg6[%add3A_70, %dma_start3A_99] : memref<20480x128xf32, #tpu.memory_space<hbm>> -> memref<80x128xf32, #tpu.memory_space<hbm>>
      %dma_start3A_101 = arith.constant 0 : i32
      %dma_start3A_102 = tpu.memref_slice %arg6[%add3A_70, %dma_start3A_101] : memref<20480x128xf32, #tpu.memory_space<hbm>> -> memref<80x128xf32, #tpu.memory_space<hbm>>
      tpu.enqueue_dma source(%arg9 : memref<80x128xf32, #tpu.memory_space<vmem>>) target(%dma_start3A_102 : memref<80x128xf32, #tpu.memory_space<hbm>>) target_semaphore(%run_scoped3A : memref<!tpu.dma_semaphore, #tpu.memory_space<semaphore_mem>>)
      %dma_wait3A = arith.constant 0 : i32
      %dma_wait3A_103 = tpu.memref_slice %arg6[%add3A_70, %dma_wait3A] : memref<20480x128xf32, #tpu.memory_space<hbm>> -> memref<80x128xf32, #tpu.memory_space<hbm>>
      %dma_wait3A_104 = arith.constant 0 : i32
      %dma_wait3A_105 = tpu.memref_slice %arg6[%add3A_70, %dma_wait3A_104] : memref<20480x128xf32, #tpu.memory_space<hbm>> -> memref<80x128xf32, #tpu.memory_space<hbm>>
      tpu.wait_dma2 semaphore(%run_scoped3A : memref<!tpu.dma_semaphore, #tpu.memory_space<semaphore_mem>>) src(%arg9 : memref<80x128xf32, #tpu.memory_space<vmem>>) dst(%dma_wait3A_105 : memref<80x128xf32, #tpu.memory_space<hbm>>)
      tpu.yield
    }) : () -> ()
    %mul3A_71 = arith.constant 640 : i32
    %mul3A_72 = arith.muli %arg1, %mul3A_71 : i32
    %add3A_73 = arith.constant 320 : i32
    %add3A_74 = arith.addi %mul3A_72, %add3A_73 : i32
    "tpu.region"() ({
      %run_scoped3A = tpu.sem_alloc : memref<!tpu.dma_semaphore, #tpu.memory_space<semaphore_mem>>
      %dma_start3A_99 = arith.constant 0 : i32
      %dma_start3A_100 = tpu.memref_slice %arg11[%add3A_74, %dma_start3A_99] : memref<10240x128xf32, #tpu.memory_space<vmem_shared>> -> memref<80x128xf32, #tpu.memory_space<vmem_shared>>
      %dma_start3A_101 = arith.constant 0 : i32
      %dma_start3A_102 = tpu.memref_slice %arg11[%add3A_74, %dma_start3A_101] : memref<10240x128xf32, #tpu.memory_space<vmem_shared>> -> memref<80x128xf32, #tpu.memory_space<vmem_shared>>
      tpu.enqueue_dma source(%dma_start3A_102 : memref<80x128xf32, #tpu.memory_space<vmem_shared>>) target(%arg9 : memref<80x128xf32, #tpu.memory_space<vmem>>) target_semaphore(%run_scoped3A : memref<!tpu.dma_semaphore, #tpu.memory_space<semaphore_mem>>)
      %dma_wait3A = arith.constant 0 : i32
      %dma_wait3A_103 = tpu.memref_slice %arg11[%add3A_74, %dma_wait3A] : memref<10240x128xf32, #tpu.memory_space<vmem_shared>> -> memref<80x128xf32, #tpu.memory_space<vmem_shared>>
      %dma_wait3A_104 = arith.constant 0 : i32
      %dma_wait3A_105 = tpu.memref_slice %arg11[%add3A_74, %dma_wait3A_104] : memref<10240x128xf32, #tpu.memory_space<vmem_shared>> -> memref<80x128xf32, #tpu.memory_space<vmem_shared>>
      tpu.wait_dma2 semaphore(%run_scoped3A : memref<!tpu.dma_semaphore, #tpu.memory_space<semaphore_mem>>) src(%dma_wait3A_105 : memref<80x128xf32, #tpu.memory_space<vmem_shared>>) dst(%arg9 : memref<80x128xf32, #tpu.memory_space<vmem>>)
      tpu.yield
    }) : () -> ()
    %mul3A_75 = arith.constant 10240 : i32
    %mul3A_76 = arith.muli %arg0, %mul3A_75 : i32
    %add3A_77 = arith.addi %mul3A_76, %add3A_74 : i32
    "tpu.region"() ({
      %run_scoped3A = tpu.sem_alloc : memref<!tpu.dma_semaphore, #tpu.memory_space<semaphore_mem>>
      %dma_start3A_99 = arith.constant 0 : i32
      %dma_start3A_100 = tpu.memref_slice %arg6[%add3A_77, %dma_start3A_99] : memref<20480x128xf32, #tpu.memory_space<hbm>> -> memref<80x128xf32, #tpu.memory_space<hbm>>
      %dma_start3A_101 = arith.constant 0 : i32
      %dma_start3A_102 = tpu.memref_slice %arg6[%add3A_77, %dma_start3A_101] : memref<20480x128xf32, #tpu.memory_space<hbm>> -> memref<80x128xf32, #tpu.memory_space<hbm>>
      tpu.enqueue_dma source(%arg9 : memref<80x128xf32, #tpu.memory_space<vmem>>) target(%dma_start3A_102 : memref<80x128xf32, #tpu.memory_space<hbm>>) target_semaphore(%run_scoped3A : memref<!tpu.dma_semaphore, #tpu.memory_space<semaphore_mem>>)
      %dma_wait3A = arith.constant 0 : i32
      %dma_wait3A_103 = tpu.memref_slice %arg6[%add3A_77, %dma_wait3A] : memref<20480x128xf32, #tpu.memory_space<hbm>> -> memref<80x128xf32, #tpu.memory_space<hbm>>
      %dma_wait3A_104 = arith.constant 0 : i32
      %dma_wait3A_105 = tpu.memref_slice %arg6[%add3A_77, %dma_wait3A_104] : memref<20480x128xf32, #tpu.memory_space<hbm>> -> memref<80x128xf32, #tpu.memory_space<hbm>>
      tpu.wait_dma2 semaphore(%run_scoped3A : memref<!tpu.dma_semaphore, #tpu.memory_space<semaphore_mem>>) src(%arg9 : memref<80x128xf32, #tpu.memory_space<vmem>>) dst(%dma_wait3A_105 : memref<80x128xf32, #tpu.memory_space<hbm>>)
      tpu.yield
    }) : () -> ()
    %mul3A_78 = arith.constant 640 : i32
    %mul3A_79 = arith.muli %arg1, %mul3A_78 : i32
    %add3A_80 = arith.constant 400 : i32
    %add3A_81 = arith.addi %mul3A_79, %add3A_80 : i32
    "tpu.region"() ({
      %run_scoped3A = tpu.sem_alloc : memref<!tpu.dma_semaphore, #tpu.memory_space<semaphore_mem>>
      %dma_start3A_99 = arith.constant 0 : i32
      %dma_start3A_100 = tpu.memref_slice %arg11[%add3A_81, %dma_start3A_99] : memref<10240x128xf32, #tpu.memory_space<vmem_shared>> -> memref<80x128xf32, #tpu.memory_space<vmem_shared>>
      %dma_start3A_101 = arith.constant 0 : i32
      %dma_start3A_102 = tpu.memref_slice %arg11[%add3A_81, %dma_start3A_101] : memref<10240x128xf32, #tpu.memory_space<vmem_shared>> -> memref<80x128xf32, #tpu.memory_space<vmem_shared>>
      tpu.enqueue_dma source(%dma_start3A_102 : memref<80x128xf32, #tpu.memory_space<vmem_shared>>) target(%arg9 : memref<80x128xf32, #tpu.memory_space<vmem>>) target_semaphore(%run_scoped3A : memref<!tpu.dma_semaphore, #tpu.memory_space<semaphore_mem>>)
      %dma_wait3A = arith.constant 0 : i32
      %dma_wait3A_103 = tpu.memref_slice %arg11[%add3A_81, %dma_wait3A] : memref<10240x128xf32, #tpu.memory_space<vmem_shared>> -> memref<80x128xf32, #tpu.memory_space<vmem_shared>>
      %dma_wait3A_104 = arith.constant 0 : i32
      %dma_wait3A_105 = tpu.memref_slice %arg11[%add3A_81, %dma_wait3A_104] : memref<10240x128xf32, #tpu.memory_space<vmem_shared>> -> memref<80x128xf32, #tpu.memory_space<vmem_shared>>
      tpu.wait_dma2 semaphore(%run_scoped3A : memref<!tpu.dma_semaphore, #tpu.memory_space<semaphore_mem>>) src(%dma_wait3A_105 : memref<80x128xf32, #tpu.memory_space<vmem_shared>>) dst(%arg9 : memref<80x128xf32, #tpu.memory_space<vmem>>)
      tpu.yield
    }) : () -> ()
    %mul3A_82 = arith.constant 10240 : i32
    %mul3A_83 = arith.muli %arg0, %mul3A_82 : i32
    %add3A_84 = arith.addi %mul3A_83, %add3A_81 : i32
    "tpu.region"() ({
      %run_scoped3A = tpu.sem_alloc : memref<!tpu.dma_semaphore, #tpu.memory_space<semaphore_mem>>
      %dma_start3A_99 = arith.constant 0 : i32
      %dma_start3A_100 = tpu.memref_slice %arg6[%add3A_84, %dma_start3A_99] : memref<20480x128xf32, #tpu.memory_space<hbm>> -> memref<80x128xf32, #tpu.memory_space<hbm>>
      %dma_start3A_101 = arith.constant 0 : i32
      %dma_start3A_102 = tpu.memref_slice %arg6[%add3A_84, %dma_start3A_101] : memref<20480x128xf32, #tpu.memory_space<hbm>> -> memref<80x128xf32, #tpu.memory_space<hbm>>
      tpu.enqueue_dma source(%arg9 : memref<80x128xf32, #tpu.memory_space<vmem>>) target(%dma_start3A_102 : memref<80x128xf32, #tpu.memory_space<hbm>>) target_semaphore(%run_scoped3A : memref<!tpu.dma_semaphore, #tpu.memory_space<semaphore_mem>>)
      %dma_wait3A = arith.constant 0 : i32
      %dma_wait3A_103 = tpu.memref_slice %arg6[%add3A_84, %dma_wait3A] : memref<20480x128xf32, #tpu.memory_space<hbm>> -> memref<80x128xf32, #tpu.memory_space<hbm>>
      %dma_wait3A_104 = arith.constant 0 : i32
      %dma_wait3A_105 = tpu.memref_slice %arg6[%add3A_84, %dma_wait3A_104] : memref<20480x128xf32, #tpu.memory_space<hbm>> -> memref<80x128xf32, #tpu.memory_space<hbm>>
      tpu.wait_dma2 semaphore(%run_scoped3A : memref<!tpu.dma_semaphore, #tpu.memory_space<semaphore_mem>>) src(%arg9 : memref<80x128xf32, #tpu.memory_space<vmem>>) dst(%dma_wait3A_105 : memref<80x128xf32, #tpu.memory_space<hbm>>)
      tpu.yield
    }) : () -> ()
    %mul3A_85 = arith.constant 640 : i32
    %mul3A_86 = arith.muli %arg1, %mul3A_85 : i32
    %add3A_87 = arith.constant 480 : i32
    %add3A_88 = arith.addi %mul3A_86, %add3A_87 : i32
    "tpu.region"() ({
      %run_scoped3A = tpu.sem_alloc : memref<!tpu.dma_semaphore, #tpu.memory_space<semaphore_mem>>
      %dma_start3A_99 = arith.constant 0 : i32
      %dma_start3A_100 = tpu.memref_slice %arg11[%add3A_88, %dma_start3A_99] : memref<10240x128xf32, #tpu.memory_space<vmem_shared>> -> memref<80x128xf32, #tpu.memory_space<vmem_shared>>
      %dma_start3A_101 = arith.constant 0 : i32
      %dma_start3A_102 = tpu.memref_slice %arg11[%add3A_88, %dma_start3A_101] : memref<10240x128xf32, #tpu.memory_space<vmem_shared>> -> memref<80x128xf32, #tpu.memory_space<vmem_shared>>
      tpu.enqueue_dma source(%dma_start3A_102 : memref<80x128xf32, #tpu.memory_space<vmem_shared>>) target(%arg9 : memref<80x128xf32, #tpu.memory_space<vmem>>) target_semaphore(%run_scoped3A : memref<!tpu.dma_semaphore, #tpu.memory_space<semaphore_mem>>)
      %dma_wait3A = arith.constant 0 : i32
      %dma_wait3A_103 = tpu.memref_slice %arg11[%add3A_88, %dma_wait3A] : memref<10240x128xf32, #tpu.memory_space<vmem_shared>> -> memref<80x128xf32, #tpu.memory_space<vmem_shared>>
      %dma_wait3A_104 = arith.constant 0 : i32
      %dma_wait3A_105 = tpu.memref_slice %arg11[%add3A_88, %dma_wait3A_104] : memref<10240x128xf32, #tpu.memory_space<vmem_shared>> -> memref<80x128xf32, #tpu.memory_space<vmem_shared>>
      tpu.wait_dma2 semaphore(%run_scoped3A : memref<!tpu.dma_semaphore, #tpu.memory_space<semaphore_mem>>) src(%dma_wait3A_105 : memref<80x128xf32, #tpu.memory_space<vmem_shared>>) dst(%arg9 : memref<80x128xf32, #tpu.memory_space<vmem>>)
      tpu.yield
    }) : () -> ()
    %mul3A_89 = arith.constant 10240 : i32
    %mul3A_90 = arith.muli %arg0, %mul3A_89 : i32
    %add3A_91 = arith.addi %mul3A_90, %add3A_88 : i32
    "tpu.region"() ({
      %run_scoped3A = tpu.sem_alloc : memref<!tpu.dma_semaphore, #tpu.memory_space<semaphore_mem>>
      %dma_start3A_99 = arith.constant 0 : i32
      %dma_start3A_100 = tpu.memref_slice %arg6[%add3A_91, %dma_start3A_99] : memref<20480x128xf32, #tpu.memory_space<hbm>> -> memref<80x128xf32, #tpu.memory_space<hbm>>
      %dma_start3A_101 = arith.constant 0 : i32
      %dma_start3A_102 = tpu.memref_slice %arg6[%add3A_91, %dma_start3A_101] : memref<20480x128xf32, #tpu.memory_space<hbm>> -> memref<80x128xf32, #tpu.memory_space<hbm>>
      tpu.enqueue_dma source(%arg9 : memref<80x128xf32, #tpu.memory_space<vmem>>) target(%dma_start3A_102 : memref<80x128xf32, #tpu.memory_space<hbm>>) target_semaphore(%run_scoped3A : memref<!tpu.dma_semaphore, #tpu.memory_space<semaphore_mem>>)
      %dma_wait3A = arith.constant 0 : i32
      %dma_wait3A_103 = tpu.memref_slice %arg6[%add3A_91, %dma_wait3A] : memref<20480x128xf32, #tpu.memory_space<hbm>> -> memref<80x128xf32, #tpu.memory_space<hbm>>
      %dma_wait3A_104 = arith.constant 0 : i32
      %dma_wait3A_105 = tpu.memref_slice %arg6[%add3A_91, %dma_wait3A_104] : memref<20480x128xf32, #tpu.memory_space<hbm>> -> memref<80x128xf32, #tpu.memory_space<hbm>>
      tpu.wait_dma2 semaphore(%run_scoped3A : memref<!tpu.dma_semaphore, #tpu.memory_space<semaphore_mem>>) src(%arg9 : memref<80x128xf32, #tpu.memory_space<vmem>>) dst(%dma_wait3A_105 : memref<80x128xf32, #tpu.memory_space<hbm>>)
      tpu.yield
    }) : () -> ()
    %mul3A_92 = arith.constant 640 : i32
    %mul3A_93 = arith.muli %arg1, %mul3A_92 : i32
    %add3A_94 = arith.constant 560 : i32
    %add3A_95 = arith.addi %mul3A_93, %add3A_94 : i32
    "tpu.region"() ({
      %run_scoped3A = tpu.sem_alloc : memref<!tpu.dma_semaphore, #tpu.memory_space<semaphore_mem>>
      %dma_start3A_99 = arith.constant 0 : i32
      %dma_start3A_100 = tpu.memref_slice %arg11[%add3A_95, %dma_start3A_99] : memref<10240x128xf32, #tpu.memory_space<vmem_shared>> -> memref<80x128xf32, #tpu.memory_space<vmem_shared>>
      %dma_start3A_101 = arith.constant 0 : i32
      %dma_start3A_102 = tpu.memref_slice %arg11[%add3A_95, %dma_start3A_101] : memref<10240x128xf32, #tpu.memory_space<vmem_shared>> -> memref<80x128xf32, #tpu.memory_space<vmem_shared>>
      tpu.enqueue_dma source(%dma_start3A_102 : memref<80x128xf32, #tpu.memory_space<vmem_shared>>) target(%arg9 : memref<80x128xf32, #tpu.memory_space<vmem>>) target_semaphore(%run_scoped3A : memref<!tpu.dma_semaphore, #tpu.memory_space<semaphore_mem>>)
      %dma_wait3A = arith.constant 0 : i32
      %dma_wait3A_103 = tpu.memref_slice %arg11[%add3A_95, %dma_wait3A] : memref<10240x128xf32, #tpu.memory_space<vmem_shared>> -> memref<80x128xf32, #tpu.memory_space<vmem_shared>>
      %dma_wait3A_104 = arith.constant 0 : i32
      %dma_wait3A_105 = tpu.memref_slice %arg11[%add3A_95, %dma_wait3A_104] : memref<10240x128xf32, #tpu.memory_space<vmem_shared>> -> memref<80x128xf32, #tpu.memory_space<vmem_shared>>
      tpu.wait_dma2 semaphore(%run_scoped3A : memref<!tpu.dma_semaphore, #tpu.memory_space<semaphore_mem>>) src(%dma_wait3A_105 : memref<80x128xf32, #tpu.memory_space<vmem_shared>>) dst(%arg9 : memref<80x128xf32, #tpu.memory_space<vmem>>)
      tpu.yield
    }) : () -> ()
    %mul3A_96 = arith.constant 10240 : i32
    %mul3A_97 = arith.muli %arg0, %mul3A_96 : i32
    %add3A_98 = arith.addi %mul3A_97, %add3A_95 : i32
    "tpu.region"() ({
      %run_scoped3A = tpu.sem_alloc : memref<!tpu.dma_semaphore, #tpu.memory_space<semaphore_mem>>
      %dma_start3A_99 = arith.constant 0 : i32
      %dma_start3A_100 = tpu.memref_slice %arg6[%add3A_98, %dma_start3A_99] : memref<20480x128xf32, #tpu.memory_space<hbm>> -> memref<80x128xf32, #tpu.memory_space<hbm>>
      %dma_start3A_101 = arith.constant 0 : i32
      %dma_start3A_102 = tpu.memref_slice %arg6[%add3A_98, %dma_start3A_101] : memref<20480x128xf32, #tpu.memory_space<hbm>> -> memref<80x128xf32, #tpu.memory_space<hbm>>
      tpu.enqueue_dma source(%arg9 : memref<80x128xf32, #tpu.memory_space<vmem>>) target(%dma_start3A_102 : memref<80x128xf32, #tpu.memory_space<hbm>>) target_semaphore(%run_scoped3A : memref<!tpu.dma_semaphore, #tpu.memory_space<semaphore_mem>>)
      %dma_wait3A = arith.constant 0 : i32
      %dma_wait3A_103 = tpu.memref_slice %arg6[%add3A_98, %dma_wait3A] : memref<20480x128xf32, #tpu.memory_space<hbm>> -> memref<80x128xf32, #tpu.memory_space<hbm>>
      %dma_wait3A_104 = arith.constant 0 : i32
      %dma_wait3A_105 = tpu.memref_slice %arg6[%add3A_98, %dma_wait3A_104] : memref<20480x128xf32, #tpu.memory_space<hbm>> -> memref<80x128xf32, #tpu.memory_space<hbm>>
      tpu.wait_dma2 semaphore(%run_scoped3A : memref<!tpu.dma_semaphore, #tpu.memory_space<semaphore_mem>>) src(%arg9 : memref<80x128xf32, #tpu.memory_space<vmem>>) dst(%dma_wait3A_105 : memref<80x128xf32, #tpu.memory_space<hbm>>)
      tpu.yield
    }) : () -> ()
    return
  }
}

#map = affine_map<(d0, d1) -> (0)>
module attributes {stable_mosaic.version = 14 : i64} {
  func.func @_embdist_body(%arg0: i32, %arg1: i32, %arg2: memref<20480xf32, #tpu.memory_space<hbm>>, %arg3: memref<20480xf32, #tpu.memory_space<hbm>>, %arg4: memref<10240xf32, #tpu.memory_space<hbm>>, %arg5: memref<10240xf32, #tpu.memory_space<hbm>>, %arg6: memref<10240xf32, #tpu.memory_space<hbm>>, %arg7: memref<320000xi32, #tpu.memory_space<hbm>>, %arg8: memref<320000xi32, #tpu.memory_space<hbm>>, %arg9: memref<320000xi32, #tpu.memory_space<hbm>>, %arg10: memref<320000xi32, #tpu.memory_space<hbm>>, %arg11: memref<10240xf32, #tpu.memory_space<hbm>>, %arg12: memref<10240xf32, #tpu.memory_space<hbm>>, %arg13: memref<640000xf32, #tpu.memory_space<hbm>>, %arg14: memref<640xf32, #tpu.memory_space<vmem>>, %arg15: memref<640xf32, #tpu.memory_space<vmem>>, %arg16: memref<640xf32, #tpu.memory_space<vmem>>, %arg17: memref<640xf32, #tpu.memory_space<vmem>>, %arg18: memref<640xf32, #tpu.memory_space<vmem>>, %arg19: memref<10240xf32, #tpu.memory_space<vmem_shared>>, %arg20: memref<10240xf32, #tpu.memory_space<vmem_shared>>, %arg21: memref<10240xf32, #tpu.memory_space<vmem>>, %arg22: memref<10240xf32, #tpu.memory_space<vmem>>, %arg23: memref<20000xi32, #tpu.memory_space<vmem>>, %arg24: memref<20000xi32, #tpu.memory_space<vmem>>, %arg25: memref<20000xf32, #tpu.memory_space<vmem>>) attributes {dimension_semantics = [#tpu.dimension_semantics<core_parallel>, #tpu.dimension_semantics<subcore_parallel>], iteration_bounds = array<i64: 2, 16>, scalar_prefetch = 0 : i64, scratch_operands = 12 : i64, tpu.core_type = #tpu.core_type<sc_vector_subcore>, window_params = [{transform_indices = #map}, {transform_indices = #map}, {transform_indices = #map}, {transform_indices = #map}, {transform_indices = #map}, {transform_indices = #map}, {transform_indices = #map}, {transform_indices = #map}, {transform_indices = #map}, {transform_indices = #map}, {transform_indices = #map}, {transform_indices = #map}]} {
    %mul3A = arith.constant 16 : i32
    %mul3A_0 = arith.muli %arg0, %mul3A : i32
    %add3A = arith.addi %mul3A_0, %arg1 : i32
    %mul3A_1 = arith.constant 640 : i32
    %mul3A_2 = arith.muli %arg1, %mul3A_1 : i32
    "tpu.region"() ({
      %run_scoped3A = tpu.sem_alloc : memref<!tpu.dma_semaphore, #tpu.memory_space<semaphore_mem>>
      %dma_start3A = tpu.memref_slice %arg2[%mul3A_2] : memref<20480xf32, #tpu.memory_space<hbm>> -> memref<640xf32, #tpu.memory_space<hbm>>
      %dma_start3A_36 = tpu.memref_slice %arg2[%mul3A_2] : memref<20480xf32, #tpu.memory_space<hbm>> -> memref<640xf32, #tpu.memory_space<hbm>>
      tpu.enqueue_dma source(%dma_start3A_36 : memref<640xf32, #tpu.memory_space<hbm>>) target(%arg14 : memref<640xf32, #tpu.memory_space<vmem>>) target_semaphore(%run_scoped3A : memref<!tpu.dma_semaphore, #tpu.memory_space<semaphore_mem>>)
      %dma_wait3A = tpu.memref_slice %arg2[%mul3A_2] : memref<20480xf32, #tpu.memory_space<hbm>> -> memref<640xf32, #tpu.memory_space<hbm>>
      %dma_wait3A_37 = tpu.memref_slice %arg2[%mul3A_2] : memref<20480xf32, #tpu.memory_space<hbm>> -> memref<640xf32, #tpu.memory_space<hbm>>
      tpu.wait_dma2 semaphore(%run_scoped3A : memref<!tpu.dma_semaphore, #tpu.memory_space<semaphore_mem>>) src(%dma_wait3A_37 : memref<640xf32, #tpu.memory_space<hbm>>) dst(%arg14 : memref<640xf32, #tpu.memory_space<vmem>>)
      tpu.yield
    }) : () -> ()
    %add3A_3 = arith.constant 10240 : i32
    %add3A_4 = arith.addi %add3A_3, %mul3A_2 : i32
    "tpu.region"() ({
      %run_scoped3A = tpu.sem_alloc : memref<!tpu.dma_semaphore, #tpu.memory_space<semaphore_mem>>
      %dma_start3A = tpu.memref_slice %arg2[%add3A_4] : memref<20480xf32, #tpu.memory_space<hbm>> -> memref<640xf32, #tpu.memory_space<hbm>>
      %dma_start3A_36 = tpu.memref_slice %arg2[%add3A_4] : memref<20480xf32, #tpu.memory_space<hbm>> -> memref<640xf32, #tpu.memory_space<hbm>>
      tpu.enqueue_dma source(%dma_start3A_36 : memref<640xf32, #tpu.memory_space<hbm>>) target(%arg16 : memref<640xf32, #tpu.memory_space<vmem>>) target_semaphore(%run_scoped3A : memref<!tpu.dma_semaphore, #tpu.memory_space<semaphore_mem>>)
      %dma_wait3A = tpu.memref_slice %arg2[%add3A_4] : memref<20480xf32, #tpu.memory_space<hbm>> -> memref<640xf32, #tpu.memory_space<hbm>>
      %dma_wait3A_37 = tpu.memref_slice %arg2[%add3A_4] : memref<20480xf32, #tpu.memory_space<hbm>> -> memref<640xf32, #tpu.memory_space<hbm>>
      tpu.wait_dma2 semaphore(%run_scoped3A : memref<!tpu.dma_semaphore, #tpu.memory_space<semaphore_mem>>) src(%dma_wait3A_37 : memref<640xf32, #tpu.memory_space<hbm>>) dst(%arg16 : memref<640xf32, #tpu.memory_space<vmem>>)
      tpu.yield
    }) : () -> ()
    "tpu.region"() ({
      %run_scoped3A = tpu.sem_alloc : memref<!tpu.dma_semaphore, #tpu.memory_space<semaphore_mem>>
      %dma_start3A = tpu.memref_slice %arg3[%mul3A_2] : memref<20480xf32, #tpu.memory_space<hbm>> -> memref<640xf32, #tpu.memory_space<hbm>>
      %dma_start3A_36 = tpu.memref_slice %arg3[%mul3A_2] : memref<20480xf32, #tpu.memory_space<hbm>> -> memref<640xf32, #tpu.memory_space<hbm>>
      tpu.enqueue_dma source(%dma_start3A_36 : memref<640xf32, #tpu.memory_space<hbm>>) target(%arg15 : memref<640xf32, #tpu.memory_space<vmem>>) target_semaphore(%run_scoped3A : memref<!tpu.dma_semaphore, #tpu.memory_space<semaphore_mem>>)
      %dma_wait3A = tpu.memref_slice %arg3[%mul3A_2] : memref<20480xf32, #tpu.memory_space<hbm>> -> memref<640xf32, #tpu.memory_space<hbm>>
      %dma_wait3A_37 = tpu.memref_slice %arg3[%mul3A_2] : memref<20480xf32, #tpu.memory_space<hbm>> -> memref<640xf32, #tpu.memory_space<hbm>>
      tpu.wait_dma2 semaphore(%run_scoped3A : memref<!tpu.dma_semaphore, #tpu.memory_space<semaphore_mem>>) src(%dma_wait3A_37 : memref<640xf32, #tpu.memory_space<hbm>>) dst(%arg15 : memref<640xf32, #tpu.memory_space<vmem>>)
      tpu.yield
    }) : () -> ()
    %add3A_5 = arith.constant 10240 : i32
    %add3A_6 = arith.addi %add3A_5, %mul3A_2 : i32
    "tpu.region"() ({
      %run_scoped3A = tpu.sem_alloc : memref<!tpu.dma_semaphore, #tpu.memory_space<semaphore_mem>>
      %dma_start3A = tpu.memref_slice %arg3[%add3A_6] : memref<20480xf32, #tpu.memory_space<hbm>> -> memref<640xf32, #tpu.memory_space<hbm>>
      %dma_start3A_36 = tpu.memref_slice %arg3[%add3A_6] : memref<20480xf32, #tpu.memory_space<hbm>> -> memref<640xf32, #tpu.memory_space<hbm>>
      tpu.enqueue_dma source(%dma_start3A_36 : memref<640xf32, #tpu.memory_space<hbm>>) target(%arg17 : memref<640xf32, #tpu.memory_space<vmem>>) target_semaphore(%run_scoped3A : memref<!tpu.dma_semaphore, #tpu.memory_space<semaphore_mem>>)
      %dma_wait3A = tpu.memref_slice %arg3[%add3A_6] : memref<20480xf32, #tpu.memory_space<hbm>> -> memref<640xf32, #tpu.memory_space<hbm>>
      %dma_wait3A_37 = tpu.memref_slice %arg3[%add3A_6] : memref<20480xf32, #tpu.memory_space<hbm>> -> memref<640xf32, #tpu.memory_space<hbm>>
      tpu.wait_dma2 semaphore(%run_scoped3A : memref<!tpu.dma_semaphore, #tpu.memory_space<semaphore_mem>>) src(%dma_wait3A_37 : memref<640xf32, #tpu.memory_space<hbm>>) dst(%arg17 : memref<640xf32, #tpu.memory_space<vmem>>)
      tpu.yield
    }) : () -> ()
    "tpu.region"() ({
      %run_scoped3A = tpu.sem_alloc : memref<!tpu.dma_semaphore, #tpu.memory_space<semaphore_mem>>
      %dma_start3A = tpu.memref_slice %arg6[%mul3A_2] : memref<10240xf32, #tpu.memory_space<hbm>> -> memref<640xf32, #tpu.memory_space<hbm>>
      %dma_start3A_36 = tpu.memref_slice %arg6[%mul3A_2] : memref<10240xf32, #tpu.memory_space<hbm>> -> memref<640xf32, #tpu.memory_space<hbm>>
      tpu.enqueue_dma source(%dma_start3A_36 : memref<640xf32, #tpu.memory_space<hbm>>) target(%arg18 : memref<640xf32, #tpu.memory_space<vmem>>) target_semaphore(%run_scoped3A : memref<!tpu.dma_semaphore, #tpu.memory_space<semaphore_mem>>)
      %dma_wait3A = tpu.memref_slice %arg6[%mul3A_2] : memref<10240xf32, #tpu.memory_space<hbm>> -> memref<640xf32, #tpu.memory_space<hbm>>
      %dma_wait3A_37 = tpu.memref_slice %arg6[%mul3A_2] : memref<10240xf32, #tpu.memory_space<hbm>> -> memref<640xf32, #tpu.memory_space<hbm>>
      tpu.wait_dma2 semaphore(%run_scoped3A : memref<!tpu.dma_semaphore, #tpu.memory_space<semaphore_mem>>) src(%dma_wait3A_37 : memref<640xf32, #tpu.memory_space<hbm>>) dst(%arg18 : memref<640xf32, #tpu.memory_space<vmem>>)
      tpu.yield
    }) : () -> ()
    %scan3A = arith.constant 0 : i32
    %scan3A_7 = arith.constant 0 : i32
    %scan3A_8 = arith.constant 40 : i32
    %scan3A_9 = arith.addi %scan3A_7, %scan3A_8 : i32
    %scan3A_10 = arith.constant 1 : i32
    scf.for %scan3A_36 = %scan3A_7 to %scan3A_9 step %scan3A_10  : i32 {
      %mul3A_37 = arith.constant 16 : i32
      %mul3A_38 = arith.muli %scan3A_36, %mul3A_37 : i32
      %get3A = arith.index_cast %mul3A_38 : i32 to index
      %get3A_39 = tpu.vector_load %arg18[%get3A] {strides = array<i32>} : memref<640xf32, #tpu.memory_space<vmem>>, vector<16xf32>,
      %get3A_40 = arith.index_cast %mul3A_38 : i32 to index
      %get3A_41 = tpu.vector_load %arg14[%get3A_40] {strides = array<i32>} : memref<640xf32, #tpu.memory_space<vmem>>, vector<16xf32>,
      %get3A_42 = arith.index_cast %mul3A_38 : i32 to index
      %get3A_43 = tpu.vector_load %arg16[%get3A_42] {strides = array<i32>} : memref<640xf32, #tpu.memory_space<vmem>>, vector<16xf32>,
      %add3A_44 = arith.addf %get3A_41, %get3A_43 : vector<16xf32>
      %mul3A_45 = arith.mulf %get3A_39, %add3A_44 : vector<16xf32>
      %swap3A = arith.index_cast %mul3A_38 : i32 to index
      %swap3A_46 = tpu.vector_load %arg14[%swap3A] {strides = array<i32>} : memref<640xf32, #tpu.memory_space<vmem>>, vector<16xf32>,
      tpu.vector_store %arg14[%swap3A], %mul3A_45 {strides = array<i32>} : memref<640xf32, #tpu.memory_space<vmem>>, vector<16xf32>,
      %get3A_47 = arith.index_cast %mul3A_38 : i32 to index
      %get3A_48 = tpu.vector_load %arg18[%get3A_47] {strides = array<i32>} : memref<640xf32, #tpu.memory_space<vmem>>, vector<16xf32>,
      %get3A_49 = arith.index_cast %mul3A_38 : i32 to index
      %get3A_50 = tpu.vector_load %arg15[%get3A_49] {strides = array<i32>} : memref<640xf32, #tpu.memory_space<vmem>>, vector<16xf32>,
      %get3A_51 = arith.index_cast %mul3A_38 : i32 to index
      %get3A_52 = tpu.vector_load %arg17[%get3A_51] {strides = array<i32>} : memref<640xf32, #tpu.memory_space<vmem>>, vector<16xf32>,
      %add3A_53 = arith.addf %get3A_50, %get3A_52 : vector<16xf32>
      %mul3A_54 = arith.mulf %get3A_48, %add3A_53 : vector<16xf32>
      %swap3A_55 = arith.index_cast %mul3A_38 : i32 to index
      %swap3A_56 = tpu.vector_load %arg15[%swap3A_55] {strides = array<i32>} : memref<640xf32, #tpu.memory_space<vmem>>, vector<16xf32>,
      tpu.vector_store %arg15[%swap3A_55], %mul3A_54 {strides = array<i32>} : memref<640xf32, #tpu.memory_space<vmem>>, vector<16xf32>,
    }
    %scan3A_11 = arith.constant 40 : i32
    "tpu.region"() ({
      %run_scoped3A = tpu.sem_alloc : memref<!tpu.dma_semaphore, #tpu.memory_space<semaphore_mem>>
      %dma_start3A = tpu.memref_slice %arg4[%mul3A_2] : memref<10240xf32, #tpu.memory_space<hbm>> -> memref<640xf32, #tpu.memory_space<hbm>>
      %dma_start3A_36 = tpu.memref_slice %arg4[%mul3A_2] : memref<10240xf32, #tpu.memory_space<hbm>> -> memref<640xf32, #tpu.memory_space<hbm>>
      tpu.enqueue_dma source(%dma_start3A_36 : memref<640xf32, #tpu.memory_space<hbm>>) target(%arg16 : memref<640xf32, #tpu.memory_space<vmem>>) target_semaphore(%run_scoped3A : memref<!tpu.dma_semaphore, #tpu.memory_space<semaphore_mem>>)
      %dma_wait3A = tpu.memref_slice %arg4[%mul3A_2] : memref<10240xf32, #tpu.memory_space<hbm>> -> memref<640xf32, #tpu.memory_space<hbm>>
      %dma_wait3A_37 = tpu.memref_slice %arg4[%mul3A_2] : memref<10240xf32, #tpu.memory_space<hbm>> -> memref<640xf32, #tpu.memory_space<hbm>>
      tpu.wait_dma2 semaphore(%run_scoped3A : memref<!tpu.dma_semaphore, #tpu.memory_space<semaphore_mem>>) src(%dma_wait3A_37 : memref<640xf32, #tpu.memory_space<hbm>>) dst(%arg16 : memref<640xf32, #tpu.memory_space<vmem>>)
      tpu.yield
    }) : () -> ()
    "tpu.region"() ({
      %run_scoped3A = tpu.sem_alloc : memref<!tpu.dma_semaphore, #tpu.memory_space<semaphore_mem>>
      %dma_start3A = tpu.memref_slice %arg5[%mul3A_2] : memref<10240xf32, #tpu.memory_space<hbm>> -> memref<640xf32, #tpu.memory_space<hbm>>
      %dma_start3A_36 = tpu.memref_slice %arg5[%mul3A_2] : memref<10240xf32, #tpu.memory_space<hbm>> -> memref<640xf32, #tpu.memory_space<hbm>>
      tpu.enqueue_dma source(%dma_start3A_36 : memref<640xf32, #tpu.memory_space<hbm>>) target(%arg17 : memref<640xf32, #tpu.memory_space<vmem>>) target_semaphore(%run_scoped3A : memref<!tpu.dma_semaphore, #tpu.memory_space<semaphore_mem>>)
      %dma_wait3A = tpu.memref_slice %arg5[%mul3A_2] : memref<10240xf32, #tpu.memory_space<hbm>> -> memref<640xf32, #tpu.memory_space<hbm>>
      %dma_wait3A_37 = tpu.memref_slice %arg5[%mul3A_2] : memref<10240xf32, #tpu.memory_space<hbm>> -> memref<640xf32, #tpu.memory_space<hbm>>
      tpu.wait_dma2 semaphore(%run_scoped3A : memref<!tpu.dma_semaphore, #tpu.memory_space<semaphore_mem>>) src(%dma_wait3A_37 : memref<640xf32, #tpu.memory_space<hbm>>) dst(%arg17 : memref<640xf32, #tpu.memory_space<vmem>>)
      tpu.yield
    }) : () -> ()
    %scan3A_12 = arith.constant 0 : i32
    %scan3A_13 = arith.constant 0 : i32
    %scan3A_14 = arith.constant 40 : i32
    %scan3A_15 = arith.addi %scan3A_13, %scan3A_14 : i32
    %scan3A_16 = arith.constant 1 : i32
    scf.for %scan3A_36 = %scan3A_13 to %scan3A_15 step %scan3A_16  : i32 {
      %mul3A_37 = arith.constant 16 : i32
      %mul3A_38 = arith.muli %scan3A_36, %mul3A_37 : i32
      %get3A = arith.index_cast %mul3A_38 : i32 to index
      %get3A_39 = tpu.vector_load %arg14[%get3A] {strides = array<i32>} : memref<640xf32, #tpu.memory_space<vmem>>, vector<16xf32>,
      %get3A_40 = arith.index_cast %mul3A_38 : i32 to index
      %get3A_41 = tpu.vector_load %arg16[%get3A_40] {strides = array<i32>} : memref<640xf32, #tpu.memory_space<vmem>>, vector<16xf32>,
      %add3A_42 = arith.addf %get3A_39, %get3A_41 : vector<16xf32>
      %swap3A = arith.index_cast %mul3A_38 : i32 to index
      %swap3A_43 = tpu.vector_load %arg14[%swap3A] {strides = array<i32>} : memref<640xf32, #tpu.memory_space<vmem>>, vector<16xf32>,
      tpu.vector_store %arg14[%swap3A], %add3A_42 {strides = array<i32>} : memref<640xf32, #tpu.memory_space<vmem>>, vector<16xf32>,
      %get3A_44 = arith.index_cast %mul3A_38 : i32 to index
      %get3A_45 = tpu.vector_load %arg15[%get3A_44] {strides = array<i32>} : memref<640xf32, #tpu.memory_space<vmem>>, vector<16xf32>,
      %get3A_46 = arith.index_cast %mul3A_38 : i32 to index
      %get3A_47 = tpu.vector_load %arg17[%get3A_46] {strides = array<i32>} : memref<640xf32, #tpu.memory_space<vmem>>, vector<16xf32>,
      %add3A_48 = arith.addf %get3A_45, %get3A_47 : vector<16xf32>
      %swap3A_49 = arith.index_cast %mul3A_38 : i32 to index
      %swap3A_50 = tpu.vector_load %arg15[%swap3A_49] {strides = array<i32>} : memref<640xf32, #tpu.memory_space<vmem>>, vector<16xf32>,
      tpu.vector_store %arg15[%swap3A_49], %add3A_48 {strides = array<i32>} : memref<640xf32, #tpu.memory_space<vmem>>, vector<16xf32>,
    }
    %scan3A_17 = arith.constant 40 : i32
    "tpu.region"() ({
      %run_scoped3A = tpu.sem_alloc : memref<!tpu.dma_semaphore, #tpu.memory_space<semaphore_mem>>
      %dma_start3A = tpu.memref_slice %arg19[%mul3A_2] : memref<10240xf32, #tpu.memory_space<vmem_shared>> -> memref<640xf32, #tpu.memory_space<vmem_shared>>
      %dma_start3A_36 = tpu.memref_slice %arg19[%mul3A_2] : memref<10240xf32, #tpu.memory_space<vmem_shared>> -> memref<640xf32, #tpu.memory_space<vmem_shared>>
      tpu.enqueue_dma source(%arg14 : memref<640xf32, #tpu.memory_space<vmem>>) target(%dma_start3A_36 : memref<640xf32, #tpu.memory_space<vmem_shared>>) target_semaphore(%run_scoped3A : memref<!tpu.dma_semaphore, #tpu.memory_space<semaphore_mem>>)
      %dma_wait3A = tpu.memref_slice %arg19[%mul3A_2] : memref<10240xf32, #tpu.memory_space<vmem_shared>> -> memref<640xf32, #tpu.memory_space<vmem_shared>>
      %dma_wait3A_37 = tpu.memref_slice %arg19[%mul3A_2] : memref<10240xf32, #tpu.memory_space<vmem_shared>> -> memref<640xf32, #tpu.memory_space<vmem_shared>>
      tpu.wait_dma2 semaphore(%run_scoped3A : memref<!tpu.dma_semaphore, #tpu.memory_space<semaphore_mem>>) src(%arg14 : memref<640xf32, #tpu.memory_space<vmem>>) dst(%dma_wait3A_37 : memref<640xf32, #tpu.memory_space<vmem_shared>>)
      tpu.yield
    }) : () -> ()
    "tpu.region"() ({
      %run_scoped3A = tpu.sem_alloc : memref<!tpu.dma_semaphore, #tpu.memory_space<semaphore_mem>>
      %dma_start3A = tpu.memref_slice %arg20[%mul3A_2] : memref<10240xf32, #tpu.memory_space<vmem_shared>> -> memref<640xf32, #tpu.memory_space<vmem_shared>>
      %dma_start3A_36 = tpu.memref_slice %arg20[%mul3A_2] : memref<10240xf32, #tpu.memory_space<vmem_shared>> -> memref<640xf32, #tpu.memory_space<vmem_shared>>
      tpu.enqueue_dma source(%arg15 : memref<640xf32, #tpu.memory_space<vmem>>) target(%dma_start3A_36 : memref<640xf32, #tpu.memory_space<vmem_shared>>) target_semaphore(%run_scoped3A : memref<!tpu.dma_semaphore, #tpu.memory_space<semaphore_mem>>)
      %dma_wait3A = tpu.memref_slice %arg20[%mul3A_2] : memref<10240xf32, #tpu.memory_space<vmem_shared>> -> memref<640xf32, #tpu.memory_space<vmem_shared>>
      %dma_wait3A_37 = tpu.memref_slice %arg20[%mul3A_2] : memref<10240xf32, #tpu.memory_space<vmem_shared>> -> memref<640xf32, #tpu.memory_space<vmem_shared>>
      tpu.wait_dma2 semaphore(%run_scoped3A : memref<!tpu.dma_semaphore, #tpu.memory_space<semaphore_mem>>) src(%arg15 : memref<640xf32, #tpu.memory_space<vmem>>) dst(%dma_wait3A_37 : memref<640xf32, #tpu.memory_space<vmem_shared>>)
      tpu.yield
    }) : () -> ()
    %eq3A = arith.constant 0 : i32
    %eq3A_18 = arith.cmpi eq, %arg0, %eq3A : i32
    %convert_element_type3A = arith.extui %eq3A_18 : i1 to i32
    %cond3A = arith.constant 0 : i32
    %cond3A_19 = arith.cmpi ne, %convert_element_type3A, %cond3A : i32
    scf.if %cond3A_19 {
      "tpu.region"() ({
        %run_scoped3A = tpu.sem_alloc : memref<!tpu.dma_semaphore, #tpu.memory_space<semaphore_mem>>
        %dma_start3A = tpu.memref_slice %arg11[%mul3A_2] : memref<10240xf32, #tpu.memory_space<hbm>> -> memref<640xf32, #tpu.memory_space<hbm>>
        %dma_start3A_36 = tpu.memref_slice %arg11[%mul3A_2] : memref<10240xf32, #tpu.memory_space<hbm>> -> memref<640xf32, #tpu.memory_space<hbm>>
        tpu.enqueue_dma source(%arg14 : memref<640xf32, #tpu.memory_space<vmem>>) target(%dma_start3A_36 : memref<640xf32, #tpu.memory_space<hbm>>) target_semaphore(%run_scoped3A : memref<!tpu.dma_semaphore, #tpu.memory_space<semaphore_mem>>)
        %dma_wait3A = tpu.memref_slice %arg11[%mul3A_2] : memref<10240xf32, #tpu.memory_space<hbm>> -> memref<640xf32, #tpu.memory_space<hbm>>
        %dma_wait3A_37 = tpu.memref_slice %arg11[%mul3A_2] : memref<10240xf32, #tpu.memory_space<hbm>> -> memref<640xf32, #tpu.memory_space<hbm>>
        tpu.wait_dma2 semaphore(%run_scoped3A : memref<!tpu.dma_semaphore, #tpu.memory_space<semaphore_mem>>) src(%arg14 : memref<640xf32, #tpu.memory_space<vmem>>) dst(%dma_wait3A_37 : memref<640xf32, #tpu.memory_space<hbm>>)
        tpu.yield
      }) : () -> ()
      "tpu.region"() ({
        %run_scoped3A = tpu.sem_alloc : memref<!tpu.dma_semaphore, #tpu.memory_space<semaphore_mem>>
        %dma_start3A = tpu.memref_slice %arg12[%mul3A_2] : memref<10240xf32, #tpu.memory_space<hbm>> -> memref<640xf32, #tpu.memory_space<hbm>>
        %dma_start3A_36 = tpu.memref_slice %arg12[%mul3A_2] : memref<10240xf32, #tpu.memory_space<hbm>> -> memref<640xf32, #tpu.memory_space<hbm>>
        tpu.enqueue_dma source(%arg15 : memref<640xf32, #tpu.memory_space<vmem>>) target(%dma_start3A_36 : memref<640xf32, #tpu.memory_space<hbm>>) target_semaphore(%run_scoped3A : memref<!tpu.dma_semaphore, #tpu.memory_space<semaphore_mem>>)
        %dma_wait3A = tpu.memref_slice %arg12[%mul3A_2] : memref<10240xf32, #tpu.memory_space<hbm>> -> memref<640xf32, #tpu.memory_space<hbm>>
        %dma_wait3A_37 = tpu.memref_slice %arg12[%mul3A_2] : memref<10240xf32, #tpu.memory_space<hbm>> -> memref<640xf32, #tpu.memory_space<hbm>>
        tpu.wait_dma2 semaphore(%run_scoped3A : memref<!tpu.dma_semaphore, #tpu.memory_space<semaphore_mem>>) src(%arg15 : memref<640xf32, #tpu.memory_space<vmem>>) dst(%dma_wait3A_37 : memref<640xf32, #tpu.memory_space<hbm>>)
        tpu.yield
      }) : () -> ()
    } else {
    }
    %barrier3A = arith.constant 0 : index
    tpu.barrier barrier_id(%barrier3A)
    "tpu.region"() ({
      %run_scoped3A = tpu.sem_alloc : memref<!tpu.dma_semaphore, #tpu.memory_space<semaphore_mem>>
      tpu.enqueue_dma source(%arg19 : memref<10240xf32, #tpu.memory_space<vmem_shared>>) target(%arg21 : memref<10240xf32, #tpu.memory_space<vmem>>) target_semaphore(%run_scoped3A : memref<!tpu.dma_semaphore, #tpu.memory_space<semaphore_mem>>)
      tpu.wait_dma2 semaphore(%run_scoped3A : memref<!tpu.dma_semaphore, #tpu.memory_space<semaphore_mem>>) src(%arg19 : memref<10240xf32, #tpu.memory_space<vmem_shared>>) dst(%arg21 : memref<10240xf32, #tpu.memory_space<vmem>>)
      tpu.yield
    }) : () -> ()
    "tpu.region"() ({
      %run_scoped3A = tpu.sem_alloc : memref<!tpu.dma_semaphore, #tpu.memory_space<semaphore_mem>>
      tpu.enqueue_dma source(%arg20 : memref<10240xf32, #tpu.memory_space<vmem_shared>>) target(%arg22 : memref<10240xf32, #tpu.memory_space<vmem>>) target_semaphore(%run_scoped3A : memref<!tpu.dma_semaphore, #tpu.memory_space<semaphore_mem>>)
      tpu.wait_dma2 semaphore(%run_scoped3A : memref<!tpu.dma_semaphore, #tpu.memory_space<semaphore_mem>>) src(%arg20 : memref<10240xf32, #tpu.memory_space<vmem_shared>>) dst(%arg22 : memref<10240xf32, #tpu.memory_space<vmem>>)
      tpu.yield
    }) : () -> ()
    %mul3A_20 = arith.constant 20000 : i32
    %mul3A_21 = arith.muli %add3A, %mul3A_20 : i32
    %lt3A = arith.constant 16 : i32
    %lt3A_22 = arith.cmpi slt, %add3A, %lt3A : i32
    %convert_element_type3A_23 = arith.extui %lt3A_22 : i1 to i32
    %cond3A_24 = arith.constant 0 : i32
    %cond3A_25 = arith.cmpi ne, %convert_element_type3A_23, %cond3A_24 : i32
    scf.if %cond3A_25 {
      %mul3A_36 = arith.constant 20000 : i32
      %mul3A_37 = arith.muli %add3A, %mul3A_36 : i32
      "tpu.region"() ({
        %run_scoped3A = tpu.sem_alloc : memref<!tpu.dma_semaphore, #tpu.memory_space<semaphore_mem>>
        %dma_start3A = tpu.memref_slice %arg7[%mul3A_37] : memref<320000xi32, #tpu.memory_space<hbm>> -> memref<20000xi32, #tpu.memory_space<hbm>>
        %dma_start3A_40 = tpu.memref_slice %arg7[%mul3A_37] : memref<320000xi32, #tpu.memory_space<hbm>> -> memref<20000xi32, #tpu.memory_space<hbm>>
        tpu.enqueue_dma source(%dma_start3A_40 : memref<20000xi32, #tpu.memory_space<hbm>>) target(%arg23 : memref<20000xi32, #tpu.memory_space<vmem>>) target_semaphore(%run_scoped3A : memref<!tpu.dma_semaphore, #tpu.memory_space<semaphore_mem>>)
        %dma_wait3A = tpu.memref_slice %arg7[%mul3A_37] : memref<320000xi32, #tpu.memory_space<hbm>> -> memref<20000xi32, #tpu.memory_space<hbm>>
        %dma_wait3A_41 = tpu.memref_slice %arg7[%mul3A_37] : memref<320000xi32, #tpu.memory_space<hbm>> -> memref<20000xi32, #tpu.memory_space<hbm>>
        tpu.wait_dma2 semaphore(%run_scoped3A : memref<!tpu.dma_semaphore, #tpu.memory_space<semaphore_mem>>) src(%dma_wait3A_41 : memref<20000xi32, #tpu.memory_space<hbm>>) dst(%arg23 : memref<20000xi32, #tpu.memory_space<vmem>>)
        tpu.yield
      }) : () -> ()
      %mul3A_38 = arith.constant 20000 : i32
      %mul3A_39 = arith.muli %add3A, %mul3A_38 : i32
      "tpu.region"() ({
        %run_scoped3A = tpu.sem_alloc : memref<!tpu.dma_semaphore, #tpu.memory_space<semaphore_mem>>
        %dma_start3A = tpu.memref_slice %arg8[%mul3A_39] : memref<320000xi32, #tpu.memory_space<hbm>> -> memref<20000xi32, #tpu.memory_space<hbm>>
        %dma_start3A_40 = tpu.memref_slice %arg8[%mul3A_39] : memref<320000xi32, #tpu.memory_space<hbm>> -> memref<20000xi32, #tpu.memory_space<hbm>>
        tpu.enqueue_dma source(%dma_start3A_40 : memref<20000xi32, #tpu.memory_space<hbm>>) target(%arg24 : memref<20000xi32, #tpu.memory_space<vmem>>) target_semaphore(%run_scoped3A : memref<!tpu.dma_semaphore, #tpu.memory_space<semaphore_mem>>)
        %dma_wait3A = tpu.memref_slice %arg8[%mul3A_39] : memref<320000xi32, #tpu.memory_space<hbm>> -> memref<20000xi32, #tpu.memory_space<hbm>>
        %dma_wait3A_41 = tpu.memref_slice %arg8[%mul3A_39] : memref<320000xi32, #tpu.memory_space<hbm>> -> memref<20000xi32, #tpu.memory_space<hbm>>
        tpu.wait_dma2 semaphore(%run_scoped3A : memref<!tpu.dma_semaphore, #tpu.memory_space<semaphore_mem>>) src(%dma_wait3A_41 : memref<20000xi32, #tpu.memory_space<hbm>>) dst(%arg24 : memref<20000xi32, #tpu.memory_space<vmem>>)
        tpu.yield
      }) : () -> ()
    } else {
    }
    %ge3A = arith.constant 16 : i32
    %ge3A_26 = arith.cmpi sge, %add3A, %ge3A : i32
    %convert_element_type3A_27 = arith.extui %ge3A_26 : i1 to i32
    %cond3A_28 = arith.constant 0 : i32
    %cond3A_29 = arith.cmpi ne, %convert_element_type3A_27, %cond3A_28 : i32
    scf.if %cond3A_29 {
      %sub3A = arith.constant 16 : i32
      %sub3A_36 = arith.subi %add3A, %sub3A : i32
      %mul3A_37 = arith.constant 20000 : i32
      %mul3A_38 = arith.muli %sub3A_36, %mul3A_37 : i32
      "tpu.region"() ({
        %run_scoped3A = tpu.sem_alloc : memref<!tpu.dma_semaphore, #tpu.memory_space<semaphore_mem>>
        %dma_start3A = tpu.memref_slice %arg9[%mul3A_38] : memref<320000xi32, #tpu.memory_space<hbm>> -> memref<20000xi32, #tpu.memory_space<hbm>>
        %dma_start3A_43 = tpu.memref_slice %arg9[%mul3A_38] : memref<320000xi32, #tpu.memory_space<hbm>> -> memref<20000xi32, #tpu.memory_space<hbm>>
        tpu.enqueue_dma source(%dma_start3A_43 : memref<20000xi32, #tpu.memory_space<hbm>>) target(%arg23 : memref<20000xi32, #tpu.memory_space<vmem>>) target_semaphore(%run_scoped3A : memref<!tpu.dma_semaphore, #tpu.memory_space<semaphore_mem>>)
        %dma_wait3A = tpu.memref_slice %arg9[%mul3A_38] : memref<320000xi32, #tpu.memory_space<hbm>> -> memref<20000xi32, #tpu.memory_space<hbm>>
        %dma_wait3A_44 = tpu.memref_slice %arg9[%mul3A_38] : memref<320000xi32, #tpu.memory_space<hbm>> -> memref<20000xi32, #tpu.memory_space<hbm>>
        tpu.wait_dma2 semaphore(%run_scoped3A : memref<!tpu.dma_semaphore, #tpu.memory_space<semaphore_mem>>) src(%dma_wait3A_44 : memref<20000xi32, #tpu.memory_space<hbm>>) dst(%arg23 : memref<20000xi32, #tpu.memory_space<vmem>>)
        tpu.yield
      }) : () -> ()
      %sub3A_39 = arith.constant 16 : i32
      %sub3A_40 = arith.subi %add3A, %sub3A_39 : i32
      %mul3A_41 = arith.constant 20000 : i32
      %mul3A_42 = arith.muli %sub3A_40, %mul3A_41 : i32
      "tpu.region"() ({
        %run_scoped3A = tpu.sem_alloc : memref<!tpu.dma_semaphore, #tpu.memory_space<semaphore_mem>>
        %dma_start3A = tpu.memref_slice %arg10[%mul3A_42] : memref<320000xi32, #tpu.memory_space<hbm>> -> memref<20000xi32, #tpu.memory_space<hbm>>
        %dma_start3A_43 = tpu.memref_slice %arg10[%mul3A_42] : memref<320000xi32, #tpu.memory_space<hbm>> -> memref<20000xi32, #tpu.memory_space<hbm>>
        tpu.enqueue_dma source(%dma_start3A_43 : memref<20000xi32, #tpu.memory_space<hbm>>) target(%arg24 : memref<20000xi32, #tpu.memory_space<vmem>>) target_semaphore(%run_scoped3A : memref<!tpu.dma_semaphore, #tpu.memory_space<semaphore_mem>>)
        %dma_wait3A = tpu.memref_slice %arg10[%mul3A_42] : memref<320000xi32, #tpu.memory_space<hbm>> -> memref<20000xi32, #tpu.memory_space<hbm>>
        %dma_wait3A_44 = tpu.memref_slice %arg10[%mul3A_42] : memref<320000xi32, #tpu.memory_space<hbm>> -> memref<20000xi32, #tpu.memory_space<hbm>>
        tpu.wait_dma2 semaphore(%run_scoped3A : memref<!tpu.dma_semaphore, #tpu.memory_space<semaphore_mem>>) src(%dma_wait3A_44 : memref<20000xi32, #tpu.memory_space<hbm>>) dst(%arg24 : memref<20000xi32, #tpu.memory_space<vmem>>)
        tpu.yield
      }) : () -> ()
    } else {
    }
    %scan3A_30 = arith.constant 0 : i32
    %scan3A_31 = arith.constant 0 : i32
    %scan3A_32 = arith.constant 250 : i32
    %scan3A_33 = arith.addi %scan3A_31, %scan3A_32 : i32
    %scan3A_34 = arith.constant 1 : i32
    scf.for %scan3A_36 = %scan3A_31 to %scan3A_33 step %scan3A_34  : i32 {
      %mul3A_37 = arith.constant 5 : i32
      %mul3A_38 = arith.muli %scan3A_36, %mul3A_37 : i32
      %add3A_39 = arith.constant 0 : i32
      %add3A_40 = arith.addi %mul3A_38, %add3A_39 : i32
      %mul3A_41 = arith.constant 16 : i32
      %mul3A_42 = arith.muli %add3A_40, %mul3A_41 : i32
      %get3A = arith.index_cast %mul3A_42 : i32 to index
      %get3A_43 = tpu.vector_load %arg23[%get3A] {strides = array<i32>} : memref<20000xi32, #tpu.memory_space<vmem>>, vector<16xi32>,
      %get3A_44 = arith.index_cast %mul3A_42 : i32 to index
      %get3A_45 = tpu.vector_load %arg24[%get3A_44] {strides = array<i32>} : memref<20000xi32, #tpu.memory_space<vmem>>, vector<16xi32>,
      %gather3A = tpu.vector_load_idx %arg21[%get3A_43] : memref<10240xf32, #tpu.memory_space<vmem>>[vector<16xi32>], vector<16xf32>,
      %gather3A_46 = tpu.vector_load_idx %arg21[%get3A_45] : memref<10240xf32, #tpu.memory_space<vmem>>[vector<16xi32>], vector<16xf32>,
      %sub3A = arith.subf %gather3A, %gather3A_46 : vector<16xf32>
      %gather3A_47 = tpu.vector_load_idx %arg22[%get3A_43] : memref<10240xf32, #tpu.memory_space<vmem>>[vector<16xi32>], vector<16xf32>,
      %gather3A_48 = tpu.vector_load_idx %arg22[%get3A_45] : memref<10240xf32, #tpu.memory_space<vmem>>[vector<16xi32>], vector<16xf32>,
      %sub3A_49 = arith.subf %gather3A_47, %gather3A_48 : vector<16xf32>
      %mul3A_50 = arith.mulf %sub3A, %sub3A : vector<16xf32>
      %mul3A_51 = arith.mulf %sub3A_49, %sub3A_49 : vector<16xf32>
      %add3A_52 = arith.addf %mul3A_50, %mul3A_51 : vector<16xf32>
      %swap3A = arith.index_cast %mul3A_42 : i32 to index
      %swap3A_53 = tpu.vector_load %arg25[%swap3A] {strides = array<i32>} : memref<20000xf32, #tpu.memory_space<vmem>>, vector<16xf32>,
      tpu.vector_store %arg25[%swap3A], %add3A_52 {strides = array<i32>} : memref<20000xf32, #tpu.memory_space<vmem>>, vector<16xf32>,
      %mul3A_54 = arith.constant 5 : i32
      %mul3A_55 = arith.muli %scan3A_36, %mul3A_54 : i32
      %add3A_56 = arith.constant 1 : i32
      %add3A_57 = arith.addi %mul3A_55, %add3A_56 : i32
      %mul3A_58 = arith.constant 16 : i32
      %mul3A_59 = arith.muli %add3A_57, %mul3A_58 : i32
      %get3A_60 = arith.index_cast %mul3A_59 : i32 to index
      %get3A_61 = tpu.vector_load %arg23[%get3A_60] {strides = array<i32>} : memref<20000xi32, #tpu.memory_space<vmem>>, vector<16xi32>,
      %get3A_62 = arith.index_cast %mul3A_59 : i32 to index
      %get3A_63 = tpu.vector_load %arg24[%get3A_62] {strides = array<i32>} : memref<20000xi32, #tpu.memory_space<vmem>>, vector<16xi32>,
      %gather3A_64 = tpu.vector_load_idx %arg21[%get3A_61] : memref<10240xf32, #tpu.memory_space<vmem>>[vector<16xi32>], vector<16xf32>,
      %gather3A_65 = tpu.vector_load_idx %arg21[%get3A_63] : memref<10240xf32, #tpu.memory_space<vmem>>[vector<16xi32>], vector<16xf32>,
      %sub3A_66 = arith.subf %gather3A_64, %gather3A_65 : vector<16xf32>
      %gather3A_67 = tpu.vector_load_idx %arg22[%get3A_61] : memref<10240xf32, #tpu.memory_space<vmem>>[vector<16xi32>], vector<16xf32>,
      %gather3A_68 = tpu.vector_load_idx %arg22[%get3A_63] : memref<10240xf32, #tpu.memory_space<vmem>>[vector<16xi32>], vector<16xf32>,
      %sub3A_69 = arith.subf %gather3A_67, %gather3A_68 : vector<16xf32>
      %mul3A_70 = arith.mulf %sub3A_66, %sub3A_66 : vector<16xf32>
      %mul3A_71 = arith.mulf %sub3A_69, %sub3A_69 : vector<16xf32>
      %add3A_72 = arith.addf %mul3A_70, %mul3A_71 : vector<16xf32>
      %swap3A_73 = arith.index_cast %mul3A_59 : i32 to index
      %swap3A_74 = tpu.vector_load %arg25[%swap3A_73] {strides = array<i32>} : memref<20000xf32, #tpu.memory_space<vmem>>, vector<16xf32>,
      tpu.vector_store %arg25[%swap3A_73], %add3A_72 {strides = array<i32>} : memref<20000xf32, #tpu.memory_space<vmem>>, vector<16xf32>,
      %mul3A_75 = arith.constant 5 : i32
      %mul3A_76 = arith.muli %scan3A_36, %mul3A_75 : i32
      %add3A_77 = arith.constant 2 : i32
      %add3A_78 = arith.addi %mul3A_76, %add3A_77 : i32
      %mul3A_79 = arith.constant 16 : i32
      %mul3A_80 = arith.muli %add3A_78, %mul3A_79 : i32
      %get3A_81 = arith.index_cast %mul3A_80 : i32 to index
      %get3A_82 = tpu.vector_load %arg23[%get3A_81] {strides = array<i32>} : memref<20000xi32, #tpu.memory_space<vmem>>, vector<16xi32>,
      %get3A_83 = arith.index_cast %mul3A_80 : i32 to index
      %get3A_84 = tpu.vector_load %arg24[%get3A_83] {strides = array<i32>} : memref<20000xi32, #tpu.memory_space<vmem>>, vector<16xi32>,
      %gather3A_85 = tpu.vector_load_idx %arg21[%get3A_82] : memref<10240xf32, #tpu.memory_space<vmem>>[vector<16xi32>], vector<16xf32>,
      %gather3A_86 = tpu.vector_load_idx %arg21[%get3A_84] : memref<10240xf32, #tpu.memory_space<vmem>>[vector<16xi32>], vector<16xf32>,
      %sub3A_87 = arith.subf %gather3A_85, %gather3A_86 : vector<16xf32>
      %gather3A_88 = tpu.vector_load_idx %arg22[%get3A_82] : memref<10240xf32, #tpu.memory_space<vmem>>[vector<16xi32>], vector<16xf32>,
      %gather3A_89 = tpu.vector_load_idx %arg22[%get3A_84] : memref<10240xf32, #tpu.memory_space<vmem>>[vector<16xi32>], vector<16xf32>,
      %sub3A_90 = arith.subf %gather3A_88, %gather3A_89 : vector<16xf32>
      %mul3A_91 = arith.mulf %sub3A_87, %sub3A_87 : vector<16xf32>
      %mul3A_92 = arith.mulf %sub3A_90, %sub3A_90 : vector<16xf32>
      %add3A_93 = arith.addf %mul3A_91, %mul3A_92 : vector<16xf32>
      %swap3A_94 = arith.index_cast %mul3A_80 : i32 to index
      %swap3A_95 = tpu.vector_load %arg25[%swap3A_94] {strides = array<i32>} : memref<20000xf32, #tpu.memory_space<vmem>>, vector<16xf32>,
      tpu.vector_store %arg25[%swap3A_94], %add3A_93 {strides = array<i32>} : memref<20000xf32, #tpu.memory_space<vmem>>, vector<16xf32>,
      %mul3A_96 = arith.constant 5 : i32
      %mul3A_97 = arith.muli %scan3A_36, %mul3A_96 : i32
      %add3A_98 = arith.constant 3 : i32
      %add3A_99 = arith.addi %mul3A_97, %add3A_98 : i32
      %mul3A_100 = arith.constant 16 : i32
      %mul3A_101 = arith.muli %add3A_99, %mul3A_100 : i32
      %get3A_102 = arith.index_cast %mul3A_101 : i32 to index
      %get3A_103 = tpu.vector_load %arg23[%get3A_102] {strides = array<i32>} : memref<20000xi32, #tpu.memory_space<vmem>>, vector<16xi32>,
      %get3A_104 = arith.index_cast %mul3A_101 : i32 to index
      %get3A_105 = tpu.vector_load %arg24[%get3A_104] {strides = array<i32>} : memref<20000xi32, #tpu.memory_space<vmem>>, vector<16xi32>,
      %gather3A_106 = tpu.vector_load_idx %arg21[%get3A_103] : memref<10240xf32, #tpu.memory_space<vmem>>[vector<16xi32>], vector<16xf32>,
      %gather3A_107 = tpu.vector_load_idx %arg21[%get3A_105] : memref<10240xf32, #tpu.memory_space<vmem>>[vector<16xi32>], vector<16xf32>,
      %sub3A_108 = arith.subf %gather3A_106, %gather3A_107 : vector<16xf32>
      %gather3A_109 = tpu.vector_load_idx %arg22[%get3A_103] : memref<10240xf32, #tpu.memory_space<vmem>>[vector<16xi32>], vector<16xf32>,
      %gather3A_110 = tpu.vector_load_idx %arg22[%get3A_105] : memref<10240xf32, #tpu.memory_space<vmem>>[vector<16xi32>], vector<16xf32>,
      %sub3A_111 = arith.subf %gather3A_109, %gather3A_110 : vector<16xf32>
      %mul3A_112 = arith.mulf %sub3A_108, %sub3A_108 : vector<16xf32>
      %mul3A_113 = arith.mulf %sub3A_111, %sub3A_111 : vector<16xf32>
      %add3A_114 = arith.addf %mul3A_112, %mul3A_113 : vector<16xf32>
      %swap3A_115 = arith.index_cast %mul3A_101 : i32 to index
      %swap3A_116 = tpu.vector_load %arg25[%swap3A_115] {strides = array<i32>} : memref<20000xf32, #tpu.memory_space<vmem>>, vector<16xf32>,
      tpu.vector_store %arg25[%swap3A_115], %add3A_114 {strides = array<i32>} : memref<20000xf32, #tpu.memory_space<vmem>>, vector<16xf32>,
      %mul3A_117 = arith.constant 5 : i32
      %mul3A_118 = arith.muli %scan3A_36, %mul3A_117 : i32
      %add3A_119 = arith.constant 4 : i32
      %add3A_120 = arith.addi %mul3A_118, %add3A_119 : i32
      %mul3A_121 = arith.constant 16 : i32
      %mul3A_122 = arith.muli %add3A_120, %mul3A_121 : i32
      %get3A_123 = arith.index_cast %mul3A_122 : i32 to index
      %get3A_124 = tpu.vector_load %arg23[%get3A_123] {strides = array<i32>} : memref<20000xi32, #tpu.memory_space<vmem>>, vector<16xi32>,
      %get3A_125 = arith.index_cast %mul3A_122 : i32 to index
      %get3A_126 = tpu.vector_load %arg24[%get3A_125] {strides = array<i32>} : memref<20000xi32, #tpu.memory_space<vmem>>, vector<16xi32>,
      %gather3A_127 = tpu.vector_load_idx %arg21[%get3A_124] : memref<10240xf32, #tpu.memory_space<vmem>>[vector<16xi32>], vector<16xf32>,
      %gather3A_128 = tpu.vector_load_idx %arg21[%get3A_126] : memref<10240xf32, #tpu.memory_space<vmem>>[vector<16xi32>], vector<16xf32>,
      %sub3A_129 = arith.subf %gather3A_127, %gather3A_128 : vector<16xf32>
      %gather3A_130 = tpu.vector_load_idx %arg22[%get3A_124] : memref<10240xf32, #tpu.memory_space<vmem>>[vector<16xi32>], vector<16xf32>,
      %gather3A_131 = tpu.vector_load_idx %arg22[%get3A_126] : memref<10240xf32, #tpu.memory_space<vmem>>[vector<16xi32>], vector<16xf32>,
      %sub3A_132 = arith.subf %gather3A_130, %gather3A_131 : vector<16xf32>
      %mul3A_133 = arith.mulf %sub3A_129, %sub3A_129 : vector<16xf32>
      %mul3A_134 = arith.mulf %sub3A_132, %sub3A_132 : vector<16xf32>
      %add3A_135 = arith.addf %mul3A_133, %mul3A_134 : vector<16xf32>
      %swap3A_136 = arith.index_cast %mul3A_122 : i32 to index
      %swap3A_137 = tpu.vector_load %arg25[%swap3A_136] {strides = array<i32>} : memref<20000xf32, #tpu.memory_space<vmem>>, vector<16xf32>,
      tpu.vector_store %arg25[%swap3A_136], %add3A_135 {strides = array<i32>} : memref<20000xf32, #tpu.memory_space<vmem>>, vector<16xf32>,
    }
    %scan3A_35 = arith.constant 250 : i32
    "tpu.region"() ({
      %run_scoped3A = tpu.sem_alloc : memref<!tpu.dma_semaphore, #tpu.memory_space<semaphore_mem>>
      %dma_start3A = tpu.memref_slice %arg13[%mul3A_21] : memref<640000xf32, #tpu.memory_space<hbm>> -> memref<20000xf32, #tpu.memory_space<hbm>>
      %dma_start3A_36 = tpu.memref_slice %arg13[%mul3A_21] : memref<640000xf32, #tpu.memory_space<hbm>> -> memref<20000xf32, #tpu.memory_space<hbm>>
      tpu.enqueue_dma source(%arg25 : memref<20000xf32, #tpu.memory_space<vmem>>) target(%dma_start3A_36 : memref<20000xf32, #tpu.memory_space<hbm>>) target_semaphore(%run_scoped3A : memref<!tpu.dma_semaphore, #tpu.memory_space<semaphore_mem>>)
      %dma_wait3A = tpu.memref_slice %arg13[%mul3A_21] : memref<640000xf32, #tpu.memory_space<hbm>> -> memref<20000xf32, #tpu.memory_space<hbm>>
      %dma_wait3A_37 = tpu.memref_slice %arg13[%mul3A_21] : memref<640000xf32, #tpu.memory_space<hbm>> -> memref<20000xf32, #tpu.memory_space<hbm>>
      tpu.wait_dma2 semaphore(%run_scoped3A : memref<!tpu.dma_semaphore, #tpu.memory_space<semaphore_mem>>) src(%arg25 : memref<20000xf32, #tpu.memory_space<vmem>>) dst(%dma_wait3A_37 : memref<20000xf32, #tpu.memory_space<hbm>>)
      tpu.yield
    }) : () -> ()
    return
  }
}

module attributes {stable_mosaic.version = 14 : i64} {
  func.func @_prep_body(%arg0: memref<2x10240xf32, #tpu.memory_space<vmem>>, %arg1: memref<10000x128xf32, #tpu.memory_space<vmem>>, %arg2: memref<10240x128xf32, #tpu.memory_space<vmem>>, %arg3: memref<10240xf32, #tpu.memory_space<vmem>>, %arg4: memref<10240xf32, #tpu.memory_space<vmem>>) attributes {dimension_semantics = [], scalar_prefetch = 0 : i64, scratch_operands = 0 : i64, tpu.core_type = #tpu.core_type<tc>} {
    %get3A = arith.constant 0 : index
    %get3A_0 = arith.constant 0 : index
    %get3A_1 = vector.load %arg0[%get3A, %get3A_0] : memref<2x10240xf32, #tpu.memory_space<vmem>>, vector<1x10240xf32>
    %get3A_2 = vector.shape_cast %get3A_1 : vector<1x10240xf32> to vector<10240xf32>
    %get3A_3 = arith.constant 1 : index
    %get3A_4 = arith.constant 0 : index
    %get3A_5 = vector.load %arg0[%get3A_3, %get3A_4] : memref<2x10240xf32, #tpu.memory_space<vmem>>, vector<1x10240xf32>
    %get3A_6 = vector.shape_cast %get3A_5 : vector<1x10240xf32> to vector<10240xf32>
    %add3A = arith.addf %get3A_2, %get3A_6 : vector<10240xf32>
    %add3A_7 = arith.constant 1.000000e+00 : f32
    %add3A_8 = vector.broadcast %add3A_7 : f32 to vector<10240xf32>
    %add3A_9 = arith.addf %add3A, %add3A_8 : vector<10240xf32>
    %rsqrt3A = math.rsqrt %add3A_9 : vector<10240xf32>
    %swap3A = arith.constant 0 : index
    %swap3A_10 = vector.load %arg3[%swap3A] : memref<10240xf32, #tpu.memory_space<vmem>>, vector<10240xf32>
    tpu.vector_store %arg3[%swap3A], %rsqrt3A {strides = array<i32>} : memref<10240xf32, #tpu.memory_space<vmem>>, vector<10240xf32>,
    %mul3A = arith.mulf %rsqrt3A, %rsqrt3A : vector<10240xf32>
    %swap3A_11 = arith.constant 0 : index
    %swap3A_12 = vector.load %arg4[%swap3A_11] : memref<10240xf32, #tpu.memory_space<vmem>>, vector<10240xf32>
    tpu.vector_store %arg4[%swap3A_11], %mul3A {strides = array<i32>} : memref<10240xf32, #tpu.memory_space<vmem>>, vector<10240xf32>,
    %slice3A = vector.extract_strided_slice %rsqrt3A {offsets = [0], sizes = [10000], strides = [1]} : vector<10240xf32> to vector<10000xf32>
    %broadcast_in_dim3A = vector.shape_cast %slice3A : vector<10000xf32> to vector<10000x1xf32>
    %get3A_13 = arith.constant 0 : index
    %get3A_14 = arith.constant 0 : index
    %get3A_15 = vector.load %arg1[%get3A_13, %get3A_14] : memref<10000x128xf32, #tpu.memory_space<vmem>>, vector<10000x128xf32>
    %mul3A_16 = vector.broadcast %broadcast_in_dim3A : vector<10000x1xf32> to vector<10000x128xf32>
    %mul3A_17 = arith.mulf %mul3A_16, %get3A_15 : vector<10000x128xf32>
    %swap3A_18 = arith.constant 0 : index
    %swap3A_19 = arith.constant 0 : index
    %swap3A_20 = vector.load %arg2[%swap3A_18, %swap3A_19] : memref<10240x128xf32, #tpu.memory_space<vmem>>, vector<10000x128xf32>
    tpu.vector_store %arg2[%swap3A_18, %swap3A_19], %mul3A_17 {strides = array<i32>} : memref<10240x128xf32, #tpu.memory_space<vmem>>, vector<10000x128xf32>,
    %broadcast_in_dim3A_21 = arith.constant 0.000000e+00 : f32
    %broadcast_in_dim3A_22 = vector.broadcast %broadcast_in_dim3A_21 : f32 to vector<240x128xf32>
    %swap3A_23 = arith.constant 10000 : index
    %swap3A_24 = arith.constant 0 : index
    %swap3A_25 = vector.load %arg2[%swap3A_23, %swap3A_24] : memref<10240x128xf32, #tpu.memory_space<vmem>>, vector<240x128xf32>
    tpu.vector_store %arg2[%swap3A_23, %swap3A_24], %broadcast_in_dim3A_22 {strides = array<i32>} : memref<10240x128xf32, #tpu.memory_space<vmem>>, vector<240x128xf32>,
    return
  }
}

module attributes {stable_mosaic.version = 14 : i64} {
  func.func @_mlp_body(%arg0: i32, %arg1: memref<2x1024x128xf32, #tpu.memory_space<vmem>>, %arg2: memref<1024x128xf32, #tpu.memory_space<vmem>>, %arg3: memref<1024xf32, #tpu.memory_space<vmem>>, %arg4: memref<1024xf32, #tpu.memory_space<vmem>>, %arg5: memref<128x256xf32, #tpu.memory_space<vmem>>, %arg6: memref<256xf32, #tpu.memory_space<vmem>>, %arg7: memref<256x2xf32, #tpu.memory_space<vmem>>, %arg8: memref<2xf32, #tpu.memory_space<vmem>>, %arg9: memref<1024xf32, #tpu.memory_space<vmem>>, %arg10: memref<1024xf32, #tpu.memory_space<vmem>>, %arg11: memref<1024xf32, #tpu.memory_space<vmem>>, %arg12: memref<1024xf32, #tpu.memory_space<vmem>>) attributes {dimension_semantics = [#tpu.dimension_semantics<arbitrary>], iteration_bounds = array<i64: 10>, scalar_prefetch = 0 : i64, scratch_operands = 0 : i64, tpu.core_type = #tpu.core_type<tc>, window_params = [{transform_indices = @transform_0, window_bounds = array<i64: 2, 1024, 128>}, {transform_indices = @transform_1, window_bounds = array<i64: 1024, 128>}, {transform_indices = @transform_2, window_bounds = array<i64: 1024>}, {transform_indices = @transform_3, window_bounds = array<i64: 1024>}, {pipeline_mode = #tpu.pipeline_mode<synchronous>, transform_indices = @transform_4, window_bounds = array<i64: 128, 256>}, {pipeline_mode = #tpu.pipeline_mode<synchronous>, transform_indices = @transform_5, window_bounds = array<i64: 256>}, {pipeline_mode = #tpu.pipeline_mode<synchronous>, transform_indices = @transform_6, window_bounds = array<i64: 256, 2>}, {pipeline_mode = #tpu.pipeline_mode<synchronous>, transform_indices = @transform_7, window_bounds = array<i64: 2>}, {transform_indices = @transform_8, window_bounds = array<i64: 1024>}, {transform_indices = @transform_9, window_bounds = array<i64: 1024>}, {transform_indices = @transform_10, window_bounds = array<i64: 1024>}, {transform_indices = @transform_11, window_bounds = array<i64: 1024>}]} {
    %get3A = arith.constant 0 : index
    %get3A_0 = vector.load %arg3[%get3A] : memref<1024xf32, #tpu.memory_space<vmem>>, vector<1024xf32>
    %get3A_1 = arith.constant 0 : index
    %get3A_2 = vector.load %arg4[%get3A_1] : memref<1024xf32, #tpu.memory_space<vmem>>, vector<1024xf32>
    %broadcast_in_dim3A = vector.shape_cast %get3A_0 : vector<1024xf32> to vector<1024x1xf32>
    %get3A_3 = arith.constant 0 : index
    %get3A_4 = arith.constant 0 : index
    %get3A_5 = arith.constant 0 : index
    %get3A_6 = vector.load %arg1[%get3A_3, %get3A_4, %get3A_5] : memref<2x1024x128xf32, #tpu.memory_space<vmem>>, vector<1x1024x128xf32>
    %get3A_7 = vector.shape_cast %get3A_6 : vector<1x1024x128xf32> to vector<1024x128xf32>
    %get3A_8 = arith.constant 1 : index
    %get3A_9 = arith.constant 0 : index
    %get3A_10 = arith.constant 0 : index
    %get3A_11 = vector.load %arg1[%get3A_8, %get3A_9, %get3A_10] : memref<2x1024x128xf32, #tpu.memory_space<vmem>>, vector<1x1024x128xf32>
    %get3A_12 = vector.shape_cast %get3A_11 : vector<1x1024x128xf32> to vector<1024x128xf32>
    %add3A = arith.addf %get3A_7, %get3A_12 : vector<1024x128xf32>
    %get3A_13 = arith.constant 0 : index
    %get3A_14 = arith.constant 0 : index
    %get3A_15 = vector.load %arg2[%get3A_13, %get3A_14] : memref<1024x128xf32, #tpu.memory_space<vmem>>, vector<1024x128xf32>
    %add3A_16 = arith.addf %add3A, %get3A_15 : vector<1024x128xf32>
    %mul3A = vector.broadcast %broadcast_in_dim3A : vector<1024x1xf32> to vector<1024x128xf32>
    %mul3A_17 = arith.mulf %mul3A, %add3A_16 : vector<1024x128xf32>
    %get3A_18 = arith.constant 0 : index
    %get3A_19 = arith.constant 0 : index
    %get3A_20 = vector.load %arg5[%get3A_18, %get3A_19] : memref<128x256xf32, #tpu.memory_space<vmem>>, vector<128x256xf32>
    %dot_general3A = arith.constant dense<0.000000e+00> : vector<1024x256xf32>
    %dot_general3A_21 = tpu.matmul %mul3A_17, %get3A_20, %dot_general3A {dimension_numbers = #tpu.dot_dimension_numbers<[1], [0], [0], [1], [0, 0, 1, 1], [], []>, transpose_lhs_hint = false} : vector<1024x128xf32>, vector<128x256xf32>, vector<1024x256xf32> -> vector<1024x256xf32>
    %get3A_22 = arith.constant 0 : index
    %get3A_23 = vector.load %arg6[%get3A_22] : memref<256xf32, #tpu.memory_space<vmem>>, vector<256xf32>
    %broadcast_in_dim3A_24 = vector.shape_cast %get3A_23 : vector<256xf32> to vector<1x256xf32>
    %add3A_25 = vector.broadcast %broadcast_in_dim3A_24 : vector<1x256xf32> to vector<1024x256xf32>
    %add3A_26 = arith.addf %dot_general3A_21, %add3A_25 : vector<1024x256xf32>
    %max3A = arith.constant 0.000000e+00 : f32
    %max3A_27 = vector.broadcast %max3A : f32 to vector<1024x256xf32>
    %max3A_28 = arith.maximumf %add3A_26, %max3A_27 : vector<1024x256xf32>
    %get3A_29 = arith.constant 0 : index
    %get3A_30 = arith.constant 0 : index
    %get3A_31 = vector.load %arg7[%get3A_29, %get3A_30] : memref<256x2xf32, #tpu.memory_space<vmem>>, vector<256x2xf32>
    %dot_general3A_32 = arith.constant dense<0.000000e+00> : vector<1024x2xf32>
    %dot_general3A_33 = tpu.matmul %max3A_28, %get3A_31, %dot_general3A_32 {dimension_numbers = #tpu.dot_dimension_numbers<[1], [0], [0], [1], [0, 0, 1, 1], [], []>, transpose_lhs_hint = false} : vector<1024x256xf32>, vector<256x2xf32>, vector<1024x2xf32> -> vector<1024x2xf32>
    %slice3A = vector.extract_strided_slice %dot_general3A_33 {offsets = [0, 0], sizes = [1024, 1], strides = [1, 1]} : vector<1024x2xf32> to vector<1024x1xf32>
    %squeeze3A = vector.shape_cast %slice3A : vector<1024x1xf32> to vector<1024xf32>
    %mul3A_34 = arith.mulf %get3A_0, %squeeze3A : vector<1024xf32>
    %swap3A = arith.constant 0 : index
    %swap3A_35 = vector.load %arg9[%swap3A] : memref<1024xf32, #tpu.memory_space<vmem>>, vector<1024xf32>
    tpu.vector_store %arg9[%swap3A], %mul3A_34 {strides = array<i32>} : memref<1024xf32, #tpu.memory_space<vmem>>, vector<1024xf32>,
    %slice3A_36 = vector.extract_strided_slice %dot_general3A_33 {offsets = [0, 1], sizes = [1024, 1], strides = [1, 1]} : vector<1024x2xf32> to vector<1024x1xf32>
    %squeeze3A_37 = vector.shape_cast %slice3A_36 : vector<1024x1xf32> to vector<1024xf32>
    %mul3A_38 = arith.mulf %get3A_0, %squeeze3A_37 : vector<1024xf32>
    %swap3A_39 = arith.constant 0 : index
    %swap3A_40 = vector.load %arg10[%swap3A_39] : memref<1024xf32, #tpu.memory_space<vmem>>, vector<1024xf32>
    tpu.vector_store %arg10[%swap3A_39], %mul3A_38 {strides = array<i32>} : memref<1024xf32, #tpu.memory_space<vmem>>, vector<1024xf32>,
    %slice3A_41 = vector.extract_strided_slice %dot_general3A_33 {offsets = [0, 0], sizes = [1024, 1], strides = [1, 1]} : vector<1024x2xf32> to vector<1024x1xf32>
    %squeeze3A_42 = vector.shape_cast %slice3A_41 : vector<1024x1xf32> to vector<1024xf32>
    %mul3A_43 = arith.mulf %get3A_2, %squeeze3A_42 : vector<1024xf32>
    %get3A_44 = arith.constant 0 : index
    %get3A_45 = vector.load %arg8[%get3A_44] : memref<2xf32, #tpu.memory_space<vmem>>, vector<1xf32>
    %get3A_46 = vector.extract %get3A_45[0] : f32 from vector<1xf32>
    %add3A_47 = vector.broadcast %get3A_46 : f32 to vector<1024xf32>
    %add3A_48 = arith.addf %mul3A_43, %add3A_47 : vector<1024xf32>
    %swap3A_49 = arith.constant 0 : index
    %swap3A_50 = vector.load %arg11[%swap3A_49] : memref<1024xf32, #tpu.memory_space<vmem>>, vector<1024xf32>
    tpu.vector_store %arg11[%swap3A_49], %add3A_48 {strides = array<i32>} : memref<1024xf32, #tpu.memory_space<vmem>>, vector<1024xf32>,
    %slice3A_51 = vector.extract_strided_slice %dot_general3A_33 {offsets = [0, 1], sizes = [1024, 1], strides = [1, 1]} : vector<1024x2xf32> to vector<1024x1xf32>
    %squeeze3A_52 = vector.shape_cast %slice3A_51 : vector<1024x1xf32> to vector<1024xf32>
    %mul3A_53 = arith.mulf %get3A_2, %squeeze3A_52 : vector<1024xf32>
    %get3A_54 = arith.constant 1 : index
    %get3A_55 = vector.load %arg8[%get3A_54] : memref<2xf32, #tpu.memory_space<vmem>>, vector<1xf32>
    %get3A_56 = vector.extract %get3A_55[0] : f32 from vector<1xf32>
    %add3A_57 = vector.broadcast %get3A_56 : f32 to vector<1024xf32>
    %add3A_58 = arith.addf %mul3A_53, %add3A_57 : vector<1024xf32>
    %swap3A_59 = arith.constant 0 : index
    %swap3A_60 = vector.load %arg12[%swap3A_59] : memref<1024xf32, #tpu.memory_space<vmem>>, vector<1024xf32>
    tpu.vector_store %arg12[%swap3A_59], %add3A_58 {strides = array<i32>} : memref<1024xf32, #tpu.memory_space<vmem>>, vector<1024xf32>,
    return
  }
  func.func @transform_0(%arg0: i32) -> (i32, i32, i32) {
    %c0_i32 = arith.constant 0 : i32
    %c0_i32_0 = arith.constant 0 : i32
    %c0_i32_1 = arith.constant 0 : i32
    return %c0_i32, %arg0, %c0_i32_0 : i32, i32, i32
  }
  func.func @transform_1(%arg0: i32) -> (i32, i32) {
    %c0_i32 = arith.constant 0 : i32
    %c0_i32_0 = arith.constant 0 : i32
    return %arg0, %c0_i32 : i32, i32
  }
  func.func @transform_2(%arg0: i32) -> i32 {
    %c0_i32 = arith.constant 0 : i32
    return %arg0 : i32
  }
  func.func @transform_3(%arg0: i32) -> i32 {
    %c0_i32 = arith.constant 0 : i32
    return %arg0 : i32
  }
  func.func @transform_4(%arg0: i32) -> (i32, i32) {
    %c0_i32 = arith.constant 0 : i32
    %c0_i32_0 = arith.constant 0 : i32
    %c0_i32_1 = arith.constant 0 : i32
    return %c0_i32, %c0_i32_0 : i32, i32
  }
  func.func @transform_5(%arg0: i32) -> i32 {
    %c0_i32 = arith.constant 0 : i32
    %c0_i32_0 = arith.constant 0 : i32
    return %c0_i32 : i32
  }
  func.func @transform_6(%arg0: i32) -> (i32, i32) {
    %c0_i32 = arith.constant 0 : i32
    %c0_i32_0 = arith.constant 0 : i32
    %c0_i32_1 = arith.constant 0 : i32
    return %c0_i32, %c0_i32_0 : i32, i32
  }
  func.func @transform_7(%arg0: i32) -> i32 {
    %c0_i32 = arith.constant 0 : i32
    %c0_i32_0 = arith.constant 0 : i32
    return %c0_i32 : i32
  }
  func.func @transform_8(%arg0: i32) -> i32 {
    %c0_i32 = arith.constant 0 : i32
    return %arg0 : i32
  }
  func.func @transform_9(%arg0: i32) -> i32 {
    %c0_i32 = arith.constant 0 : i32
    return %arg0 : i32
  }
  func.func @transform_10(%arg0: i32) -> i32 {
    %c0_i32 = arith.constant 0 : i32
    return %arg0 : i32
  }
  func.func @transform_11(%arg0: i32) -> i32 {
    %c0_i32 = arith.constant 0 : i32
    return %arg0 : i32
  }
}

module attributes {stable_mosaic.version = 14 : i64} {
  func.func @_q_body(%arg0: i32, %arg1: memref<128000xf32, #tpu.memory_space<vmem>>, %arg2: memref<128000xf32, #tpu.memory_space<vmem>>) attributes {dimension_semantics = [#tpu.dimension_semantics<arbitrary>], iteration_bounds = array<i64: 5>, scalar_prefetch = 0 : i64, scratch_operands = 0 : i64, tpu.core_type = #tpu.core_type<tc>, window_params = [{transform_indices = @transform_0, window_bounds = array<i64: 128000>}, {transform_indices = @transform_1, window_bounds = array<i64: 128000>}]} {
    %get3A = arith.constant 0 : index
    %get3A_0 = vector.load %arg1[%get3A] : memref<128000xf32, #tpu.memory_space<vmem>>, vector<128000xf32>
    %add3A = arith.constant 9.99999996E-13 : f32
    %add3A_1 = vector.broadcast %add3A : f32 to vector<128000xf32>
    %add3A_2 = arith.addf %get3A_0, %add3A_1 : vector<128000xf32>
    %pow3A = arith.constant 9.470000e-01 : f32
    %pow3A_3 = vector.broadcast %pow3A : f32 to vector<128000xf32>
    %pow3A_4 = math.powf %add3A_2, %pow3A_3 : vector<128000xf32>
    %mul3A = arith.constant 0.0812999978 : f32
    %mul3A_5 = vector.broadcast %mul3A : f32 to vector<128000xf32>
    %mul3A_6 = arith.mulf %mul3A_5, %pow3A_4 : vector<128000xf32>
    %add3A_7 = arith.constant 1.000000e+00 : f32
    %add3A_8 = vector.broadcast %add3A_7 : f32 to vector<128000xf32>
    %add3A_9 = arith.addf %add3A_8, %mul3A_6 : vector<128000xf32>
    %div3A = arith.constant 1.000000e+00 : f32
    %div3A_10 = vector.broadcast %div3A : f32 to vector<128000xf32>
    %div3A_11 = arith.divf %div3A_10, %add3A_9 : vector<128000xf32>
    %swap3A = arith.constant 0 : index
    %swap3A_12 = vector.load %arg2[%swap3A] : memref<128000xf32, #tpu.memory_space<vmem>>, vector<128000xf32>
    tpu.vector_store %arg2[%swap3A], %div3A_11 {strides = array<i32>} : memref<128000xf32, #tpu.memory_space<vmem>>, vector<128000xf32>,
    return
  }
  func.func @transform_0(%arg0: i32) -> i32 {
    %c0_i32 = arith.constant 0 : i32
    return %arg0 : i32
  }
  func.func @transform_1(%arg0: i32) -> i32 {
    %c0_i32 = arith.constant 0 : i32
    return %arg0 : i32
  }
}

</mosaic_0001>

<sc_bundles>
// kernel: kernel.12.cloned.1.call-start
scs
__scs_entry_jumppad:
0x0: {  	(pc) =	sbr.rel $0x88, $3  }
0x1: {  	(tag) =	ssettag $0x0;
	lr =	simm.s32 $0x1  }
0x2: {  	[smem:$0x3F99] =	sst lr;
	_ =	strace $0xD0000000  }
0x3: {  	_ = 	snop  }
0x4: {  	_ = 	snop  }
0x5: {  	_ = 	snop  }
0x6: {  	_ = 	snop  }
0x7: {  	_ = 	snop  }
__scs_overlays_trampoline_lowered:
0x8: {  	[smem:$0x3FA8] =	sst s0  }
0x9: {  	[smem:$0x3FA9] =	sst s1  }
0xa: {  	[smem:$0x3FAA] =	sst s2  }
0xb: {  	[smem:$0x3FAB] =	sst s3  }
0xc: {  	[smem:$0x3FAC] =	sst s4  }
0xd: {  	[smem:$0x3FAD] =	sst s5  }
0xe: {  	[smem:$0x3FAE] =	sst s6  }
0xf: {  	[smem:$0x3FAF] =	sst s7  }
0x10: {  	[smem:$0x3FB0] =	sst s8  }
0x11: {  	[smem:$0x3FB1] =	sst s9;
	s0 =	simm.s32 @!p0 $0x0  }
0x12: {  	s1 =	sld [smem:$0x3F97];
	s0 =	simm.s32 @p0 $0x1  }
0x13: {  	[smem:$0x3FB2] =	sst s0;
	s0 =	simm.s32 @!p1 $0x0  }
0x14: {  	s2 =	sld [smem:$0x3F96];
	s0 =	simm.s32 @p1 $0x1  }
0x15: {  	[smem:$0x3FB3] =	sst s0;
	s0 =	simm.s32 @!p2 $0x0  }
0x16: {  	s3 =	sld [smem:$0x3FDB];
	s0 =	simm.s32 @p2 $0x1  }
0x17: {  	s4 =	simm.s32 $0x1BF5;
	[smem:$0x3FB5] =	sst s0  }
0x18: {  	s0 =	sld [smem:$0x3F98];
	_ =	swait.ge [sflag:s4], $0x0  }
0x19: {  	s7 =	sld [smem:$0x3F99]  }
0x1a: {  	s8 =	sadd.s32 $0xFFFFE003, lr  }
0x1b: {  	s9 =	sadd.s32 $0xFFFFFEF7, lr;
	s5 =	simm.s32 $0xFFFFFFFF;
	p2 =	slt.u32 s8, $0xFFFFF086  }
0x1c: {  	p1 =	slt.u32 s9, $0xF7A;
	s5 =	simm.s32 @!p2 $0x0  }
0x1d: {  	s5 =	simm.s32 @p1 $0x1;
	p0 =	seq.s32 s7, s2  }
0x1e: {  	s7 =	smul.u32 @!p0 $0xF7A, s2;
	p2 =	seq.s32 @!p0 s5, $0x0  }
0x1f: {  	s9 =	smul.u32 $0xF7A, s1;
	s8 =	simm.s32 @!p0 $0x1BF5;
	p2 =	por !p2, p0  }
0x20: {  	[sflag:s8] =	ssyncset.s32 @!p0 $0xFFFFF086;
	s6 =	sadd.s32 @!p0 s3, s7;
	s7 =	simm.s32 @!p0 $0x108  }
0x21: {  	s3 =	sadd.s32 s3, s9;
	s6 =	sadd.s32 @!p0 $0x88, s6;
	s7 =	simm.s32 @p2 $0x1082  }
0x22: {  	[simem:s7], [sflag:s8] =	dma.local @!p0 [hbm:s6], $0xF7A  }
0x23: {  	s9 =	sor.u32 $0xD0000000, s2;
	s6 =	simm.s32 $0x108;
	_ =	swait.ge @!p0 [sflag:s8], $0x0  }
0x24: {  	s3 =	sadd.s32 $0x88, s3;
	s6 =	simm.s32 @!p1 $0x1082;
	[sflag:s4] =	ssyncset.s32 $0xFFFFF086  }
0x25: {  	[simem:s6], [sflag:s4] =	dma.local [hbm:s3], $0xF7A  }
0x26: {  	[smem:$0x3F99] =	sst s1;
	(tag) =	ssettag s2;
	_ =	strace s9  }
0x27: {  	s1 =	sld [smem:$0x3FA9]  }
0x28: {  	s2 =	sld [smem:$0x3FAA]  }
0x29: {  	s4 =	sld [smem:$0x3FAC]  }
0x2a: {  	p0 =	seq.s32 s5, $0x0;
	s5 =	sld [smem:$0x3FAD]  }
0x2b: {  	s6 =	sld [smem:$0x3FAE]  }
0x2c: {  	s7 =	sld [smem:$0x3FAF]  }
0x2d: {  	s3 =	simm.s32 $0x108;
	s8 =	sld [smem:$0x3FB0]  }
0x2e: {  	s3 =	simm.s32 @!p0 $0x1082;
	s9 =	sld [smem:$0x3FB1]  }
0x2f: {  	lr =	sadd.s32 s0, s3;
	s0 =	sld [smem:$0x3FA8]  }
0x30: {  	s3 =	sld [smem:$0x3FAB]  }
0x31: {  	[smem:$0x3FB4] =	sst s10  }
0x32: {  	s10 =	sld [smem:$0x3FB2];
	_ =	sdelay $0x3  }
0x33: {  	p0 =	seq.s32 s10, $0x1;
	s10 =	sld [smem:$0x3FB4];
	_ =	sdelay $0x3  }
0x34: {  	[smem:$0x3FB4] =	sst s10  }
0x35: {  	s10 =	sld [smem:$0x3FB3];
	_ =	sdelay $0x3  }
0x36: {  	p1 =	seq.s32 s10, $0x1;
	s10 =	sld [smem:$0x3FB4];
	_ =	sdelay $0x3  }
0x37: {  	[smem:$0x3FB4] =	sst s10  }
0x38: {  	s10 =	sld [smem:$0x3FB5]  }
0x39: {  	_ = 	snop;
	(pc) =	sbr.ind lr, $3  }
0x3a: {  	_ = 	snop  }
0x3b: {  	_ = 	snop  }
0x3c: {  	p2 =	seq.s32 s10, $0x1;
	s10 =	sld [smem:$0x3FB4]  }
0x3d: {  	_ =	shalt  }
0x3e: {  	_ =	shalt  }
0x3f: {  	_ =	shalt  }
0x40: {  	_ =	shalt  }
0x41: {  	_ =	shalt  }
0x42: {  	_ =	shalt  }
0x43: {  	_ =	shalt  }
0x44: {  	_ =	shalt  }
0x45: {  	_ =	shalt  }
0x46: {  	_ =	shalt  }
0x47: {  	_ =	shalt  }
0x48: {  	_ =	shalt  }
0x49: {  	_ =	shalt  }
0x4a: {  	_ =	shalt  }
0x4b: {  	_ =	shalt  }
0x4c: {  	_ =	shalt  }
0x4d: {  	_ =	shalt  }
0x4e: {  	_ =	shalt  }
0x4f: {  	_ =	shalt  }
0x50: {  	_ =	shalt  }
0x51: {  	_ =	shalt  }
0x52: {  	_ =	shalt  }
0x53: {  	_ =	shalt  }
0x54: {  	_ =	shalt  }
0x55: {  	_ =	shalt  }
0x56: {  	_ =	shalt  }
0x57: {  	_ =	shalt  }
0x58: {  	_ =	shalt  }
0x59: {  	_ =	shalt  }
0x5a: {  	_ =	shalt  }
0x5b: {  	_ =	shalt  }
0x5c: {  	_ =	shalt  }
0x5d: {  	_ =	shalt  }
0x5e: {  	_ =	shalt  }
0x5f: {  	_ =	shalt  }
0x60: {  	_ =	shalt  }
0x61: {  	_ =	shalt  }
0x62: {  	_ =	shalt  }
0x63: {  	_ =	shalt  }
0x64: {  	_ =	shalt  }
0x65: {  	_ =	shalt  }
0x66: {  	_ =	shalt  }
0x67: {  	_ =	shalt  }
0x68: {  	_ =	shalt  }
0x69: {  	_ =	shalt  }
0x6a: {  	_ =	shalt  }
0x6b: {  	_ =	shalt  }
0x6c: {  	_ =	shalt  }
0x6d: {  	_ =	shalt  }
0x6e: {  	_ =	shalt  }
0x6f: {  	_ =	shalt  }
0x70: {  	_ =	shalt  }
0x71: {  	_ =	shalt  }
0x72: {  	_ =	shalt  }
0x73: {  	_ =	shalt  }
0x74: {  	_ =	shalt  }
0x75: {  	_ =	shalt  }
0x76: {  	_ =	shalt  }
0x77: {  	_ =	shalt  }
0x78: {  	_ =	shalt  }
0x79: {  	_ =	shalt  }
0x7a: {  	_ =	shalt  }
0x7b: {  	_ =	shalt  }
0x7c: {  	_ =	shalt  }
0x7d: {  	_ =	shalt  }
0x7e: {  	_ =	shalt  }
0x7f: {  	_ =	shalt  }
0x80: {  	_ =	shalt  }
0x81: {  	_ =	shalt  }
0x82: {  	_ =	shalt  }
0x83: {  	_ =	shalt  }
0x84: {  	_ =	shalt  }
0x85: {  	_ =	shalt  }
0x86: {  	_ =	shalt  }
0x87: {  	_ =	shalt  }
.Lfunc_end0:
.L_simem_size_0:
called_computation.1_lowered:
.L_overlay_start_0:
0x88: {  	s2 =	sld [smem:$0x3FD9]  }
0x89: {  	s3 =	sld [smem:$0x3FFE];
	_ =	sdelay $0x1  }
0x8a: {  	s1 =	srdreg.scid  }
0x8b: {  	s0 =	sand.u32 $0x1, s1  }
0x8c: {  	s14 =	sshll.u32 s0, $0xA;
	s2 =	sadd.s32 s3, s2  }
0x8d: {  	s2 =	sadd.s32 s2, s14  }
0x8e: {  	[smem:$0x3FC0] =	sst s2  }
0x8f: {  	_ = 	snop  }
0x90: {  	s2 =	sld [smem:$0x3FD0];
	_ =	sdelay $0x2  }
0x91: {  	s15 =	simm.s32 $0xA;
	s4 =	simm.s32 $0x10  }
0x92: {  	[smem:s4], [sflag:s15] =	dma.local [hbm:s2], $0x1  }
0x93: {  	_ =	swait.eq [sflag:s15], $0x1  }
0x94: {  	[sflag:s15] =	ssyncset.done $0x0  }
0x95: {  	s16 =	sld [smem:$0x10];
	[sflag:s15] =	ssyncadd.s32 $0xFFFFFFFF  }
0x96: {  	s17 =	sld [smem:$0x11];
	(tm) =	ssettm $0x1  }
0x97: {  	s18 =	sld [smem:$0x3FFB];
	_ =	sdelay $0x3  }
0x98: {  	_ =	strace s18  }
0x99: {  	s4 =	sld [smem:$0x3FFC];
	_ =	sdelay $0x3  }
0x9a: {  	_ =	strace s4  }
0x9b: {  	s4 =	sld [smem:$0x3FFD];
	_ =	sdelay $0x3  }
0x9c: {  	_ =	strace s4  }
0x9d: {  	_ =	strace $0x8FFFFFFF  }
0x9e: {  	s19 =	sld [smem:$0x3FDB];
	_ =	sdelay $0x1  }
0x9f: {  	s5 =	simm.s32 $_scs_section_size  }
0xa0: {  	s6 =	simm.s32 $_size__tile_overlayer_lowered;
	s7 =	simm.s32 $_tile_overlayer_lowered  }
0xa1: {  	s22 =	simm.s32 $0x1BFF;
	s21 =	sshll.u32 s7, $0x1;
	s4 =	sadd.s32 s5, s19  }
0xa2: {  	s8 =	simm.s32 $0x0;
	s20 =	sshll.u32 s6, $0x1;
	s6 =	sadd.s32 s21, s4  }
0xa3: {  	[timem:s8], [sflag:s22] =	dma.local [hbm:s6], s20  }
0xa4: {  	_ =	swait.ge [sflag:s22], s20  }
0xa5: {  	s5 =	ssub.s32 $0x0, s20;
	[sflag:s22] =	ssyncset.done $0x0  }
0xa6: {  	[sflag:s22] =	ssyncadd.s32 s5;
	_ =	sdelay $0x1  }
0xa7: {  	s23 =	simm.s32 $0x1B8B  }
0xa8: {  	_ =	swait.ge [sflag:s23], $0x1  }
0xa9: {  	[sflag:s23] =	ssyncset.done $0x0  }
0xaa: {  	s25 =	simm.s32 $0x1B8E;
	s24 =	sld [smem:$0x3FFE];
	[sflag:s23] =	ssyncadd.s32 $0xFFFFFFFF  }
0xab: {  	s26 =	simm.s32 $execute0_lowered;
	[smem:$0x3FD2] =	sst s25  }
0xac: {  	s6 =	sshll.u32 s26, $0x1;
	_ =	strace $0x80000049;
	[dreg:$0x1] =	wrdreg $0xFFFFFFFF  }
0xad: {  	s28 =	simm.s32 $_size_execute0_lowered;
	s4 =	sadd.s32 s4, s6;
	[dreg:$0x0] =	wrdreg $0x0  }
0xae: {  	s6 =	sshll.u32 s28, $0x1;
	[dreg:$0x2] =	wrdreg s4  }
0xaf: {  	[dreg:$0x3] =	wrdreg s6  }
0xb0: {  	[dreg:$0x4] =	wrdreg $0xC0  }
0xb1: {  	_ =	task [dreg:s8], $0x5FFFF  }
0xb2: {  	[dreg:$0x1] =	wrdreg $0xFFFFFFFF  }
0xb3: {  	[dreg:$0x0] =	wrdreg $0x60  }
0xb4: {  	[dreg:$0x2] =	wrdreg s24  }
0xb5: {  	[dreg:$0x3] =	wrdreg s17  }
0xb6: {  	[dreg:$0x4] =	wrdreg s16  }
0xb7: {  	[dreg:$0x5] =	wrdreg $0xB7800  }
0xb8: {  	[dreg:$0x6] =	wrdreg $0x9  }
0xb9: {  	_ =	task.clear_ibuf [dreg:s8], $0x7FFFF;
	_ =	strace $0x90000049  }
0xba: {  	s29 =	simm.s32 $0x9;
	_ =	strace $0x8000004B  }
0xbb: {  	_ =	swait.ge [sflag:s29], $0x1  }
0xbc: {  	[sflag:s29] =	ssyncadd.s32 $0xFFFFFFFF  }
0xbd: {  	_ =	strace $0x9000004B  }
0xbe: {  	_ =	sfence  }
0xbf: {  	s30 =	sld [smem:$0x0];
	_ =	sdelay $0x2  }
0xc0: {  	s31 =	sshll.u32 s1, $0xD;
	s1 =	sshrl.u32 s1, $0x2  }
0xc1: {  	s3 =	sand.u32 $0x4000, s31;
	s1 =	sadd.s32 s1, s30  }
0xc2: {  	s0 =	sor.u32 s3, s0;
	s1 =	sshll.u32 s1, $0x11  }
0xc3: {  	s0 =	sor.u32 s1, s0  }
0xc4: {  	s0 =	sadd.s32 $0x8F2B, s0  }
0xc5: {  	[sflag:s0] =	ssyncadd.remote.s32 $0x1  }
0xc6: {  	_ =	sfence.sel $0xFFFF  }
0xc7: {  	[dreg:$0x0] =	wrdreg $0xFFFFFFFF;
	(pc) =	sbr.abs _section_cstart, $3  }
0xc8: {  	[dreg:$0x1] =	wrdreg $0xFFFFFFFF  }
0xc9: {  	_ =	task.clear_ibuf [dreg:s8], $0x2FFFF;
	_ =	strace $0x9FFFFFFF  }
0xca: {  	(tm) =	ssettm $0x7FFFFFFF  }
0xcb: {  	_ =	shalt  }
tec
execute0_lowered:
.L_overlay_start_1:
0x0: {  	(tag) =	ssettag $0x1  }
0x1: {  	s0 =	rddreg [dreg:$0x0];
	s1 =	srdreg.scid  }
0x2: {  	s2 =	rddreg [dreg:$0x1];
	s8 =	stileid.u32  }
0x3: {  	s3 =	rddreg [dreg:$0x3];
	s30 =	simm.s32 $0x1;
	s1 =	sand.u32 $0x1, s1  }
0x4: {  	s31 =	simm.s32 $0x50;
	s12 =	sshll.u32 s8, $0x7;
	s4 =	sshll.u32 s1, $0x4  }
0x5: {  	s7 =	sand.u32 $0x380, s12;
	s13 =	ssub.s32 $0x2, s1;
	s12 =	smul.u32 $0x280, s8  }
0x6: {  	s1 =	smul.u32 $0x2800, s1;
	s11 =	sor.u32 s8, s4;
	s4 =	simm.s32 $0x0  }
0x7: {  	s14 =	sshrl.u32 s13, $0x1;
	s8 =	smul.u32 $0x50000, s8;
	s5 =	sshrl.u32 s11, $0x3  }
0x8: {  	[smem:$0x7FF] =	sst s4;
	s24 =	ssub.s32 s13, s14;
	s13 =	sor.u32 $0x50, s12  }
0x9: {  	s14 =	sadd.s32 $0xA0, s12;
	s20 =	sadd.s32 $0x1E0, s12;
	s11 =	sshll.u32 s11, $0xB  }
0xa: {  	s6 =	smul.u32 $0x13C00, s5;
	_ =	strace $0x8000004A;
	s5 =	sadd.s32 $0x22C00, s0  }
0xb: {  	s16 =	sshrl.u32 s8, $0x2;
	s17 =	sshll.u32 s13, $0x7;
	s18 =	sshll.u32 s14, $0x7  }
0xc: {  	s21 =	sshll.u32 s20, $0x7;
	s2 =	sadd.s32 s2, s11;
	s11 =	sadd.s32 s12, s1  }
0xd: {  	s22 =	sadd.s32 s1, s13;
	s23 =	sadd.s32 s1, s14;
	s29 =	sadd.s32 s1, s20  }
0xe: {  	s24 =	smax.u32 s24, $0x1;
	s8 =	sadd.s32 s18, s3;
	s18 =	sadd.s32 $0x190, s12  }
0xf: {  	[dreg:$0x5] =	wrdreg s2;
	s2 =	sadd.s32 $0x230, s12;
	s13 =	sadd.s32 s21, s3  }
0x10: {  	s20 =	sshll.u32 s11, $0x4;
	s21 =	sshll.u32 s22, $0x4;
	s23 =	sshll.u32 s23, $0x4  }
0x11: {  	s29 =	sshll.u32 s29, $0x4;
	s6 =	sor.u32 s7, s6;
	s7 =	sadd.s32 s17, s3  }
0x12: {  	s17 =	sadd.s32 $0x140, s12;
	s19 =	sshll.u32 s18, $0x7;
	s28 =	sadd.s32 s1, s18  }
0x13: {  	s6 =	sshrl.u32 s6, $0x3;
	s10 =	sshll.u32 s17, $0x7;
	s26 =	sadd.s32 s1, s17  }
0x14: {  	s28 =	sshll.u32 s28, $0x4;
	s15 =	sadd.s32 s6, s0;
	s0 =	sadd.s32 $0x4AC00, s0  }
0x15: {  	s6 =	sadd.s32 s16, s3;
	s16 =	sadd.s32 $0xF0, s12;
	s10 =	sadd.s32 s10, s3  }
0x16: {  	s12 =	sadd.s32 s19, s3;
	s26 =	sshll.u32 s26, $0x4;
	s9 =	sshll.u32 s16, $0x7  }
0x17: {  	s25 =	sadd.s32 s1, s16;
	s1 =	sadd.s32 s1, s2;
	s2 =	sshll.u32 s2, $0x7  }
0x18: {  	s19 =	sadd.s32 $0x18E00, s15;
	s22 =	sadd.s32 s0, s21;
	s21 =	sadd.s32 s0, s28  }
0x19: {  	s9 =	sadd.s32 s9, s3;
	s14 =	sadd.s32 s2, s3;
	[dreg:$0x6] =	wrdreg s19  }
0x1a: {  	s2 =	sadd.s32 s0, s20;
	[dreg:$0x8] =	wrdreg s22;
	s25 =	sshll.u32 s25, $0x4  }
0x1b: {  	s20 =	sadd.s32 s0, s26;
	s1 =	sshll.u32 s1, $0x4;
	s22 =	sadd.s32 s0, s29  }
0x1c: {  	s26 =	simm.s32 $0x3;
	[dreg:$0x7] =	wrdreg s2;
	s2 =	sadd.s32 s0, s23  }
0x1d: {  	s19 =	sadd.s32 s0, s25;
	s23 =	sadd.s32 s0, s1;
	s25 =	simm.s32 $0x6780  }
0x1e: {  	s0 =	simm.s32 $0x4;
	[dreg:$0x9] =	wrdreg s2;
	s2 =	simm.s32 $0x0  }
.LBB2_1:
0x1f: {  	s1 =	rddreg [dreg:$0x2]  }
0x20: {  	[tilespmem:s25], [sflag:$0x3] =	stream.linear.gather [hbm4b:s1+s4], $0x2800, $0x38;
	[tilespmem:$0x1F780] =	vst v63  }
0x21: {  	_ =	swait.ge [sflag:s26], $0x2800  }
0x22: {  	[sflag:s26] =	ssyncset.done $0x0  }
0x23: {  	[sflag:s26] =	ssyncadd.s32 $0xFFFFD800  }
0x24: {  	[spmem:s6] =	stream.linear.scatter [tilespmem:s25], [sflag:$0x3], $0x2800, $0x38;
	[tilespmem:$0x1F780] =	vst v63  }
0x25: {  	_ =	swait.ge [sflag:s26], $0x2800  }
0x26: {  	[sflag:s26] =	ssyncset.done $0x0  }
0x27: {  	[sflag:s26] =	ssyncadd.s32 $0xFFFFD800  }
0x28: {  	[spmem:s7] =	stream.linear.scatter [tilespmem:s25], [sflag:$0x3], $0x2800, $0x38;
	[tilespmem:$0x1F780] =	vst v63  }
0x29: {  	_ =	swait.ge [sflag:s26], $0x2800  }
0x2a: {  	[sflag:s26] =	ssyncset.done $0x0  }
0x2b: {  	[sflag:s26] =	ssyncadd.s32 $0xFFFFD800  }
0x2c: {  	[spmem:s8] =	stream.linear.scatter [tilespmem:s25], [sflag:$0x3], $0x2800, $0x38;
	[tilespmem:$0x1F780] =	vst v63  }
0x2d: {  	_ =	swait.ge [sflag:s26], $0x2800  }
0x2e: {  	[sflag:s26] =	ssyncset.done $0x0  }
0x2f: {  	[sflag:s26] =	ssyncadd.s32 $0xFFFFD800  }
0x30: {  	[spmem:s9] =	stream.linear.scatter [tilespmem:s25], [sflag:$0x3], $0x2800, $0x38;
	[tilespmem:$0x1F780] =	vst v63  }
0x31: {  	_ =	swait.ge [sflag:s26], $0x2800  }
0x32: {  	[sflag:s26] =	ssyncset.done $0x0  }
0x33: {  	[sflag:s26] =	ssyncadd.s32 $0xFFFFD800  }
0x34: {  	[spmem:s10] =	stream.linear.scatter [tilespmem:s25], [sflag:$0x3], $0x2800, $0x38;
	[tilespmem:$0x1F780] =	vst v63  }
0x35: {  	_ =	swait.ge [sflag:s26], $0x2800  }
0x36: {  	[sflag:s26] =	ssyncset.done $0x0  }
0x37: {  	[sflag:s26] =	ssyncadd.s32 $0xFFFFD800  }
0x38: {  	[spmem:s12] =	stream.linear.scatter [tilespmem:s25], [sflag:$0x3], $0x2800, $0x38;
	[tilespmem:$0x1F780] =	vst v63  }
0x39: {  	_ =	swait.ge [sflag:s26], $0x2800  }
0x3a: {  	[sflag:s26] =	ssyncset.done $0x0  }
0x3b: {  	[sflag:s26] =	ssyncadd.s32 $0xFFFFD800  }
0x3c: {  	[spmem:s13] =	stream.linear.scatter [tilespmem:s25], [sflag:$0x3], $0x2800, $0x38;
	[tilespmem:$0x1F780] =	vst v63  }
0x3d: {  	_ =	swait.ge [sflag:s26], $0x2800  }
0x3e: {  	[sflag:s26] =	ssyncset.done $0x0  }
0x3f: {  	[sflag:s26] =	ssyncadd.s32 $0xFFFFD800  }
0x40: {  	[spmem:s14] =	stream.linear.scatter [tilespmem:s25], [sflag:$0x3], $0x2800, $0x38;
	[tilespmem:$0x1F780] =	vst v63  }
0x41: {  	_ =	swait.ge [sflag:s26], $0x2800  }
0x42: {  	[sflag:s26] =	ssyncset.done $0x0  }
0x43: {  	[sflag:s26] =	ssyncadd.s32 $0xFFFFD800  }
0x44: {  	[bflag:$0x0] =	sbarrier.arrive $0xFFFF  }
0x45: {  	s11 =	simm.s32 $0x80;
	s15 =	simm.s32 $0x400;
	s16 =	rddreg [dreg:$0x6]  }
0x46: {  	[tilespmem:s4], [sflag:$0x3] =	stream.strided.gather [hbm4b:s16+s11], $0x2780, s15, s11, $0x38;
	[tilespmem:$0x1F780] =	vst v63  }
0x47: {  	_ =	swait.ge [sflag:s26], $0x2780  }
0x48: {  	[sflag:s26] =	ssyncset.done $0x0  }
0x49: {  	s1 =	simm.s32 $0x2780;
	s17 =	rddreg [dreg:$0x5];
	[sflag:s26] =	ssyncadd.s32 $0xFFFFD880  }
0x4a: {  	[tilespmem:s1], [sflag:$0x3] =	stream.linear.gather [hbm4b:s17+s4], $0x3E80, $0x38;
	[tilespmem:$0x1F780] =	vst v63  }
0x4b: {  	_ =	swait.ge [sflag:s26], $0x3E80  }
0x4c: {  	s18 =	sand.u32 $0x1, s4;
	[sflag:s26] =	ssyncset.done $0x0  }
0x4d: {  	p0 =	seq.s32 s18, $0x1;
	[sflag:s26] =	ssyncadd.s32 $0xFFFFC180  }
0x4e: {  	[tilespmem:s25], [sflag:$0x1] =	stream.indirect.gather [hbm4b:s5+s31], $0x80, s4, s31, $0xb8;
	[tilespmem:$0x1F780] =	vst v63  }
0x4f: {  	s28 =	simm.s32 @p0 $0x2;
	s11 =	simm.s32 @p0 $0x50;
	s15 =	simm.s32 @p0 $0x6780  }
0x50: {  	[tilespmem:s15], [sflag:$0x1] =	stream.indirect.gather @p0 [hbm4b:s5+s11], $0x80, s31, s11, $0xb8;
	[tilespmem:$0x1F780] =	vst v63  }
0x51: {  	_ =	swait.ge @p0 [sflag:s28], $0x2800  }
0x52: {  	[sflag:s28] =	ssyncset.done @p0 $0x0  }
0x53: {  	s15 =	simm.s32 @p0 $0x8F80;
	[sflag:s28] =	ssyncadd.s32 @p0 $0xFFFFD800  }
0x54: {  	[spmem:s3] =	stream.indirect.scatter.add.f32 @p0 [tilespmem:s15], [sflag:$0x3], $0x80, s1, s11, $0xb8;
	[tilespmem:$0x1F780] =	vst v63  }
0x55: {  	s28 =	simm.s32 @!p0 $0x1;
	s15 =	simm.s32 @!p0 $0x50;
	s11 =	simm.s32 @!p0 $0x8F80  }
0x56: {  	[tilespmem:s11], [sflag:$0x2] =	stream.indirect.gather @!p0 [hbm4b:s5+s15], $0x80, s31, s15, $0xb8;
	[tilespmem:$0x1F780] =	vst v63  }
0x57: {  	_ =	swait.ge @!p0 [sflag:s28], $0x2800  }
0x58: {  	s29 =	simm.s32 $0x1;
	s11 =	simm.s32 @!p0 $0x4;
	[sflag:s28] =	ssyncset.done @!p0 $0x0  }
0x59: {  	s11 =	simm.s32 @p0 $0x3;
	[sflag:s28] =	ssyncadd.s32 @!p0 $0xFFFFD800;
	s28 =	simm.s32 @!p0 $0x6780  }
0x5a: {  	[spmem:s3] =	stream.indirect.scatter.add.f32 @!p0 [tilespmem:s28], [sflag:$0x4], $0x80, s1, s15, $0xb8;
	[tilespmem:$0x1F780] =	vst v63  }
0x5b: {  	s1 =	simm.s32 $0x2;
	s28 =	simm.s32 $0x2800;
	_ =	swait.ge [sflag:s11], $0x2800  }
0x5c: {  	s15 =	sand.u32 $0x1, s29;
	s29 =	simm.s32 $0xA0;
	[sflag:s11] =	ssyncset.done $0x0  }
.LBB2_2:
0x5d: {  	p0 =	seq.s32 s15, $0x1  }
0x5e: {  	[sflag:s11] =	ssyncadd.s32 $0xFFFFD800;
	s15 =	smov.u32 s1;
	s1 =	sadd.s32 $0x1, s1  }
0x5f: {  	s16 =	simm.s32 @p0 $0x50;
	s11 =	simm.s32 @p0 $0x6780;
	s17 =	simm.s32 @p0 $0x2  }
0x60: {  	[tilespmem:s11], [sflag:$0x1] =	stream.indirect.gather @p0 [hbm4b:s5+s16], $0x80, s29, s16, $0xb8;
	[tilespmem:$0x1F780] =	vst v63  }
0x61: {  	p1 =	sne.s32 s1, $0x7C;
	s11 =	simm.s32 @!p0 $0x4;
	_ =	swait.ge @p0 [sflag:s17], $0x2800  }
0x62: {  	[sflag:s17] =	ssyncset.done @p0 $0x0  }
0x63: {  	[sflag:s17] =	ssyncadd.s32 @p0 $0xFFFFD800;
	s17 =	simm.s32 @p0 $0x8F80  }
0x64: {  	[spmem:s3] =	stream.indirect.scatter.add.f32 @p0 [tilespmem:s17], [sflag:$0x3], $0x80, s28, s16, $0xb8;
	[tilespmem:$0x1F780] =	vst v63  }
0x65: {  	s18 =	simm.s32 @!p0 $0x1;
	s16 =	simm.s32 @!p0 $0x50;
	s17 =	simm.s32 @!p0 $0x8F80  }
0x66: {  	[tilespmem:s17], [sflag:$0x2] =	stream.indirect.gather @!p0 [hbm4b:s5+s16], $0x80, s29, s16, $0xb8;
	[tilespmem:$0x1F780] =	vst v63  }
0x67: {  	_ =	swait.ge @!p0 [sflag:s18], $0x2800  }
.Ltmp0:
0x68: {  	[sflag:s18] =	ssyncset.done @!p0 $0x0;
	(pc) =	sbr.rel @p1 .LBB2_2-.Ltmp0, $4  }
0x69: {  	s11 =	simm.s32 @p0 $0x3;
	s17 =	simm.s32 @!p0 $0x6780;
	[sflag:s18] =	ssyncadd.s32 @!p0 $0xFFFFD800  }
0x6a: {  	[spmem:s3] =	stream.indirect.scatter.add.f32 @!p0 [tilespmem:s17], [sflag:$0x4], $0x80, s28, s16, $0xb8;
	[tilespmem:$0x1F780] =	vst v63  }
0x6b: {  	s28 =	sadd.s32 $0x80, s28;
	_ =	swait.ge [sflag:s11], $0x2800  }
0x6c: {  	s15 =	sand.u32 $0x1, s15;
	s29 =	sadd.s32 $0x50, s29;
	[sflag:s11] =	ssyncset.done $0x0  }
0x6d: {  	p0 =	seq.s32 s15, $0x1  }
0x6e: {  	[sflag:s11] =	ssyncadd.s32 $0xFFFFD800;
	s1 =	simm.s32 @p0 $0x50;
	s11 =	simm.s32 @p0 $0x6780  }
0x6f: {  	[tilespmem:s11], [sflag:$0x1] =	stream.indirect.gather @p0 [hbm4b:s5+s1], $0x80, s29, s1, $0xb8;
	[tilespmem:$0x1F780] =	vst v63  }
0x70: {  	s11 =	simm.s32 @p0 $0x2  }
0x71: {  	_ =	swait.ge @p0 [sflag:s11], $0x2800  }
0x72: {  	[sflag:s11] =	ssyncset.done @p0 $0x0  }
0x73: {  	[sflag:s11] =	ssyncadd.s32 @p0 $0xFFFFD800;
	s11 =	simm.s32 @p0 $0x8F80  }
0x74: {  	[spmem:s3] =	stream.indirect.scatter.add.f32 @p0 [tilespmem:s11], [sflag:$0x3], $0x80, s28, s1, $0xb8;
	[tilespmem:$0x1F780] =	vst v63  }
0x75: {  	s1 =	simm.s32 @!p0 $0x50;
	s11 =	simm.s32 @!p0 $0x8F80  }
0x76: {  	[tilespmem:s11], [sflag:$0x2] =	stream.indirect.gather @!p0 [hbm4b:s5+s1], $0x80, s29, s1, $0xb8;
	[tilespmem:$0x1F780] =	vst v63  }
0x77: {  	s11 =	simm.s32 @!p0 $0x1  }
0x78: {  	_ =	swait.ge @!p0 [sflag:s11], $0x2800  }
0x79: {  	[sflag:s11] =	ssyncset.done @!p0 $0x0  }
0x7a: {  	[sflag:s11] =	ssyncadd.s32 @!p0 $0xFFFFD800;
	s11 =	simm.s32 @!p0 $0x6780  }
0x7b: {  	[spmem:s3] =	stream.indirect.scatter.add.f32 @!p0 [tilespmem:s11], [sflag:$0x4], $0x80, s28, s1, $0xb8;
	[tilespmem:$0x1F780] =	vst v63  }
0x7c: {  	s1 =	simm.s32 @!p0 $0x4  }
0x7d: {  	s1 =	simm.s32 @p0 $0x3  }
0x7e: {  	_ =	swait.ge [sflag:s1], $0x2800  }
0x7f: {  	[sflag:s1] =	ssyncset.done $0x0  }
0x80: {  	[sflag:s1] =	ssyncadd.s32 $0xFFFFD800  }
0x81: {  	_ =	swait.ge [sflag:s30], $0x2800  }
0x82: {  	[sflag:s30] =	ssyncset.done $0x0  }
0x83: {  	s17 =	simm.s32 $0x6580;
	[sflag:s30] =	ssyncadd.s32 $0xFFFFD800  }
0x84: {  	[spmem:s3] =	stream.indirect.scatter.add.f32 [tilespmem:s25], [sflag:$0x4], $0x80, s17, s31, $0xb8;
	[tilespmem:$0x1F780] =	vst v63  }
0x85: {  	_ =	swait.ge [sflag:s0], $0x2800  }
0x86: {  	[sflag:s0] =	ssyncset.done $0x0  }
0x87: {  	[sflag:s0] =	ssyncadd.s32 $0xFFFFD800  }
0x88: {  	[bflag:$0x0] =	sbarrier.arrive $0xFFFF  }
0x89: {  	[tilespmem:s25], [sflag:$0x3] =	stream.linear.gather [spmem:s6], $0x2800, $0x38;
	[tilespmem:$0x1F780] =	vst v63  }
0x8a: {  	_ =	swait.ge [sflag:s26], $0x2800  }
0x8b: {  	[sflag:s26] =	ssyncset.done $0x0  }
0x8c: {  	s18 =	rddreg [dreg:$0x7];
	[sflag:s26] =	ssyncadd.s32 $0xFFFFD800  }
0x8d: {  	[hbm4b:s18+s4] =	stream.linear.scatter [tilespmem:s25], [sflag:$0x3], $0x2800, $0x38;
	[tilespmem:$0x1F780] =	vst v63  }
0x8e: {  	_ =	swait.ge [sflag:s26], $0x2800  }
0x8f: {  	[sflag:s26] =	ssyncset.done $0x0  }
0x90: {  	[sflag:s26] =	ssyncadd.s32 $0xFFFFD800  }
0x91: {  	[tilespmem:s25], [sflag:$0x3] =	stream.linear.gather [spmem:s7], $0x2800, $0x38;
	[tilespmem:$0x1F780] =	vst v63  }
0x92: {  	_ =	swait.ge [sflag:s26], $0x2800  }
0x93: {  	[sflag:s26] =	ssyncset.done $0x0  }
0x94: {  	s28 =	rddreg [dreg:$0x8];
	[sflag:s26] =	ssyncadd.s32 $0xFFFFD800  }
0x95: {  	[hbm4b:s28+s4] =	stream.linear.scatter [tilespmem:s25], [sflag:$0x3], $0x2800, $0x38;
	[tilespmem:$0x1F780] =	vst v63  }
0x96: {  	_ =	swait.ge [sflag:s26], $0x2800  }
0x97: {  	[sflag:s26] =	ssyncset.done $0x0  }
0x98: {  	[sflag:s26] =	ssyncadd.s32 $0xFFFFD800  }
0x99: {  	[tilespmem:s25], [sflag:$0x3] =	stream.linear.gather [spmem:s8], $0x2800, $0x38;
	[tilespmem:$0x1F780] =	vst v63  }
0x9a: {  	_ =	swait.ge [sflag:s26], $0x2800  }
0x9b: {  	[sflag:s26] =	ssyncset.done $0x0  }
0x9c: {  	s29 =	rddreg [dreg:$0x9];
	[sflag:s26] =	ssyncadd.s32 $0xFFFFD800  }
0x9d: {  	[hbm4b:s29+s4] =	stream.linear.scatter [tilespmem:s25], [sflag:$0x3], $0x2800, $0x38;
	[tilespmem:$0x1F780] =	vst v63  }
0x9e: {  	_ =	swait.ge [sflag:s26], $0x2800  }
0x9f: {  	[sflag:s26] =	ssyncset.done $0x0  }
0xa0: {  	[sflag:s26] =	ssyncadd.s32 $0xFFFFD800  }
0xa1: {  	[tilespmem:s25], [sflag:$0x3] =	stream.linear.gather [spmem:s9], $0x2800, $0x38;
	[tilespmem:$0x1F780] =	vst v63  }
0xa2: {  	_ =	swait.ge [sflag:s26], $0x2800  }
0xa3: {  	[sflag:s26] =	ssyncset.done $0x0  }
0xa4: {  	[sflag:s26] =	ssyncadd.s32 $0xFFFFD800  }
0xa5: {  	[hbm4b:s19+s4] =	stream.linear.scatter [tilespmem:s25], [sflag:$0x3], $0x2800, $0x38;
	[tilespmem:$0x1F780] =	vst v63  }
0xa6: {  	_ =	swait.ge [sflag:s26], $0x2800  }
0xa7: {  	[sflag:s26] =	ssyncset.done $0x0  }
0xa8: {  	[sflag:s26] =	ssyncadd.s32 $0xFFFFD800  }
0xa9: {  	[tilespmem:s25], [sflag:$0x3] =	stream.linear.gather [spmem:s10], $0x2800, $0x38;
	[tilespmem:$0x1F780] =	vst v63  }
0xaa: {  	_ =	swait.ge [sflag:s26], $0x2800  }
0xab: {  	[sflag:s26] =	ssyncset.done $0x0  }
0xac: {  	[sflag:s26] =	ssyncadd.s32 $0xFFFFD800  }
0xad: {  	[hbm4b:s20+s4] =	stream.linear.scatter [tilespmem:s25], [sflag:$0x3], $0x2800, $0x38;
	[tilespmem:$0x1F780] =	vst v63  }
0xae: {  	_ =	swait.ge [sflag:s26], $0x2800  }
0xaf: {  	[sflag:s26] =	ssyncset.done $0x0  }
0xb0: {  	[sflag:s26] =	ssyncadd.s32 $0xFFFFD800  }
0xb1: {  	[tilespmem:s25], [sflag:$0x3] =	stream.linear.gather [spmem:s12], $0x2800, $0x38;
	[tilespmem:$0x1F780] =	vst v63  }
0xb2: {  	_ =	swait.ge [sflag:s26], $0x2800  }
0xb3: {  	[sflag:s26] =	ssyncset.done $0x0  }
0xb4: {  	[sflag:s26] =	ssyncadd.s32 $0xFFFFD800  }
0xb5: {  	[hbm4b:s21+s4] =	stream.linear.scatter [tilespmem:s25], [sflag:$0x3], $0x2800, $0x38;
	[tilespmem:$0x1F780] =	vst v63  }
0xb6: {  	_ =	swait.ge [sflag:s26], $0x2800  }
0xb7: {  	[sflag:s26] =	ssyncset.done $0x0  }
0xb8: {  	[sflag:s26] =	ssyncadd.s32 $0xFFFFD800  }
0xb9: {  	[tilespmem:s25], [sflag:$0x3] =	stream.linear.gather [spmem:s13], $0x2800, $0x38;
	[tilespmem:$0x1F780] =	vst v63  }
0xba: {  	_ =	swait.ge [sflag:s26], $0x2800  }
0xbb: {  	[sflag:s26] =	ssyncset.done $0x0  }
0xbc: {  	[sflag:s26] =	ssyncadd.s32 $0xFFFFD800  }
0xbd: {  	[hbm4b:s22+s4] =	stream.linear.scatter [tilespmem:s25], [sflag:$0x3], $0x2800, $0x38;
	[tilespmem:$0x1F780] =	vst v63  }
0xbe: {  	_ =	swait.ge [sflag:s26], $0x2800  }
0xbf: {  	[sflag:s26] =	ssyncset.done $0x0  }
0xc0: {  	[sflag:s26] =	ssyncadd.s32 $0xFFFFD800  }
0xc1: {  	[tilespmem:s25], [sflag:$0x3] =	stream.linear.gather [spmem:s14], $0x2800, $0x38;
	[tilespmem:$0x1F780] =	vst v63  }
0xc2: {  	s2 =	sadd.s32 $0x1, s2;
	_ =	swait.ge [sflag:s26], $0x2800  }
0xc3: {  	p0 =	sne.s32 s2, s24;
	[sflag:s26] =	ssyncset.done $0x0  }
.Ltmp1:
0xc4: {  	[sflag:s26] =	ssyncadd.s32 $0xFFFFD800;
	(pc) =	sbr.rel @p0 .LBB2_1-.Ltmp1, $4  }
0xc5: {  	[hbm4b:s23+s4] =	stream.linear.scatter [tilespmem:s25], [sflag:$0x3], $0x2800, $0x38;
	[tilespmem:$0x1F780] =	vst v63  }
0xc6: {  	_ =	swait.ge [sflag:s26], $0x2800  }
0xc7: {  	[sflag:s26] =	ssyncset.done $0x0  }
0xc8: {  	[sflag:s26] =	ssyncadd.s32 $0xFFFFD800  }
0xc9: {  	_ =	sfence.sel $0x180000  }
0xca: {  	[bflag:$0x0] =	sbarrier.arrive $0xFFFF  }
0xcb: {  	_ =	strace $0x9000004A  }
0xcc: {  	s0 =	stileid.u32;
	[bflag:$0x2] =	sbarrier.arrive $0xFFFF  }
0xcd: {  	p0 =	sne.s32 s0, $0x0;
	s0 =	rddreg [dreg:$0x4]  }
0xce: {  	s0 =	sadd.s32 @!p0 $0x100000, s0  }
0xcf: {  	[sflag:s0] =	ssyncadd.tile.s32 @!p0 $0x1;
	_ =	shalt  }
.Lfunc_end2:
_tile_overlayer_lowered:
.L_overlay_start_2:
0xd0: {  	(tag) =	ssettag $0x2  }
0xd1: {  	s0 =	rddreg [dreg:$0x0];
	s2 =	stileid.u32  }
0xd2: {  	s1 =	rddreg [dreg:$0x1];
	p0 =	sne.s32 s2, $0x0  }
0xd3: {  	s3 =	rddreg [dreg:$0x2];
	[bflag:$0x3] =	sbarrier.arrive $0xFFFF;
	s2 =	simm.s32 @!p0 $0x1C03  }
0xd4: {  	[timem:s3], [sflag:s2] =	dma.local @!p0 [hbm:s0], s1  }
0xd5: {  	s0 =	simm.s32 @!p0 $0x3  }
0xd6: {  	_ =	swait.ge @!p0 [sflag:s0], s1  }
0xd7: {  	s1 =	ssub.s32 @!p0 $0x0, s1;
	[sflag:s0] =	ssyncset.done @!p0 $0x0  }
0xd8: {  	[sflag:s0] =	ssyncadd.s32 @!p0 s1  }
0xd9: {  	[bflag:$0x3] =	sbarrier.arrive $0xFFFF  }
0xda: {  	_ =	shalt  }

// kernel: kernel.15.cloned.1.call-start
scs
__scs_entry_jumppad:
0x0: {  	(pc) =	sbr.rel $0x88, $3  }
0x1: {  	(tag) =	ssettag $0x0;
	lr =	simm.s32 $0x1  }
0x2: {  	[smem:$0x3F99] =	sst lr;
	_ =	strace $0xD0000000  }
0x3: {  	_ = 	snop  }
0x4: {  	_ = 	snop  }
0x5: {  	_ = 	snop  }
0x6: {  	_ = 	snop  }
0x7: {  	_ = 	snop  }
__scs_overlays_trampoline_lowered:
0x8: {  	[smem:$0x3FA8] =	sst s0  }
0x9: {  	[smem:$0x3FA9] =	sst s1  }
0xa: {  	[smem:$0x3FAA] =	sst s2  }
0xb: {  	[smem:$0x3FAB] =	sst s3  }
0xc: {  	[smem:$0x3FAC] =	sst s4  }
0xd: {  	[smem:$0x3FAD] =	sst s5  }
0xe: {  	[smem:$0x3FAE] =	sst s6  }
0xf: {  	[smem:$0x3FAF] =	sst s7  }
0x10: {  	[smem:$0x3FB0] =	sst s8  }
0x11: {  	[smem:$0x3FB1] =	sst s9;
	s0 =	simm.s32 @!p0 $0x0  }
0x12: {  	s1 =	sld [smem:$0x3F97];
	s0 =	simm.s32 @p0 $0x1  }
0x13: {  	[smem:$0x3FB2] =	sst s0;
	s0 =	simm.s32 @!p1 $0x0  }
0x14: {  	s2 =	sld [smem:$0x3F96];
	s0 =	simm.s32 @p1 $0x1  }
0x15: {  	[smem:$0x3FB3] =	sst s0;
	s0 =	simm.s32 @!p2 $0x0  }
0x16: {  	s3 =	sld [smem:$0x3FDB];
	s0 =	simm.s32 @p2 $0x1  }
0x17: {  	s4 =	simm.s32 $0x1BF5;
	[smem:$0x3FB5] =	sst s0  }
0x18: {  	s0 =	sld [smem:$0x3F98];
	_ =	swait.ge [sflag:s4], $0x0  }
0x19: {  	s7 =	sld [smem:$0x3F99]  }
0x1a: {  	s8 =	sadd.s32 $0xFFFFE003, lr  }
0x1b: {  	s9 =	sadd.s32 $0xFFFFFEF7, lr;
	s5 =	simm.s32 $0xFFFFFFFF;
	p2 =	slt.u32 s8, $0xFFFFF086  }
0x1c: {  	p1 =	slt.u32 s9, $0xF7A;
	s5 =	simm.s32 @!p2 $0x0  }
0x1d: {  	s5 =	simm.s32 @p1 $0x1;
	p0 =	seq.s32 s7, s2  }
0x1e: {  	s7 =	smul.u32 @!p0 $0xF7A, s2;
	p2 =	seq.s32 @!p0 s5, $0x0  }
0x1f: {  	s9 =	smul.u32 $0xF7A, s1;
	s8 =	simm.s32 @!p0 $0x1BF5;
	p2 =	por !p2, p0  }
0x20: {  	[sflag:s8] =	ssyncset.s32 @!p0 $0xFFFFF086;
	s6 =	sadd.s32 @!p0 s3, s7;
	s7 =	simm.s32 @!p0 $0x108  }
0x21: {  	s3 =	sadd.s32 s3, s9;
	s6 =	sadd.s32 @!p0 $0x88, s6;
	s7 =	simm.s32 @p2 $0x1082  }
0x22: {  	[simem:s7], [sflag:s8] =	dma.local @!p0 [hbm:s6], $0xF7A  }
0x23: {  	s9 =	sor.u32 $0xD0000000, s2;
	s6 =	simm.s32 $0x108;
	_ =	swait.ge @!p0 [sflag:s8], $0x0  }
0x24: {  	s3 =	sadd.s32 $0x88, s3;
	s6 =	simm.s32 @!p1 $0x1082;
	[sflag:s4] =	ssyncset.s32 $0xFFFFF086  }
0x25: {  	[simem:s6], [sflag:s4] =	dma.local [hbm:s3], $0xF7A  }
0x26: {  	[smem:$0x3F99] =	sst s1;
	(tag) =	ssettag s2;
	_ =	strace s9  }
0x27: {  	s1 =	sld [smem:$0x3FA9]  }
0x28: {  	s2 =	sld [smem:$0x3FAA]  }
0x29: {  	s4 =	sld [smem:$0x3FAC]  }
0x2a: {  	p0 =	seq.s32 s5, $0x0;
	s5 =	sld [smem:$0x3FAD]  }
0x2b: {  	s6 =	sld [smem:$0x3FAE]  }
0x2c: {  	s7 =	sld [smem:$0x3FAF]  }
0x2d: {  	s3 =	simm.s32 $0x108;
	s8 =	sld [smem:$0x3FB0]  }
0x2e: {  	s3 =	simm.s32 @!p0 $0x1082;
	s9 =	sld [smem:$0x3FB1]  }
0x2f: {  	lr =	sadd.s32 s0, s3;
	s0 =	sld [smem:$0x3FA8]  }
0x30: {  	s3 =	sld [smem:$0x3FAB]  }
0x31: {  	[smem:$0x3FB4] =	sst s10  }
0x32: {  	s10 =	sld [smem:$0x3FB2];
	_ =	sdelay $0x3  }
0x33: {  	p0 =	seq.s32 s10, $0x1;
	s10 =	sld [smem:$0x3FB4];
	_ =	sdelay $0x3  }
0x34: {  	[smem:$0x3FB4] =	sst s10  }
0x35: {  	s10 =	sld [smem:$0x3FB3];
	_ =	sdelay $0x3  }
0x36: {  	p1 =	seq.s32 s10, $0x1;
	s10 =	sld [smem:$0x3FB4];
	_ =	sdelay $0x3  }
0x37: {  	[smem:$0x3FB4] =	sst s10  }
0x38: {  	s10 =	sld [smem:$0x3FB5]  }
0x39: {  	_ = 	snop;
	(pc) =	sbr.ind lr, $3  }
0x3a: {  	_ = 	snop  }
0x3b: {  	_ = 	snop  }
0x3c: {  	p2 =	seq.s32 s10, $0x1;
	s10 =	sld [smem:$0x3FB4]  }
0x3d: {  	_ =	shalt  }
0x3e: {  	_ =	shalt  }
0x3f: {  	_ =	shalt  }
0x40: {  	_ =	shalt  }
0x41: {  	_ =	shalt  }
0x42: {  	_ =	shalt  }
0x43: {  	_ =	shalt  }
0x44: {  	_ =	shalt  }
0x45: {  	_ =	shalt  }
0x46: {  	_ =	shalt  }
0x47: {  	_ =	shalt  }
0x48: {  	_ =	shalt  }
0x49: {  	_ =	shalt  }
0x4a: {  	_ =	shalt  }
0x4b: {  	_ =	shalt  }
0x4c: {  	_ =	shalt  }
0x4d: {  	_ =	shalt  }
0x4e: {  	_ =	shalt  }
0x4f: {  	_ =	shalt  }
0x50: {  	_ =	shalt  }
0x51: {  	_ =	shalt  }
0x52: {  	_ =	shalt  }
0x53: {  	_ =	shalt  }
0x54: {  	_ =	shalt  }
0x55: {  	_ =	shalt  }
0x56: {  	_ =	shalt  }
0x57: {  	_ =	shalt  }
0x58: {  	_ =	shalt  }
0x59: {  	_ =	shalt  }
0x5a: {  	_ =	shalt  }
0x5b: {  	_ =	shalt  }
0x5c: {  	_ =	shalt  }
0x5d: {  	_ =	shalt  }
0x5e: {  	_ =	shalt  }
0x5f: {  	_ =	shalt  }
0x60: {  	_ =	shalt  }
0x61: {  	_ =	shalt  }
0x62: {  	_ =	shalt  }
0x63: {  	_ =	shalt  }
0x64: {  	_ =	shalt  }
0x65: {  	_ =	shalt  }
0x66: {  	_ =	shalt  }
0x67: {  	_ =	shalt  }
0x68: {  	_ =	shalt  }
0x69: {  	_ =	shalt  }
0x6a: {  	_ =	shalt  }
0x6b: {  	_ =	shalt  }
0x6c: {  	_ =	shalt  }
0x6d: {  	_ =	shalt  }
0x6e: {  	_ =	shalt  }
0x6f: {  	_ =	shalt  }
0x70: {  	_ =	shalt  }
0x71: {  	_ =	shalt  }
0x72: {  	_ =	shalt  }
0x73: {  	_ =	shalt  }
0x74: {  	_ =	shalt  }
0x75: {  	_ =	shalt  }
0x76: {  	_ =	shalt  }
0x77: {  	_ =	shalt  }
0x78: {  	_ =	shalt  }
0x79: {  	_ =	shalt  }
0x7a: {  	_ =	shalt  }
0x7b: {  	_ =	shalt  }
0x7c: {  	_ =	shalt  }
0x7d: {  	_ =	shalt  }
0x7e: {  	_ =	shalt  }
0x7f: {  	_ =	shalt  }
0x80: {  	_ =	shalt  }
0x81: {  	_ =	shalt  }
0x82: {  	_ =	shalt  }
0x83: {  	_ =	shalt  }
0x84: {  	_ =	shalt  }
0x85: {  	_ =	shalt  }
0x86: {  	_ =	shalt  }
0x87: {  	_ =	shalt  }
.Lfunc_end0:
.L_simem_size_0:
called_computation.2_lowered:
.L_overlay_start_0:
0x88: {  	s2 =	sld [smem:$0x3FD9]  }
0x89: {  	s3 =	sld [smem:$0x3FFE];
	_ =	sdelay $0x1  }
0x8a: {  	s1 =	srdreg.scid  }
0x8b: {  	s0 =	sand.u32 $0x1, s1  }
0x8c: {  	s14 =	sshll.u32 s0, $0xA;
	s2 =	sadd.s32 s3, s2  }
0x8d: {  	s2 =	sadd.s32 s2, s14  }
0x8e: {  	[smem:$0x3FC0] =	sst s2  }
0x8f: {  	_ = 	snop  }
0x90: {  	s2 =	sld [smem:$0x3FD0];
	_ =	sdelay $0x2  }
0x91: {  	s15 =	simm.s32 $0xA;
	s4 =	simm.s32 $0x10  }
0x92: {  	[smem:s4], [sflag:s15] =	dma.local [hbm:s2], $0x1  }
0x93: {  	_ =	swait.eq [sflag:s15], $0x1  }
0x94: {  	[sflag:s15] =	ssyncset.done $0x0  }
0x95: {  	s16 =	sld [smem:$0x10];
	[sflag:s15] =	ssyncadd.s32 $0xFFFFFFFF  }
0x96: {  	s17 =	sld [smem:$0x11];
	(tm) =	ssettm $0x1  }
0x97: {  	s18 =	sld [smem:$0x3FFB];
	_ =	sdelay $0x3  }
0x98: {  	_ =	strace s18  }
0x99: {  	s4 =	sld [smem:$0x3FFC];
	_ =	sdelay $0x3  }
0x9a: {  	_ =	strace s4  }
0x9b: {  	s4 =	sld [smem:$0x3FFD];
	_ =	sdelay $0x3  }
0x9c: {  	_ =	strace s4  }
0x9d: {  	_ =	strace $0x8FFFFFFF  }
0x9e: {  	s19 =	sld [smem:$0x3FDB];
	_ =	sdelay $0x1  }
0x9f: {  	s5 =	simm.s32 $_scs_section_size  }
0xa0: {  	s6 =	simm.s32 $_size__tile_overlayer_lowered;
	s7 =	simm.s32 $_tile_overlayer_lowered  }
0xa1: {  	s22 =	simm.s32 $0x1BFF;
	s21 =	sshll.u32 s7, $0x1;
	s4 =	sadd.s32 s5, s19  }
0xa2: {  	s8 =	simm.s32 $0x0;
	s20 =	sshll.u32 s6, $0x1;
	s6 =	sadd.s32 s21, s4  }
0xa3: {  	[timem:s8], [sflag:s22] =	dma.local [hbm:s6], s20  }
0xa4: {  	_ =	swait.ge [sflag:s22], s20  }
0xa5: {  	s5 =	ssub.s32 $0x0, s20;
	[sflag:s22] =	ssyncset.done $0x0  }
0xa6: {  	[sflag:s22] =	ssyncadd.s32 s5;
	_ =	sdelay $0x1  }
0xa7: {  	s23 =	simm.s32 $0x1B8B  }
0xa8: {  	_ =	swait.ge [sflag:s23], $0x1  }
0xa9: {  	[sflag:s23] =	ssyncset.done $0x0  }
0xaa: {  	s25 =	simm.s32 $0x1B8E;
	s24 =	sld [smem:$0x3FFE];
	[sflag:s23] =	ssyncadd.s32 $0xFFFFFFFF  }
0xab: {  	s26 =	simm.s32 $execute0_lowered;
	[smem:$0x3FD2] =	sst s25  }
0xac: {  	s6 =	sshll.u32 s26, $0x1;
	_ =	strace $0x8000004C;
	[dreg:$0x1] =	wrdreg $0xFFFFFFFF  }
0xad: {  	s28 =	simm.s32 $_size_execute0_lowered;
	s4 =	sadd.s32 s4, s6;
	[dreg:$0x0] =	wrdreg $0x0  }
0xae: {  	s6 =	sshll.u32 s28, $0x1;
	[dreg:$0x2] =	wrdreg s4  }
0xaf: {  	[dreg:$0x3] =	wrdreg s6  }
0xb0: {  	[dreg:$0x4] =	wrdreg $0xC0  }
0xb1: {  	_ =	task [dreg:s8], $0x5FFFF  }
0xb2: {  	[dreg:$0x1] =	wrdreg $0xFFFFFFFF  }
0xb3: {  	[dreg:$0x0] =	wrdreg $0x60  }
0xb4: {  	[dreg:$0x2] =	wrdreg s16  }
0xb5: {  	[dreg:$0x3] =	wrdreg s17  }
0xb6: {  	[dreg:$0x4] =	wrdreg s24  }
0xb7: {  	[dreg:$0x5] =	wrdreg $0xA4000  }
0xb8: {  	[dreg:$0x6] =	wrdreg $0xA6800  }
0xb9: {  	[dreg:$0x7] =	wrdreg $0x9  }
0xba: {  	_ =	task.clear_ibuf [dreg:s8], $0x8FFFF;
	_ =	strace $0x9000004C  }
0xbb: {  	s29 =	simm.s32 $0x9;
	_ =	strace $0x8000004E  }
0xbc: {  	_ =	swait.ge [sflag:s29], $0x1  }
0xbd: {  	[sflag:s29] =	ssyncadd.s32 $0xFFFFFFFF  }
0xbe: {  	_ =	strace $0x9000004E  }
0xbf: {  	_ =	sfence  }
0xc0: {  	s30 =	sld [smem:$0x0];
	_ =	sdelay $0x2  }
0xc1: {  	s31 =	sshll.u32 s1, $0xD;
	s1 =	sshrl.u32 s1, $0x2  }
0xc2: {  	s3 =	sand.u32 $0x4000, s31;
	s1 =	sadd.s32 s1, s30  }
0xc3: {  	s0 =	sor.u32 s3, s0;
	s1 =	sshll.u32 s1, $0x11  }
0xc4: {  	s0 =	sor.u32 s1, s0  }
0xc5: {  	s0 =	sadd.s32 $0x8F2B, s0  }
0xc6: {  	[sflag:s0] =	ssyncadd.remote.s32 $0x1  }
0xc7: {  	_ =	sfence.sel $0xFFFF  }
0xc8: {  	[dreg:$0x0] =	wrdreg $0xFFFFFFFF;
	(pc) =	sbr.abs _section_cstart, $3  }
0xc9: {  	[dreg:$0x1] =	wrdreg $0xFFFFFFFF  }
0xca: {  	_ =	task.clear_ibuf [dreg:s8], $0x2FFFF;
	_ =	strace $0x9FFFFFFF  }
0xcb: {  	(tm) =	ssettm $0x7FFFFFFF  }
tec
execute0_lowered:
.L_overlay_start_1:
0x0: {  	(tag) =	ssettag $0x1  }
0x1: {  	s0 =	rddreg [dreg:$0x0]  }
0x2: {  	s2 =	rddreg [dreg:$0x1]  }
0x3: {  	s1 =	srdreg.scid;
	s8 =	rddreg [dreg:$0x2]  }
0x4: {  	s28 =	stileid.u32;
	s4 =	rddreg [dreg:$0x3]  }
0x5: {  	s5 =	rddreg [dreg:$0x4];
	s16 =	simm.s32 $0x4F80;
	s17 =	simm.s32 $0x7780  }
0x6: {  	s18 =	simm.s32 $0x80;
	s19 =	simm.s32 $0x400;
	s20 =	simm.s32 $0x1  }
0x7: {  	s21 =	simm.s32 $0x2;
	s22 =	simm.s32 $0x3;
	s23 =	simm.s32 $0x4  }
0x8: {  	s24 =	simm.s32 $0xA080;
	s25 =	simm.s32 $0xA100;
	s26 =	simm.s32 $0x0  }
0x9: {  	s7 =	sand.u32 $0x1, s1;
	s11 =	sshll.u32 s28, $0x7;
	s12 =	smul.u32 $0x280, s28  }
0xa: {  	s3 =	sshll.u32 s7, $0x4;
	s13 =	smul.u32 $0x2800, s7;
	s7 =	ssub.s32 $0x2, s7  }
0xb: {  	s11 =	sand.u32 $0x380, s11;
	s9 =	sor.u32 s28, s3;
	s31 =	sshrl.u32 s7, $0x1  }
0xc: {  	s6 =	sshrl.u32 s9, $0x3;
	s9 =	smul.u32 $0x500, s9;
	s29 =	sadd.s32 s12, s13  }
0xd: {  	s15 =	ssub.s32 s7, s31;
	s7 =	sadd.s32 s12, s4;
	s10 =	smul.u32 $0x13C00, s6  }
0xe: {  	s6 =	simm.s32 $0x0;
	s13 =	smax.u32 s15, $0x1;
	s15 =	simm.s32 $0x5  }
.Ltmp0:
0xf: {  	[smem:$0x7FF] =	sst s6;
	s10 =	sor.u32 s11, s10;
	(pc) =	sbr.rel .LBB2_1-.Ltmp0, $4  }
0x10: {  	s30 =	sadd.s32 s9, s8;
	s11 =	sshrl.u32 s29, $0x3;
	s10 =	sshrl.u32 s10, $0x3  }
0x11: {  	_ =	strace $0x8000004D;
	s14 =	sadd.s32 s11, s8;
	s10 =	sadd.s32 s10, s8  }
0x12: {  	s8 =	sadd.s32 s12, s5;
	s11 =	sadd.s32 $0x19600, s14;
	s12 =	sadd.s32 $0x1A000, s14  }
0x13: {  	v0 =	vimm.f32 $0.0e+00;
	s14 =	simm.s32 $0xA180;
	s9 =	sadd.s32 $0x9AC00, s10;
	s10 =	sadd.s32 $0xA4A00, s30  }
.LBB2_5:
0x14: {  	_ =	swait.ge [sflag:s20], $0x80  }
0x15: {  	[sflag:s20] =	ssyncset.done $0x0  }
0x16: {  	[sflag:s20] =	ssyncadd.s32 $0xFFFFFF80  }
0x17: {  	_ =	swait.ge [sflag:s21], $0x80  }
0x18: {  	[sflag:s21] =	ssyncset.done $0x0  }
0x19: {  	[sflag:s21] =	ssyncadd.s32 $0xFFFFFF80  }
0x1a: {  	_ =	swait.ge [sflag:s22], $0x80  }
0x1b: {  	[sflag:s22] =	ssyncset.done $0x0  }
0x1c: {  	[sflag:s22] =	ssyncadd.s32 $0xFFFFFF80  }
0x1d: {  	_ =	swait.ge [sflag:s23], $0x80  }
0x1e: {  	[sflag:s23] =	ssyncset.done $0x0  }
0x1f: {  	[sflag:s23] =	ssyncadd.s32 $0xFFFFFF80  }
0x20: {  	[bflag:$0x0] =	sbarrier.arrive $0xFFFF  }
0x21: {  	[tilespmem:s14], [sflag:$0x5] =	stream.linear.gather [spmem:s7], $0x280, $0x38;
	[tilespmem:$0xA900] =	vst v63  }
0x22: {  	_ =	swait.ge [sflag:s15], $0x280  }
0x23: {  	[sflag:s15] =	ssyncset.done $0x0  }
0x24: {  	[sflag:s15] =	ssyncadd.s32 $0xFFFFFD80  }
0x25: {  	[hbm4b:s11+s6] =	stream.linear.scatter [tilespmem:s14], [sflag:$0x5], $0x280, $0x38;
	[tilespmem:$0xA900] =	vst v63  }
0x26: {  	_ =	swait.ge [sflag:s15], $0x280  }
0x27: {  	[sflag:s15] =	ssyncset.done $0x0  }
0x28: {  	[sflag:s15] =	ssyncadd.s32 $0xFFFFFD80  }
0x29: {  	[tilespmem:s14], [sflag:$0x5] =	stream.linear.gather [spmem:s8], $0x280, $0x38;
	[tilespmem:$0xA900] =	vst v63  }
0x2a: {  	s26 =	sadd.s32 $0x1, s26;
	_ =	swait.ge [sflag:s15], $0x280  }
0x2b: {  	p0 =	sne.s32 s26, s13;
	[sflag:s15] =	ssyncset.done $0x0  }
.Ltmp1:
0x2c: {  	[sflag:s15] =	ssyncadd.s32 $0xFFFFFD80;
	(pc) =	sbr.rel @!p0 .LBB2_6-.Ltmp1, $4  }
0x2d: {  	[hbm4b:s12+s6] =	stream.linear.scatter [tilespmem:s14], [sflag:$0x5], $0x280, $0x38;
	[tilespmem:$0xA900] =	vst v63  }
0x2e: {  	_ =	swait.ge [sflag:s15], $0x280  }
0x2f: {  	[sflag:s15] =	ssyncset.done $0x0  }
0x30: {  	[sflag:s15] =	ssyncadd.s32 $0xFFFFFD80  }
.LBB2_1:
0x31: {  	[tilespmem:$0xA180] =	vst v0  }
0x32: {  	[tilespmem:$0xA190] =	vst v0  }
0x33: {  	[tilespmem:$0xA1A0] =	vst v0  }
0x34: {  	[tilespmem:$0xA1B0] =	vst v0  }
0x35: {  	[tilespmem:$0xA1C0] =	vst v0  }
0x36: {  	[tilespmem:$0xA1D0] =	vst v0  }
0x37: {  	[tilespmem:$0xA1E0] =	vst v0  }
0x38: {  	[tilespmem:$0xA1F0] =	vst v0  }
0x39: {  	[tilespmem:$0xA200] =	vst v0  }
0x3a: {  	[tilespmem:$0xA210] =	vst v0  }
0x3b: {  	[tilespmem:$0xA220] =	vst v0  }
0x3c: {  	[tilespmem:$0xA230] =	vst v0  }
0x3d: {  	[tilespmem:$0xA240] =	vst v0  }
0x3e: {  	[tilespmem:$0xA250] =	vst v0  }
0x3f: {  	[tilespmem:$0xA260] =	vst v0  }
0x40: {  	[tilespmem:$0xA270] =	vst v0  }
0x41: {  	[tilespmem:$0xA280] =	vst v0  }
0x42: {  	[tilespmem:$0xA290] =	vst v0  }
0x43: {  	[tilespmem:$0xA2A0] =	vst v0  }
0x44: {  	[tilespmem:$0xA2B0] =	vst v0  }
0x45: {  	[tilespmem:$0xA2C0] =	vst v0  }
0x46: {  	[tilespmem:$0xA2D0] =	vst v0  }
0x47: {  	[tilespmem:$0xA2E0] =	vst v0  }
0x48: {  	[tilespmem:$0xA2F0] =	vst v0  }
0x49: {  	[tilespmem:$0xA300] =	vst v0  }
0x4a: {  	[tilespmem:$0xA310] =	vst v0  }
0x4b: {  	[tilespmem:$0xA320] =	vst v0  }
0x4c: {  	[tilespmem:$0xA330] =	vst v0  }
0x4d: {  	[tilespmem:$0xA340] =	vst v0  }
0x4e: {  	[tilespmem:$0xA350] =	vst v0  }
0x4f: {  	[tilespmem:$0xA360] =	vst v0  }
0x50: {  	[tilespmem:$0xA370] =	vst v0  }
0x51: {  	[tilespmem:$0xA380] =	vst v0  }
0x52: {  	[tilespmem:$0xA390] =	vst v0  }
0x53: {  	[tilespmem:$0xA3A0] =	vst v0  }
0x54: {  	[tilespmem:$0xA3B0] =	vst v0  }
0x55: {  	[tilespmem:$0xA3C0] =	vst v0  }
0x56: {  	[tilespmem:$0xA3D0] =	vst v0  }
0x57: {  	[tilespmem:$0xA3E0] =	vst v0  }
0x58: {  	[tilespmem:$0xA3F0] =	vst v0  }
0x59: {  	[spmem:s7] =	stream.linear.scatter [tilespmem:s14], [sflag:$0x5], $0x280, $0x38;
	[tilespmem:$0xA900] =	vst v63  }
0x5a: {  	_ =	swait.ge [sflag:s15], $0x280  }
0x5b: {  	[sflag:s15] =	ssyncset.done $0x0  }
0x5c: {  	[sflag:s15] =	ssyncadd.s32 $0xFFFFFD80  }
0x5d: {  	[spmem:s8] =	stream.linear.scatter [tilespmem:s14], [sflag:$0x5], $0x280, $0x38;
	[tilespmem:$0xA900] =	vst v63  }
0x5e: {  	_ =	swait.ge [sflag:s15], $0x280  }
0x5f: {  	[sflag:s15] =	ssyncset.done $0x0  }
0x60: {  	[sflag:s15] =	ssyncadd.s32 $0xFFFFFD80  }
0x61: {  	[tilespmem:s16], [sflag:$0x5] =	stream.linear.gather [hbm4b:s0+s6], $0x2800, $0x38;
	[tilespmem:$0xA900] =	vst v63  }
0x62: {  	_ =	swait.ge [sflag:s15], $0x2800  }
0x63: {  	[sflag:s15] =	ssyncset.done $0x0  }
0x64: {  	[sflag:s15] =	ssyncadd.s32 $0xFFFFD800  }
0x65: {  	[tilespmem:s17], [sflag:$0x5] =	stream.linear.gather [hbm4b:s2+s6], $0x2800, $0x38;
	[tilespmem:$0xA900] =	vst v63  }
0x66: {  	_ =	swait.ge [sflag:s15], $0x2800  }
0x67: {  	[sflag:s15] =	ssyncset.done $0x0  }
0x68: {  	[sflag:s15] =	ssyncadd.s32 $0xFFFFD800  }
0x69: {  	[tilespmem:s6], [sflag:$0x5] =	stream.strided.gather [hbm4b:s9+s18], $0x2780, s19, s18, $0x38;
	[tilespmem:$0xA900] =	vst v63  }
0x6a: {  	_ =	swait.ge [sflag:s15], $0x2780  }
0x6b: {  	[sflag:s15] =	ssyncset.done $0x0  }
0x6c: {  	s28 =	simm.s32 $0x2780;
	[sflag:s15] =	ssyncadd.s32 $0xFFFFD880  }
0x6d: {  	[tilespmem:s28], [sflag:$0x5] =	stream.linear.gather [hbm4b:s10+s6], $0x2780, $0x38;
	[tilespmem:$0xA900] =	vst v63  }
.Ltmp2:
0x6e: {  	_ =	swait.ge [sflag:s15], $0x2780;
	(pc) =	sbr.rel .LBB2_2-.Ltmp2, $4  }
0x6f: {  	[sflag:s15] =	ssyncset.done $0x0  }
0x70: {  	[sflag:s15] =	ssyncadd.s32 $0xFFFFD880  }
0x71: {  	[bflag:$0x0] =	sbarrier.arrive $0xFFFF  }
0x72: {  	s29 =	simm.s32 $0x40;
	s30 =	simm.s32 $0x0  }
.LBB2_4:
0x73: {  	s30 =	sadd.s32 $0x1, s30  }
0x74: {  	p0 =	sne.s32 s30, $0x4F  }
.Ltmp3:
0x75: {  	_ = 	snop;
	(pc) =	sbr.rel @!p0 .LBB2_5-.Ltmp3, $2  }
0x76: {  	_ =	sdelay $0x2  }
0x77: {  	s28 =	sadd.s32 $0x80, s28;
	s29 =	sadd.s32 $0x80, s29  }
.LBB2_2:
0x78: {  	s31 =	sand.u32 $0x1, s30  }
0x79: {  	p0 =	seq.s32 s31, $0x1  }
0x7a: {  	p1 =	slt.u32 @!p0 s30, $0x2  }
0x7b: {  	p1 =	por p1, p0  }
0x7c: {  	s3 =	simm.s32 @!p1 $0x1  }
0x7d: {  	_ =	swait.ge @!p1 [sflag:s3], $0x80  }
0x7e: {  	[sflag:s3] =	ssyncset.done @!p1 $0x0  }
0x7f: {  	[sflag:s3] =	ssyncadd.s32 @!p1 $0xFFFFFF80;
	s3 =	simm.s32 @!p1 $0x2  }
0x80: {  	_ =	swait.ge @!p1 [sflag:s3], $0x80  }
0x81: {  	[sflag:s3] =	ssyncset.done @!p1 $0x0  }
0x82: {  	[sflag:s3] =	ssyncadd.s32 @!p1 $0xFFFFFF80  }
0x83: {  	v1 =	vld @!p0 [tilespmem:s29+$0xFFFFFFC0];
	_ =	sdelay $0x6  }
0x84: {  	s3 =	simm.s32 @!p0 $0x4F80  }
0x85: {  	v2 =	vld.idx.msk @!p0 [tilespmem:v1+s3+$0x0], $0xffff;
	_ =	sdelay $0x4  }
0x86: {  	s1 =	simm.s32 @!p0 $0x7780;
	[tilespmem:$0x9F80] =	vst @!p0 v2  }
0x87: {  	v1 =	vld.idx.msk @!p0 [tilespmem:v1+s1+$0x0], $0xffff;
	_ =	sdelay $0x4  }
0x88: {  	[tilespmem:$0xA000] =	vst @!p0 v1  }
0x89: {  	v1 =	vld @!p0 [tilespmem:s29+$0xFFFFFFD0];
	_ =	sdelay $0x7  }
0x8a: {  	v2 =	vld.idx.msk @!p0 [tilespmem:v1+s3+$0x0], $0xffff;
	_ =	sdelay $0x4  }
0x8b: {  	[tilespmem:$0x9F90] =	vst @!p0 v2  }
0x8c: {  	v1 =	vld.idx.msk @!p0 [tilespmem:v1+s1+$0x0], $0xffff;
	_ =	sdelay $0x4  }
0x8d: {  	[tilespmem:$0xA010] =	vst @!p0 v1  }
0x8e: {  	v1 =	vld @!p0 [tilespmem:s29+$0xFFFFFFE0];
	_ =	sdelay $0x7  }
0x8f: {  	v2 =	vld.idx.msk @!p0 [tilespmem:v1+s3+$0x0], $0xffff;
	_ =	sdelay $0x4  }
0x90: {  	[tilespmem:$0x9FA0] =	vst @!p0 v2  }
0x91: {  	v1 =	vld.idx.msk @!p0 [tilespmem:v1+s1+$0x0], $0xffff;
	_ =	sdelay $0x4  }
0x92: {  	[tilespmem:$0xA020] =	vst @!p0 v1  }
0x93: {  	v1 =	vld @!p0 [tilespmem:s29+$0xFFFFFFF0];
	_ =	sdelay $0x7  }
0x94: {  	v2 =	vld.idx.msk @!p0 [tilespmem:v1+s3+$0x0], $0xffff;
	_ =	sdelay $0x4  }
0x95: {  	[tilespmem:$0x9FB0] =	vst @!p0 v2  }
0x96: {  	v1 =	vld.idx.msk @!p0 [tilespmem:v1+s1+$0x0], $0xffff;
	_ =	sdelay $0x4  }
0x97: {  	[tilespmem:$0xA030] =	vst @!p0 v1  }
0x98: {  	v1 =	vld @!p0 [tilespmem:s29+$0x0];
	_ =	sdelay $0x7  }
0x99: {  	v2 =	vld.idx.msk @!p0 [tilespmem:v1+s3+$0x0], $0xffff;
	_ =	sdelay $0x4  }
0x9a: {  	[tilespmem:$0x9FC0] =	vst @!p0 v2  }
0x9b: {  	v1 =	vld.idx.msk @!p0 [tilespmem:v1+s1+$0x0], $0xffff;
	_ =	sdelay $0x4  }
0x9c: {  	[tilespmem:$0xA040] =	vst @!p0 v1  }
0x9d: {  	v1 =	vld @!p0 [tilespmem:s29+$0x10];
	_ =	sdelay $0x7  }
0x9e: {  	v2 =	vld.idx.msk @!p0 [tilespmem:v1+s3+$0x0], $0xffff;
	_ =	sdelay $0x4  }
0x9f: {  	[tilespmem:$0x9FD0] =	vst @!p0 v2  }
0xa0: {  	v1 =	vld.idx.msk @!p0 [tilespmem:v1+s1+$0x0], $0xffff;
	_ =	sdelay $0x4  }
0xa1: {  	[tilespmem:$0xA050] =	vst @!p0 v1  }
0xa2: {  	v1 =	vld @!p0 [tilespmem:s29+$0x20];
	_ =	sdelay $0x7  }
0xa3: {  	v2 =	vld.idx.msk @!p0 [tilespmem:v1+s3+$0x0], $0xffff;
	_ =	sdelay $0x4  }
0xa4: {  	[tilespmem:$0x9FE0] =	vst @!p0 v2  }
0xa5: {  	v1 =	vld.idx.msk @!p0 [tilespmem:v1+s1+$0x0], $0xffff;
	_ =	sdelay $0x4  }
0xa6: {  	[tilespmem:$0xA060] =	vst @!p0 v1  }
0xa7: {  	v1 =	vld @!p0 [tilespmem:s29+$0x30];
	_ =	sdelay $0x7  }
0xa8: {  	v2 =	vld.idx.msk @!p0 [tilespmem:v1+s3+$0x0], $0xffff;
	_ =	sdelay $0x4  }
0xa9: {  	[tilespmem:$0x9FF0] =	vst @!p0 v2  }
0xaa: {  	v1 =	vld.idx.msk @!p0 [tilespmem:v1+s1+$0x0], $0xffff;
	_ =	sdelay $0x4  }
0xab: {  	s3 =	simm.s32 @!p0 $0x9F80;
	s1 =	simm.s32 @!p0 $0x80;
	[tilespmem:$0xA070] =	vst @!p0 v1  }
0xac: {  	[spmem:s4] =	stream.indirect.scatter.add.f32 @!p0 [tilespmem:s3], [sflag:$0x1], $0x1, s28, s1, $0xb8;
	[tilespmem:$0xA900] =	vst v63  }
0xad: {  	p1 =	seq.s32 @!p0 s31, $0x0;
	s3 =	simm.s32 @!p0 $0xA000  }
0xae: {  	[spmem:s5] =	stream.indirect.scatter.add.f32 @!p0 [tilespmem:s3], [sflag:$0x2], $0x1, s28, s1, $0xb8;
	[tilespmem:$0xA900] =	vst v63  }
0xaf: {  	p0 =	por p0, !p1  }
.Ltmp4:
0xb0: {  	_ = 	snop;
	(pc) =	sbr.rel @!p0 .LBB2_4-.Ltmp4, $1  }
0xb1: {  	_ =	sdelay $0x3  }
0xb2: {  	p0 =	slt.u32 s30, $0x2  }
0xb3: {  	s1 =	simm.s32 @!p0 $0x3  }
0xb4: {  	_ =	swait.ge @!p0 [sflag:s1], $0x80  }
0xb5: {  	[sflag:s1] =	ssyncset.done @!p0 $0x0  }
0xb6: {  	[sflag:s1] =	ssyncadd.s32 @!p0 $0xFFFFFF80;
	s1 =	simm.s32 @!p0 $0x4  }
0xb7: {  	_ =	swait.ge @!p0 [sflag:s1], $0x80  }
0xb8: {  	[sflag:s1] =	ssyncset.done @!p0 $0x0  }
0xb9: {  	[sflag:s1] =	ssyncadd.s32 @!p0 $0xFFFFFF80  }
0xba: {  	v1 =	vld [tilespmem:s29+$0xFFFFFFC0];
	_ =	sdelay $0x7  }
0xbb: {  	v2 =	vld.idx.msk [tilespmem:v1+s16+$0x0], $0xffff;
	_ =	sdelay $0x4  }
0xbc: {  	[tilespmem:$0xA080] =	vst v2  }
0xbd: {  	v1 =	vld.idx.msk [tilespmem:v1+s17+$0x0], $0xffff;
	_ =	sdelay $0x4  }
0xbe: {  	[tilespmem:$0xA100] =	vst v1  }
0xbf: {  	v1 =	vld [tilespmem:s29+$0xFFFFFFD0];
	_ =	sdelay $0x7  }
0xc0: {  	v2 =	vld.idx.msk [tilespmem:v1+s16+$0x0], $0xffff;
	_ =	sdelay $0x4  }
0xc1: {  	[tilespmem:$0xA090] =	vst v2  }
0xc2: {  	v1 =	vld.idx.msk [tilespmem:v1+s17+$0x0], $0xffff;
	_ =	sdelay $0x4  }
0xc3: {  	[tilespmem:$0xA110] =	vst v1  }
0xc4: {  	v1 =	vld [tilespmem:s29+$0xFFFFFFE0];
	_ =	sdelay $0x7  }
0xc5: {  	v2 =	vld.idx.msk [tilespmem:v1+s16+$0x0], $0xffff;
	_ =	sdelay $0x4  }
0xc6: {  	[tilespmem:$0xA0A0] =	vst v2  }
0xc7: {  	v1 =	vld.idx.msk [tilespmem:v1+s17+$0x0], $0xffff;
	_ =	sdelay $0x4  }
0xc8: {  	[tilespmem:$0xA120] =	vst v1  }
0xc9: {  	v1 =	vld [tilespmem:s29+$0xFFFFFFF0];
	_ =	sdelay $0x7  }
0xca: {  	v2 =	vld.idx.msk [tilespmem:v1+s16+$0x0], $0xffff;
	_ =	sdelay $0x4  }
0xcb: {  	[tilespmem:$0xA0B0] =	vst v2  }
0xcc: {  	v1 =	vld.idx.msk [tilespmem:v1+s17+$0x0], $0xffff;
	_ =	sdelay $0x4  }
0xcd: {  	[tilespmem:$0xA130] =	vst v1  }
0xce: {  	v1 =	vld [tilespmem:s29+$0x0];
	_ =	sdelay $0x7  }
0xcf: {  	v2 =	vld.idx.msk [tilespmem:v1+s16+$0x0], $0xffff;
	_ =	sdelay $0x4  }
0xd0: {  	[tilespmem:$0xA0C0] =	vst v2  }
0xd1: {  	v1 =	vld.idx.msk [tilespmem:v1+s17+$0x0], $0xffff;
	_ =	sdelay $0x4  }
0xd2: {  	[tilespmem:$0xA140] =	vst v1  }
0xd3: {  	v1 =	vld [tilespmem:s29+$0x10];
	_ =	sdelay $0x7  }
0xd4: {  	v2 =	vld.idx.msk [tilespmem:v1+s16+$0x0], $0xffff;
	_ =	sdelay $0x4  }
0xd5: {  	[tilespmem:$0xA0D0] =	vst v2  }
0xd6: {  	v1 =	vld.idx.msk [tilespmem:v1+s17+$0x0], $0xffff;
	_ =	sdelay $0x4  }
0xd7: {  	[tilespmem:$0xA150] =	vst v1  }
0xd8: {  	v1 =	vld [tilespmem:s29+$0x20];
	_ =	sdelay $0x7  }
0xd9: {  	v2 =	vld.idx.msk [tilespmem:v1+s16+$0x0], $0xffff;
	_ =	sdelay $0x4  }
0xda: {  	[tilespmem:$0xA0E0] =	vst v2  }
0xdb: {  	v1 =	vld.idx.msk [tilespmem:v1+s17+$0x0], $0xffff;
	_ =	sdelay $0x4  }
0xdc: {  	[tilespmem:$0xA160] =	vst v1  }
0xdd: {  	v1 =	vld [tilespmem:s29+$0x30];
	_ =	sdelay $0x7  }
0xde: {  	v2 =	vld.idx.msk [tilespmem:v1+s16+$0x0], $0xffff;
	_ =	sdelay $0x4  }
0xdf: {  	[tilespmem:$0xA0F0] =	vst v2  }
0xe0: {  	v1 =	vld.idx.msk [tilespmem:v1+s17+$0x0], $0xffff;
	_ =	sdelay $0x3  }
.Ltmp5:
0xe1: {  	_ = 	snop;
	(pc) =	sbr.rel .LBB2_4-.Ltmp5, $4  }
0xe2: {  	[tilespmem:$0xA170] =	vst v1  }
0xe3: {  	[spmem:s4] =	stream.indirect.scatter.add.f32 [tilespmem:s24], [sflag:$0x3], $0x1, s28, s18, $0xb8;
	[tilespmem:$0xA900] =	vst v63  }
0xe4: {  	_ = 	snop  }
0xe5: {  	[spmem:s5] =	stream.indirect.scatter.add.f32 [tilespmem:s25], [sflag:$0x4], $0x1, s28, s18, $0xb8;
	[tilespmem:$0xA900] =	vst v63  }
.LBB2_6:
0xe6: {  	_ =	sfence.sel $0x180000  }
0xe7: {  	[bflag:$0x0] =	sbarrier.arrive $0xFFFF  }
0xe8: {  	_ =	strace $0x9000004D  }
0xe9: {  	s0 =	stileid.u32;
	[bflag:$0x2] =	sbarrier.arrive $0xFFFF  }
0xea: {  	p0 =	sne.s32 s0, $0x0;
	s0 =	rddreg [dreg:$0x5]  }
0xeb: {  	s0 =	sadd.s32 @!p0 $0x100000, s0  }
0xec: {  	[sflag:s0] =	ssyncadd.tile.s32 @!p0 $0x1;
	_ =	shalt  }
.Lfunc_end2:
_tile_overlayer_lowered:
.L_overlay_start_2:
0xed: {  	(tag) =	ssettag $0x2  }
0xee: {  	s0 =	rddreg [dreg:$0x0];
	s2 =	stileid.u32  }
0xef: {  	s1 =	rddreg [dreg:$0x1];
	p0 =	sne.s32 s2, $0x0  }
0xf0: {  	s3 =	rddreg [dreg:$0x2];
	[bflag:$0x3] =	sbarrier.arrive $0xFFFF;
	s2 =	simm.s32 @!p0 $0x1C05  }
0xf1: {  	[timem:s3], [sflag:s2] =	dma.local @!p0 [hbm:s0], s1  }
0xf2: {  	s0 =	simm.s32 @!p0 $0x5  }
0xf3: {  	_ =	swait.ge @!p0 [sflag:s0], s1  }
0xf4: {  	s1 =	ssub.s32 @!p0 $0x0, s1;
	[sflag:s0] =	ssyncset.done @!p0 $0x0  }
0xf5: {  	[sflag:s0] =	ssyncadd.s32 @!p0 s1  }
0xf6: {  	[bflag:$0x3] =	sbarrier.arrive $0xFFFF  }
0xf7: {  	_ =	shalt  }

// kernel: kernel.18.cloned.1.call-start
scs
__scs_entry_jumppad:
0x0: {  	(pc) =	sbr.rel $0x88, $3  }
0x1: {  	(tag) =	ssettag $0x0;
	lr =	simm.s32 $0x1  }
0x2: {  	[smem:$0x3F99] =	sst lr;
	_ =	strace $0xD0000000  }
0x3: {  	_ = 	snop  }
0x4: {  	_ = 	snop  }
0x5: {  	_ = 	snop  }
0x6: {  	_ = 	snop  }
0x7: {  	_ = 	snop  }
__scs_overlays_trampoline_lowered:
0x8: {  	[smem:$0x3FA8] =	sst s0  }
0x9: {  	[smem:$0x3FA9] =	sst s1  }
0xa: {  	[smem:$0x3FAA] =	sst s2  }
0xb: {  	[smem:$0x3FAB] =	sst s3  }
0xc: {  	[smem:$0x3FAC] =	sst s4  }
0xd: {  	[smem:$0x3FAD] =	sst s5  }
0xe: {  	[smem:$0x3FAE] =	sst s6  }
0xf: {  	[smem:$0x3FAF] =	sst s7  }
0x10: {  	[smem:$0x3FB0] =	sst s8  }
0x11: {  	[smem:$0x3FB1] =	sst s9;
	s0 =	simm.s32 @!p0 $0x0  }
0x12: {  	s1 =	sld [smem:$0x3F97];
	s0 =	simm.s32 @p0 $0x1  }
0x13: {  	[smem:$0x3FB2] =	sst s0;
	s0 =	simm.s32 @!p1 $0x0  }
0x14: {  	s2 =	sld [smem:$0x3F96];
	s0 =	simm.s32 @p1 $0x1  }
0x15: {  	[smem:$0x3FB3] =	sst s0;
	s0 =	simm.s32 @!p2 $0x0  }
0x16: {  	s3 =	sld [smem:$0x3FDB];
	s0 =	simm.s32 @p2 $0x1  }
0x17: {  	s4 =	simm.s32 $0x1BF5;
	[smem:$0x3FB5] =	sst s0  }
0x18: {  	s0 =	sld [smem:$0x3F98];
	_ =	swait.ge [sflag:s4], $0x0  }
0x19: {  	s7 =	sld [smem:$0x3F99]  }
0x1a: {  	s8 =	sadd.s32 $0xFFFFE003, lr  }
0x1b: {  	s9 =	sadd.s32 $0xFFFFFEF7, lr;
	s5 =	simm.s32 $0xFFFFFFFF;
	p2 =	slt.u32 s8, $0xFFFFF086  }
0x1c: {  	p1 =	slt.u32 s9, $0xF7A;
	s5 =	simm.s32 @!p2 $0x0  }
0x1d: {  	s5 =	simm.s32 @p1 $0x1;
	p0 =	seq.s32 s7, s2  }
0x1e: {  	s7 =	smul.u32 @!p0 $0xF7A, s2;
	p2 =	seq.s32 @!p0 s5, $0x0  }
0x1f: {  	s9 =	smul.u32 $0xF7A, s1;
	s8 =	simm.s32 @!p0 $0x1BF5;
	p2 =	por !p2, p0  }
0x20: {  	[sflag:s8] =	ssyncset.s32 @!p0 $0xFFFFF086;
	s6 =	sadd.s32 @!p0 s3, s7;
	s7 =	simm.s32 @!p0 $0x108  }
0x21: {  	s3 =	sadd.s32 s3, s9;
	s6 =	sadd.s32 @!p0 $0x88, s6;
	s7 =	simm.s32 @p2 $0x1082  }
0x22: {  	[simem:s7], [sflag:s8] =	dma.local @!p0 [hbm:s6], $0xF7A  }
0x23: {  	s9 =	sor.u32 $0xD0000000, s2;
	s6 =	simm.s32 $0x108;
	_ =	swait.ge @!p0 [sflag:s8], $0x0  }
0x24: {  	s3 =	sadd.s32 $0x88, s3;
	s6 =	simm.s32 @!p1 $0x1082;
	[sflag:s4] =	ssyncset.s32 $0xFFFFF086  }
0x25: {  	[simem:s6], [sflag:s4] =	dma.local [hbm:s3], $0xF7A  }
0x26: {  	[smem:$0x3F99] =	sst s1;
	(tag) =	ssettag s2;
	_ =	strace s9  }
0x27: {  	s1 =	sld [smem:$0x3FA9]  }
0x28: {  	s2 =	sld [smem:$0x3FAA]  }
0x29: {  	s4 =	sld [smem:$0x3FAC]  }
0x2a: {  	p0 =	seq.s32 s5, $0x0;
	s5 =	sld [smem:$0x3FAD]  }
0x2b: {  	s6 =	sld [smem:$0x3FAE]  }
0x2c: {  	s7 =	sld [smem:$0x3FAF]  }
0x2d: {  	s3 =	simm.s32 $0x108;
	s8 =	sld [smem:$0x3FB0]  }
0x2e: {  	s3 =	simm.s32 @!p0 $0x1082;
	s9 =	sld [smem:$0x3FB1]  }
0x2f: {  	lr =	sadd.s32 s0, s3;
	s0 =	sld [smem:$0x3FA8]  }
0x30: {  	s3 =	sld [smem:$0x3FAB]  }
0x31: {  	[smem:$0x3FB4] =	sst s10  }
0x32: {  	s10 =	sld [smem:$0x3FB2];
	_ =	sdelay $0x3  }
0x33: {  	p0 =	seq.s32 s10, $0x1;
	s10 =	sld [smem:$0x3FB4];
	_ =	sdelay $0x3  }
0x34: {  	[smem:$0x3FB4] =	sst s10  }
0x35: {  	s10 =	sld [smem:$0x3FB3];
	_ =	sdelay $0x3  }
0x36: {  	p1 =	seq.s32 s10, $0x1;
	s10 =	sld [smem:$0x3FB4];
	_ =	sdelay $0x3  }
0x37: {  	[smem:$0x3FB4] =	sst s10  }
0x38: {  	s10 =	sld [smem:$0x3FB5]  }
0x39: {  	_ = 	snop;
	(pc) =	sbr.ind lr, $3  }
0x3a: {  	_ = 	snop  }
0x3b: {  	_ = 	snop  }
0x3c: {  	p2 =	seq.s32 s10, $0x1;
	s10 =	sld [smem:$0x3FB4]  }
0x3d: {  	_ =	shalt  }
0x3e: {  	_ =	shalt  }
0x3f: {  	_ =	shalt  }
0x40: {  	_ =	shalt  }
0x41: {  	_ =	shalt  }
0x42: {  	_ =	shalt  }
0x43: {  	_ =	shalt  }
0x44: {  	_ =	shalt  }
0x45: {  	_ =	shalt  }
0x46: {  	_ =	shalt  }
0x47: {  	_ =	shalt  }
0x48: {  	_ =	shalt  }
0x49: {  	_ =	shalt  }
0x4a: {  	_ =	shalt  }
0x4b: {  	_ =	shalt  }
0x4c: {  	_ =	shalt  }
0x4d: {  	_ =	shalt  }
0x4e: {  	_ =	shalt  }
0x4f: {  	_ =	shalt  }
0x50: {  	_ =	shalt  }
0x51: {  	_ =	shalt  }
0x52: {  	_ =	shalt  }
0x53: {  	_ =	shalt  }
0x54: {  	_ =	shalt  }
0x55: {  	_ =	shalt  }
0x56: {  	_ =	shalt  }
0x57: {  	_ =	shalt  }
0x58: {  	_ =	shalt  }
0x59: {  	_ =	shalt  }
0x5a: {  	_ =	shalt  }
0x5b: {  	_ =	shalt  }
0x5c: {  	_ =	shalt  }
0x5d: {  	_ =	shalt  }
0x5e: {  	_ =	shalt  }
0x5f: {  	_ =	shalt  }
0x60: {  	_ =	shalt  }
0x61: {  	_ =	shalt  }
0x62: {  	_ =	shalt  }
0x63: {  	_ =	shalt  }
0x64: {  	_ =	shalt  }
0x65: {  	_ =	shalt  }
0x66: {  	_ =	shalt  }
0x67: {  	_ =	shalt  }
0x68: {  	_ =	shalt  }
0x69: {  	_ =	shalt  }
0x6a: {  	_ =	shalt  }
0x6b: {  	_ =	shalt  }
0x6c: {  	_ =	shalt  }
0x6d: {  	_ =	shalt  }
0x6e: {  	_ =	shalt  }
0x6f: {  	_ =	shalt  }
0x70: {  	_ =	shalt  }
0x71: {  	_ =	shalt  }
0x72: {  	_ =	shalt  }
0x73: {  	_ =	shalt  }
0x74: {  	_ =	shalt  }
0x75: {  	_ =	shalt  }
0x76: {  	_ =	shalt  }
0x77: {  	_ =	shalt  }
0x78: {  	_ =	shalt  }
0x79: {  	_ =	shalt  }
0x7a: {  	_ =	shalt  }
0x7b: {  	_ =	shalt  }
0x7c: {  	_ =	shalt  }
0x7d: {  	_ =	shalt  }
0x7e: {  	_ =	shalt  }
0x7f: {  	_ =	shalt  }
0x80: {  	_ =	shalt  }
0x81: {  	_ =	shalt  }
0x82: {  	_ =	shalt  }
0x83: {  	_ =	shalt  }
0x84: {  	_ =	shalt  }
0x85: {  	_ =	shalt  }
0x86: {  	_ =	shalt  }
0x87: {  	_ =	shalt  }
.Lfunc_end0:
.L_simem_size_0:
called_computation.3_lowered:
.L_overlay_start_0:
0x88: {  	s2 =	sld [smem:$0x3FD9]  }
0x89: {  	s3 =	sld [smem:$0x3FFE];
	_ =	sdelay $0x1  }
0x8a: {  	s1 =	srdreg.scid  }
0x8b: {  	s0 =	sand.u32 $0x1, s1  }
0x8c: {  	s14 =	sshll.u32 s0, $0xA;
	s2 =	sadd.s32 s3, s2  }
0x8d: {  	s2 =	sadd.s32 s2, s14  }
0x8e: {  	[smem:$0x3FC0] =	sst s2  }
0x8f: {  	_ = 	snop  }
0x90: {  	s2 =	sld [smem:$0x3FD0];
	_ =	sdelay $0x1  }
0x91: {  	s15 =	sld [smem:$0x3FC7]  }
0x92: {  	s5 =	simm.s32 $0xA;
	s6 =	simm.s32 $0x10;
	s4 =	sld [smem:$0x3FC6]  }
0x93: {  	[smem:s6], [sflag:s5] =	dma.local [hbm:s2], $0x1  }
0x94: {  	_ =	swait.eq [sflag:s5], $0x1  }
0x95: {  	[sflag:s5] =	ssyncset.done $0x0  }
0x96: {  	s16 =	sld [smem:$0x10];
	[sflag:s5] =	ssyncadd.s32 $0xFFFFFFFF  }
0x97: {  	s17 =	sld [smem:$0x11];
	(tm) =	ssettm $0x1  }
0x98: {  	s18 =	sld [smem:$0x3FFB];
	_ =	sdelay $0x3  }
0x99: {  	_ =	strace s18  }
0x9a: {  	s6 =	sld [smem:$0x3FFC];
	_ =	sdelay $0x3  }
0x9b: {  	_ =	strace s6  }
0x9c: {  	s6 =	sld [smem:$0x3FFD];
	_ =	sdelay $0x3  }
0x9d: {  	_ =	strace s6  }
0x9e: {  	_ =	strace $0x8FFFFFFF  }
0x9f: {  	s19 =	sld [smem:$0x3FDB];
	_ =	sdelay $0x1  }
0xa0: {  	s7 =	simm.s32 $_scs_section_size  }
0xa1: {  	s8 =	simm.s32 $_size__tile_overlayer_lowered;
	s9 =	simm.s32 $_tile_overlayer_lowered  }
0xa2: {  	s22 =	simm.s32 $0x1BFF;
	s21 =	sshll.u32 s9, $0x1;
	s6 =	sadd.s32 s7, s19  }
0xa3: {  	s10 =	simm.s32 $0x0;
	s20 =	sshll.u32 s8, $0x1;
	s8 =	sadd.s32 s21, s6  }
0xa4: {  	[timem:s10], [sflag:s22] =	dma.local [hbm:s8], s20  }
0xa5: {  	_ =	swait.ge [sflag:s22], s20  }
0xa6: {  	s7 =	ssub.s32 $0x0, s20;
	[sflag:s22] =	ssyncset.done $0x0  }
0xa7: {  	[sflag:s22] =	ssyncadd.s32 s7;
	_ =	sdelay $0x1  }
0xa8: {  	s23 =	simm.s32 $0x1B8B  }
0xa9: {  	_ =	swait.ge [sflag:s23], $0x1  }
0xaa: {  	[sflag:s23] =	ssyncset.done $0x0  }
0xab: {  	s25 =	simm.s32 $0x1B8E;
	s24 =	sld [smem:$0x3FFE];
	[sflag:s23] =	ssyncadd.s32 $0xFFFFFFFF  }
0xac: {  	s26 =	simm.s32 $execute0_lowered;
	[smem:$0x3FD2] =	sst s25  }
0xad: {  	s8 =	sshll.u32 s26, $0x1;
	_ =	strace $0x8000004F;
	[dreg:$0x1] =	wrdreg $0xFFFFFFFF  }
0xae: {  	s28 =	simm.s32 $_size_execute0_lowered;
	s6 =	sadd.s32 s6, s8;
	[dreg:$0x0] =	wrdreg $0x0  }
0xaf: {  	s8 =	sshll.u32 s28, $0x1;
	[dreg:$0x2] =	wrdreg s6  }
0xb0: {  	[dreg:$0x3] =	wrdreg s8  }
0xb1: {  	[dreg:$0x4] =	wrdreg $0xC0  }
0xb2: {  	_ =	task [dreg:s10], $0x5FFFF  }
0xb3: {  	[dreg:$0x1] =	wrdreg $0xFFFFFFFF  }
0xb4: {  	[dreg:$0x0] =	wrdreg $0x60  }
0xb5: {  	[dreg:$0x2] =	wrdreg s24  }
0xb6: {  	[dreg:$0x3] =	wrdreg s15  }
0xb7: {  	[dreg:$0x4] =	wrdreg s4  }
0xb8: {  	[dreg:$0x5] =	wrdreg s16  }
0xb9: {  	[dreg:$0x6] =	wrdreg s17  }
0xba: {  	[dreg:$0x7] =	wrdreg $0xC800  }
0xbb: {  	[dreg:$0x8] =	wrdreg $0xF000  }
0xbc: {  	[dreg:$0x9] =	wrdreg $0x9  }
0xbd: {  	_ =	task.clear_ibuf [dreg:s10], $0xAFFFF;
	_ =	strace $0x9000004F  }
0xbe: {  	s29 =	simm.s32 $0x9;
	_ =	strace $0x80000051  }
0xbf: {  	_ =	swait.ge [sflag:s29], $0x1  }
0xc0: {  	[sflag:s29] =	ssyncadd.s32 $0xFFFFFFFF  }
0xc1: {  	_ =	strace $0x90000051  }
0xc2: {  	_ =	sfence  }
0xc3: {  	s30 =	sld [smem:$0x0];
	_ =	sdelay $0x2  }
0xc4: {  	s31 =	sshll.u32 s1, $0xD;
	s1 =	sshrl.u32 s1, $0x2  }
0xc5: {  	s3 =	sand.u32 $0x4000, s31;
	s1 =	sadd.s32 s1, s30  }
0xc6: {  	s0 =	sor.u32 s3, s0;
	s1 =	sshll.u32 s1, $0x11  }
0xc7: {  	s0 =	sor.u32 s1, s0  }
0xc8: {  	s0 =	sadd.s32 $0x8F2B, s0  }
0xc9: {  	[sflag:s0] =	ssyncadd.remote.s32 $0x1  }
0xca: {  	_ =	sfence.sel $0xFFFF  }
0xcb: {  	[dreg:$0x0] =	wrdreg $0xFFFFFFFF;
	(pc) =	sbr.abs _section_cstart, $3  }
0xcc: {  	[dreg:$0x1] =	wrdreg $0xFFFFFFFF  }
0xcd: {  	_ =	task.clear_ibuf [dreg:s10], $0x2FFFF;
	_ =	strace $0x9FFFFFFF  }
0xce: {  	(tm) =	ssettm $0x7FFFFFFF  }
0xcf: {  	_ =	shalt  }
tec
execute0_lowered:
.L_overlay_start_1:
0x0: {  	(tag) =	ssettag $0x1  }
0x1: {  	s0 =	rddreg [dreg:$0x0]  }
0x2: {  	s1 =	rddreg [dreg:$0x1]  }
0x3: {  	s16 =	rddreg [dreg:$0x2]  }
0x4: {  	s14 =	rddreg [dreg:$0x3]  }
0x5: {  	s18 =	rddreg [dreg:$0x4]  }
0x6: {  	s3 =	srdreg.scid;
	s12 =	rddreg [dreg:$0x5]  }
0x7: {  	s24 =	rddreg [dreg:$0x6];
	s2 =	stileid.u32;
	s4 =	simm.s32 $0x0  }
0x8: {  	s28 =	simm.s32 $0x6180;
	s29 =	simm.s32 $0xB000;
	s30 =	simm.s32 $0xFE80  }
0x9: {  	s31 =	simm.s32 $0x0;
	s23 =	sand.u32 $0x1, s3;
	[smem:$0x7FF] =	sst s4  }
0xa: {  	s6 =	sadd.s32 $0x19600, s0;
	s15 =	smul.u32 $0x280, s2;
	s8 =	sadd.s32 $0x1A000, s0  }
0xb: {  	s3 =	smov.u32 s24;
	s5 =	sshll.u32 s23, $0x4;
	_ =	strace $0x80000050  }
0xc: {  	s25 =	ssub.s32 $0x2, s23;
	p0 =	sne.s32 s23, $0x0;
	s23 =	simm.s32 $0x780  }
0xd: {  	s5 =	sor.u32 s2, s5;
	s20 =	sshrl.u32 s15, $0x3;
	s7 =	sshrl.u32 s25, $0x1  }
0xe: {  	s12 =	sadd.s32 s15, s12;
	s13 =	smul.u32 $0x4E20, s5;
	s21 =	ssub.s32 s25, s7  }
0xf: {  	s9 =	sadd.s32 $0x500, s20;
	s5 =	sadd.s32 s6, s20;
	s7 =	sadd.s32 s8, s20  }
0x10: {  	s14 =	sadd.s32 s14, s20;
	s25 =	simm.s32 $0x1180;
	s6 =	sadd.s32 s6, s9  }
0x11: {  	s8 =	sadd.s32 s8, s9;
	s19 =	sshrl.u32 s13, $0x3;
	s22 =	sadd.s32 $0xFFFB1E00, s13  }
0x12: {  	s13 =	sadd.s32 s15, s24;
	s24 =	simm.s32 $0xA00;
	s17 =	sadd.s32 s19, s0  }
0x13: {  	s0 =	sadd.s32 s20, s0;
	s26 =	sshrl.u32 s22, $0x3;
	s18 =	sadd.s32 s18, s19  }
0x14: {  	s19 =	smax.u32 s21, $0x1;
	s20 =	simm.s32 $0x1;
	s21 =	simm.s32 $0x500  }
0x15: {  	s22 =	simm.s32 $0x280;
	s9 =	sadd.s32 $0x18400, s0;
	s10 =	sadd.s32 $0x18A00, s0  }
0x16: {  	s11 =	sadd.s32 $0x19000, s0;
	s15 =	sadd.s32 $0x1AA00, s0;
	s0 =	sadd.s32 s1, s26  }
0x17: {  	s1 =	sadd.s32 s16, s26;
	s16 =	sadd.s32 $0x4800, s17;
	s17 =	sadd.s32 $0xE600, s17  }
0x18: {  	s26 =	simm.s32 $0x3980;
	s16 =	smov.u32 @p0 s0;
	s17 =	smov.u32 @p0 s1  }
.LBB2_1:
0x19: {  	[tilespmem:s4], [sflag:$0x1] =	stream.linear.gather [hbm4b:s5+s4], $0x280, $0x38;
	[tilespmem:$0x14D00] =	vst v63  }
0x1a: {  	_ =	swait.ge [sflag:s20], $0x280  }
0x1b: {  	[sflag:s20] =	ssyncset.done $0x0  }
0x1c: {  	[sflag:s20] =	ssyncadd.s32 $0xFFFFFD80  }
0x1d: {  	[tilespmem:s21], [sflag:$0x1] =	stream.linear.gather [hbm4b:s6+s4], $0x280, $0x38;
	[tilespmem:$0x14D00] =	vst v63  }
0x1e: {  	_ =	swait.ge [sflag:s20], $0x280  }
0x1f: {  	[sflag:s20] =	ssyncset.done $0x0  }
0x20: {  	[sflag:s20] =	ssyncadd.s32 $0xFFFFFD80  }
0x21: {  	[tilespmem:s22], [sflag:$0x1] =	stream.linear.gather [hbm4b:s7+s4], $0x280, $0x38;
	[tilespmem:$0x14D00] =	vst v63  }
0x22: {  	_ =	swait.ge [sflag:s20], $0x280  }
0x23: {  	[sflag:s20] =	ssyncset.done $0x0  }
0x24: {  	[sflag:s20] =	ssyncadd.s32 $0xFFFFFD80  }
0x25: {  	[tilespmem:s23], [sflag:$0x1] =	stream.linear.gather [hbm4b:s8+s4], $0x280, $0x38;
	[tilespmem:$0x14D00] =	vst v63  }
0x26: {  	_ =	swait.ge [sflag:s20], $0x280  }
0x27: {  	[sflag:s20] =	ssyncset.done $0x0  }
0x28: {  	[sflag:s20] =	ssyncadd.s32 $0xFFFFFD80  }
0x29: {  	[tilespmem:s24], [sflag:$0x1] =	stream.linear.gather [hbm4b:s9+s4], $0x280, $0x38;
	[tilespmem:$0x14D00] =	vst v63  }
0x2a: {  	_ =	swait.ge [sflag:s20], $0x280  }
0x2b: {  	[sflag:s20] =	ssyncset.done $0x0  }
0x2c: {  	s0 =	simm.s32 $0x0;
	[sflag:s20] =	ssyncadd.s32 $0xFFFFFD80  }
0x2d: {  	v0 =	vld [tilespmem:s0+$0x500]  }
0x2e: {  	v1 =	vld [tilespmem:s0+$0x780]  }
0x2f: {  	s1 =	simm.s32 $0x40;
	v2 =	vld [tilespmem:s0+$0x0]  }
.LBB2_2:
0x30: {  	p1 =	sne.s32 s1, $0x9C0;
	v3 =	vld [tilespmem:s0+$0x280]  }
0x31: {  	v4 =	vld [tilespmem:s0+$0xA00];
	_ =	sdelay $0x2  }
0x32: {  	v0 =	vadd.f32 v0, v2  }
.Ltmp0:
0x33: {  	v1 =	vadd.f32 v1, v3;
	(pc) =	sbr.rel @p1 .LBB2_2-.Ltmp0, $4  }
0x34: {  	s2 =	sshra.s32 s1, $0x2;
	v2 =	vmul.f32 v0, v4  }
0x35: {  	v0 =	vld [tilespmem:s2+$0x500];
	v3 =	vmul.f32 v1, v4  }
0x36: {  	v1 =	vld [tilespmem:s2+$0x780];
	[tilespmem:s0+$0x0] =	vst v2  }
0x37: {  	s1 =	sadd.s32 $0x40, s1;
	v2 =	vld [tilespmem:s2+$0x0];
	[tilespmem:s0+$0x280] =	vst v3;
	s0 =	smov.u32 s2  }
0x38: {  	v3 =	vld [tilespmem:s0+$0x280]  }
0x39: {  	v4 =	vld [tilespmem:s0+$0xA00];
	_ =	sdelay $0x2  }
0x3a: {  	v0 =	vadd.f32 v0, v2  }
0x3b: {  	v1 =	vadd.f32 v1, v3  }
0x3c: {  	v0 =	vmul.f32 v0, v4  }
0x3d: {  	v1 =	vmul.f32 v1, v4  }
0x3e: {  	[tilespmem:s0+$0x0] =	vst v0  }
0x3f: {  	s2 =	simm.s32 $0x0;
	[tilespmem:s0+$0x280] =	vst v1  }
0x40: {  	[tilespmem:s21], [sflag:$0x1] =	stream.linear.gather [hbm4b:s10+s2], $0x280, $0x38;
	[tilespmem:$0x14D00] =	vst v63  }
0x41: {  	_ =	swait.ge [sflag:s20], $0x280  }
0x42: {  	[sflag:s20] =	ssyncset.done $0x0  }
0x43: {  	[sflag:s20] =	ssyncadd.s32 $0xFFFFFD80  }
0x44: {  	[tilespmem:s23], [sflag:$0x1] =	stream.linear.gather [hbm4b:s11+s2], $0x280, $0x38;
	[tilespmem:$0x14D00] =	vst v63  }
0x45: {  	_ =	swait.ge [sflag:s20], $0x280  }
0x46: {  	[sflag:s20] =	ssyncset.done $0x0  }
0x47: {  	s0 =	simm.s32 $0x0;
	[sflag:s20] =	ssyncadd.s32 $0xFFFFFD80  }
0x48: {  	v0 =	vld [tilespmem:s0+$0x500]  }
0x49: {  	v1 =	vld [tilespmem:s0+$0x780]  }
0x4a: {  	s1 =	simm.s32 $0x40;
	v2 =	vld [tilespmem:s0+$0x0]  }
.LBB2_4:
0x4b: {  	p1 =	sne.s32 s1, $0x9C0;
	v3 =	vld [tilespmem:s0+$0x280];
	_ =	sdelay $0x2  }
.Ltmp1:
0x4c: {  	(pc) =	sbr.rel @p1 .LBB2_4-.Ltmp1, $4  }
0x4d: {  	s2 =	sshra.s32 s1, $0x2;
	v2 =	vadd.f32 v0, v2  }
0x4e: {  	v0 =	vld [tilespmem:s2+$0x500];
	v3 =	vadd.f32 v1, v3  }
0x4f: {  	v1 =	vld [tilespmem:s2+$0x780];
	[tilespmem:s0+$0x0] =	vst v2  }
0x50: {  	s1 =	sadd.s32 $0x40, s1;
	v2 =	vld [tilespmem:s2+$0x0];
	[tilespmem:s0+$0x280] =	vst v3;
	s0 =	smov.u32 s2  }
0x51: {  	v3 =	vld [tilespmem:s0+$0x280];
	_ =	sdelay $0x3  }
0x52: {  	v0 =	vadd.f32 v0, v2  }
0x53: {  	v1 =	vadd.f32 v1, v3  }
0x54: {  	[tilespmem:s0+$0x0] =	vst v0  }
0x55: {  	[tilespmem:s0+$0x280] =	vst v1  }
0x56: {  	[spmem:s12] =	stream.linear.scatter [tilespmem:s4], [sflag:$0x1], $0x280, $0x38;
	[tilespmem:$0x14D00] =	vst v63  }
0x57: {  	_ =	swait.ge [sflag:s20], $0x280  }
0x58: {  	[sflag:s20] =	ssyncset.done $0x0  }
0x59: {  	[sflag:s20] =	ssyncadd.s32 $0xFFFFFD80  }
0x5a: {  	[spmem:s13] =	stream.linear.scatter [tilespmem:s22], [sflag:$0x1], $0x280, $0x38;
	[tilespmem:$0x14D00] =	vst v63  }
0x5b: {  	_ =	swait.ge [sflag:s20], $0x280  }
0x5c: {  	[sflag:s20] =	ssyncset.done $0x0  }
0x5d: {  	s1 =	simm.s32 @!p0 $0x1;
	s0 =	simm.s32 @!p0 $0x0;
	[sflag:s20] =	ssyncadd.s32 $0xFFFFFD80  }
0x5e: {  	[hbm4b:s14+s0] =	stream.linear.scatter @!p0 [tilespmem:s0], [sflag:$0x1], $0x280, $0x38;
	[tilespmem:$0x14D00] =	vst v63  }
0x5f: {  	_ =	swait.ge @!p0 [sflag:s1], $0x280  }
0x60: {  	[sflag:s1] =	ssyncset.done @!p0 $0x0  }
0x61: {  	s2 =	simm.s32 @!p0 $0x280;
	[sflag:s1] =	ssyncadd.s32 @!p0 $0xFFFFFD80  }
0x62: {  	[hbm4b:s15+s0] =	stream.linear.scatter @!p0 [tilespmem:s2], [sflag:$0x1], $0x280, $0x38;
	[tilespmem:$0x14D00] =	vst v63  }
0x63: {  	_ =	swait.ge @!p0 [sflag:s1], $0x280  }
0x64: {  	[sflag:s1] =	ssyncset.done @!p0 $0x0  }
0x65: {  	[sflag:s1] =	ssyncadd.s32 @!p0 $0xFFFFFD80  }
0x66: {  	[bflag:$0x0] =	sbarrier.arrive $0xFFFF  }
0x67: {  	s1 =	rddreg [dreg:$0x5]  }
0x68: {  	[tilespmem:s25], [sflag:$0x1] =	stream.linear.gather [spmem:s1], $0x2800, $0x38;
	[tilespmem:$0x14D00] =	vst v63  }
0x69: {  	_ =	swait.ge [sflag:s20], $0x2800  }
0x6a: {  	[sflag:s20] =	ssyncset.done $0x0  }
0x6b: {  	[sflag:s20] =	ssyncadd.s32 $0xFFFFD800  }
0x6c: {  	[tilespmem:s26], [sflag:$0x1] =	stream.linear.gather [spmem:s3], $0x2800, $0x38;
	[tilespmem:$0x14D00] =	vst v63  }
0x6d: {  	_ =	swait.ge [sflag:s20], $0x2800  }
0x6e: {  	[sflag:s20] =	ssyncset.done $0x0  }
0x6f: {  	s2 =	simm.s32 $0x0;
	[sflag:s20] =	ssyncadd.s32 $0xFFFFD800  }
0x70: {  	[tilespmem:s28], [sflag:$0x1] =	stream.linear.gather [hbm4b:s16+s2], $0x4E20, $0x38;
	[tilespmem:$0x14D00] =	vst v63  }
0x71: {  	_ =	swait.ge [sflag:s20], $0x4E20  }
0x72: {  	[sflag:s20] =	ssyncset.done $0x0  }
0x73: {  	[sflag:s20] =	ssyncadd.s32 $0xFFFFB1E0  }
0x74: {  	[tilespmem:s29], [sflag:$0x1] =	stream.linear.gather [hbm4b:s17+s2], $0x4E20, $0x38;
	[tilespmem:$0x14D00] =	vst v63  }
0x75: {  	_ =	swait.ge [sflag:s20], $0x4E20  }
0x76: {  	[sflag:s20] =	ssyncset.done $0x0  }
0x77: {  	s0 =	simm.s32 $0x0;
	[sflag:s20] =	ssyncadd.s32 $0xFFFFB1E0  }
0x78: {  	v0 =	vld [tilespmem:s0+$0x6180];
	_ =	sdelay $0x1  }
0x79: {  	v1 =	vld [tilespmem:s0+$0xB000];
	_ =	sdelay $0x5  }
0x7a: {  	v2 =	vld.idx.msk [tilespmem:v0+s25+$0x0], $0xffff  }
0x7b: {  	v0 =	vld.idx.msk [tilespmem:v0+s26+$0x0], $0xffff  }
0x7c: {  	v3 =	vld.idx.msk [tilespmem:v1+s25+$0x0], $0xffff  }
0x7d: {  	v1 =	vld.idx.msk [tilespmem:v1+s26+$0x0], $0xffff;
	_ =	sdelay $0x3  }
0x7e: {  	v4 =	vld [tilespmem:s0+$0xB010]  }
0x7f: {  	v2 =	vsub.f32 v2, v3;
	v0 =	vsub.f32 v0, v1  }
0x80: {  	v1 =	vld [tilespmem:s0+$0x6190]  }
0x81: {  	v2 =	vmul.f32 v2, v2;
	v0 =	vmul.f32 v0, v0;
	_ =	sdelay $0x1  }
0x82: {  	v0 =	vadd.f32 v0, v2;
	_ =	sdelay $0x1  }
0x83: {  	[tilespmem:s0+$0xFE80] =	vst v0  }
0x84: {  	v0 =	vld.idx.msk [tilespmem:v4+s26+$0x0], $0xffff  }
0x85: {  	v3 =	vld.idx.msk [tilespmem:v4+s25+$0x0], $0xffff  }
0x86: {  	v2 =	vld.idx.msk [tilespmem:v1+s25+$0x0], $0xffff  }
0x87: {  	v1 =	vld.idx.msk [tilespmem:v1+s26+$0x0], $0xffff;
	_ =	sdelay $0x3  }
0x88: {  	v62 =	vld [tilespmem:s0+$0xB020]  }
0x89: {  	v2 =	vsub.f32 v2, v3;
	v0 =	vsub.f32 v1, v0  }
0x8a: {  	v1 =	vld [tilespmem:s0+$0x61A0]  }
0x8b: {  	v2 =	vmul.f32 v2, v2;
	v0 =	vmul.f32 v0, v0;
	_ =	sdelay $0x1  }
0x8c: {  	v0 =	vadd.f32 v0, v2;
	_ =	sdelay $0x1  }
0x8d: {  	[tilespmem:s0+$0xFE90] =	vst v0  }
0x8e: {  	v0 =	vld.idx.msk [tilespmem:v62+s25+$0x0], $0xffff  }
0x8f: {  	v2 =	vld.idx.msk [tilespmem:v62+s26+$0x0], $0xffff  }
0x90: {  	v3 =	vld.idx.msk [tilespmem:v1+s26+$0x0], $0xffff  }
0x91: {  	v1 =	vld.idx.msk [tilespmem:v1+s25+$0x0], $0xffff;
	_ =	sdelay $0x3  }
0x92: {  	v63 =	vld [tilespmem:s0+$0xB030]  }
0x93: {  	v2 =	vsub.f32 v3, v2;
	v0 =	vsub.f32 v1, v0  }
0x94: {  	v1 =	vld [tilespmem:s0+$0x61B0]  }
0x95: {  	v2 =	vmul.f32 v2, v2;
	v0 =	vmul.f32 v0, v0;
	_ =	sdelay $0x1  }
0x96: {  	v0 =	vadd.f32 v2, v0;
	_ =	sdelay $0x1  }
0x97: {  	[tilespmem:s0+$0xFEA0] =	vst v0  }
0x98: {  	v0 =	vld.idx.msk [tilespmem:v63+s25+$0x0], $0xffff  }
0x99: {  	v3 =	vld.idx.msk [tilespmem:v63+s26+$0x0], $0xffff  }
0x9a: {  	v2 =	vld.idx.msk [tilespmem:v1+s26+$0x0], $0xffff  }
0x9b: {  	v1 =	vld.idx.msk [tilespmem:v1+s25+$0x0], $0xffff;
	_ =	sdelay $0x4  }
0x9c: {  	v0 =	vsub.f32 v1, v0;
	v1 =	vsub.f32 v2, v3;
	_ =	sdelay $0x1  }
0x9d: {  	v2 =	vmul.f32 v0, v0;
	v1 =	vmul.f32 v1, v1  }
0x9e: {  	v0 =	vld [tilespmem:s0+$0x61C0]  }
0x9f: {  	v2 =	vadd.f32 v1, v2;
	v1 =	vld [tilespmem:s0+$0xB040];
	_ =	sdelay $0x5  }
0xa0: {  	s1 =	simm.s32 $0x140;
	[tilespmem:s0+$0xFEB0] =	vst v2  }
.LBB2_6:
0xa1: {  	p1 =	sne.s32 s1, $0x13740;
	v2 =	vld.idx.msk [tilespmem:v0+s25+$0x0], $0xffff;
	s2 =	smov.u32 s1;
	s1 =	sadd.s32 $0x140, s1  }
0xa2: {  	v3 =	vld.idx.msk [tilespmem:v1+s26+$0x0], $0xffff  }
0xa3: {  	v1 =	vld.idx.msk [tilespmem:v1+s25+$0x0], $0xffff  }
0xa4: {  	v0 =	vld.idx.msk [tilespmem:v0+s26+$0x0], $0xffff;
	_ =	sdelay $0x3  }
0xa5: {  	s2 =	sshra.s32 s2, $0x2  }
0xa6: {  	v1 =	vsub.f32 v2, v1;
	v4 =	vld [tilespmem:s2+$0x6180]  }
0xa7: {  	v0 =	vsub.f32 v0, v3;
	v2 =	vld [tilespmem:s2+$0xB000]  }
0xa8: {  	v1 =	vmul.f32 v1, v1  }
0xa9: {  	v0 =	vmul.f32 v0, v0;
	_ =	sdelay $0x1  }
0xaa: {  	v0 =	vadd.f32 v0, v1;
	_ =	sdelay $0x1  }
0xab: {  	[tilespmem:s0+$0xFEC0] =	vst v0;
	s0 =	smov.u32 s2  }
0xac: {  	v0 =	vld.idx.msk [tilespmem:v4+s25+$0x0], $0xffff  }
0xad: {  	v1 =	vld.idx.msk [tilespmem:v4+s26+$0x0], $0xffff  }
0xae: {  	v3 =	vld.idx.msk [tilespmem:v2+s25+$0x0], $0xffff  }
0xaf: {  	v2 =	vld.idx.msk [tilespmem:v2+s26+$0x0], $0xffff;
	_ =	sdelay $0x4  }
0xb0: {  	v0 =	vsub.f32 v0, v3;
	v3 =	vld [tilespmem:s0+$0xB010]  }
0xb1: {  	v1 =	vsub.f32 v1, v2;
	v2 =	vld [tilespmem:s0+$0x6190];
	_ =	sdelay $0x1  }
0xb2: {  	v0 =	vmul.f32 v0, v0;
	v1 =	vmul.f32 v1, v1;
	_ =	sdelay $0x1  }
0xb3: {  	v0 =	vadd.f32 v1, v0;
	_ =	sdelay $0x1  }
0xb4: {  	[tilespmem:s0+$0xFE80] =	vst v0  }
0xb5: {  	v0 =	vld.idx.msk [tilespmem:v3+s26+$0x0], $0xffff  }
0xb6: {  	v1 =	vld.idx.msk [tilespmem:v2+s25+$0x0], $0xffff  }
0xb7: {  	v3 =	vld.idx.msk [tilespmem:v3+s25+$0x0], $0xffff  }
0xb8: {  	v2 =	vld.idx.msk [tilespmem:v2+s26+$0x0], $0xffff;
	_ =	sdelay $0x4  }
0xb9: {  	v1 =	vsub.f32 v1, v3;
	v3 =	vld [tilespmem:s0+$0xB020]  }
0xba: {  	v0 =	vsub.f32 v2, v0  }
0xbb: {  	v2 =	vld [tilespmem:s0+$0x61A0]  }
0xbc: {  	v1 =	vmul.f32 v1, v1;
	v0 =	vmul.f32 v0, v0;
	_ =	sdelay $0x1  }
0xbd: {  	v0 =	vadd.f32 v0, v1;
	_ =	sdelay $0x1  }
0xbe: {  	[tilespmem:s0+$0xFE90] =	vst v0  }
0xbf: {  	v0 =	vld.idx.msk [tilespmem:v3+s25+$0x0], $0xffff  }
0xc0: {  	v1 =	vld.idx.msk [tilespmem:v3+s26+$0x0], $0xffff  }
0xc1: {  	v3 =	vld.idx.msk [tilespmem:v2+s26+$0x0], $0xffff  }
0xc2: {  	v2 =	vld.idx.msk [tilespmem:v2+s25+$0x0], $0xffff;
	_ =	sdelay $0x4  }
0xc3: {  	v1 =	vsub.f32 v3, v1;
	v3 =	vld [tilespmem:s0+$0xB030]  }
0xc4: {  	v0 =	vsub.f32 v2, v0;
	v2 =	vld [tilespmem:s0+$0x61B0]  }
0xc5: {  	v1 =	vmul.f32 v1, v1  }
0xc6: {  	v0 =	vmul.f32 v0, v0;
	_ =	sdelay $0x1  }
0xc7: {  	v0 =	vadd.f32 v1, v0;
	_ =	sdelay $0x1  }
0xc8: {  	[tilespmem:s0+$0xFEA0] =	vst v0  }
0xc9: {  	v0 =	vld.idx.msk [tilespmem:v3+s25+$0x0], $0xffff  }
0xca: {  	v1 =	vld.idx.msk [tilespmem:v2+s26+$0x0], $0xffff  }
0xcb: {  	v2 =	vld.idx.msk [tilespmem:v2+s25+$0x0], $0xffff  }
0xcc: {  	v3 =	vld.idx.msk [tilespmem:v3+s26+$0x0], $0xffff;
	_ =	sdelay $0x4  }
0xcd: {  	v2 =	vsub.f32 v2, v0;
	v0 =	vld [tilespmem:s0+$0x61C0]  }
0xce: {  	v3 =	vsub.f32 v1, v3;
	v1 =	vld [tilespmem:s0+$0xB040];
	_ =	sdelay $0x1  }
.Ltmp2:
0xcf: {  	v2 =	vmul.f32 v2, v2;
	v3 =	vmul.f32 v3, v3;
	(pc) =	sbr.rel @p1 .LBB2_6-.Ltmp2, $3  }
0xd0: {  	_ = 	snop  }
0xd1: {  	v2 =	vadd.f32 v3, v2;
	_ =	sdelay $0x1  }
0xd2: {  	[tilespmem:s0+$0xFEB0] =	vst v2  }
0xd3: {  	_ =	sdelay $0x3  }
0xd4: {  	v2 =	vld.idx.msk [tilespmem:v0+s25+$0x0], $0xffff  }
0xd5: {  	v3 =	vld.idx.msk [tilespmem:v1+s26+$0x0], $0xffff  }
0xd6: {  	v62 =	vld.idx.msk [tilespmem:v1+s25+$0x0], $0xffff  }
0xd7: {  	v63 =	vld.idx.msk [tilespmem:v0+s26+$0x0], $0xffff;
	_ =	sdelay $0x4  }
0xd8: {  	v1 =	vsub.f32 v2, v62;
	v0 =	vsub.f32 v63, v3;
	_ =	sdelay $0x1  }
0xd9: {  	v1 =	vmul.f32 v1, v1;
	v0 =	vmul.f32 v0, v0;
	_ =	sdelay $0x1  }
0xda: {  	s31 =	sadd.s32 $0x1, s31;
	v0 =	vadd.f32 v0, v1  }
0xdb: {  	p1 =	sne.s32 s31, s19  }
.Ltmp3:
0xdc: {  	[tilespmem:s0+$0xFEC0] =	vst v0;
	(pc) =	sbr.rel @p1 .LBB2_1-.Ltmp3, $4  }
0xdd: {  	[hbm4b:s18+s4] =	stream.linear.scatter [tilespmem:s30], [sflag:$0x1], $0x4E20, $0x38;
	[tilespmem:$0x14D00] =	vst v63  }
0xde: {  	_ =	swait.ge [sflag:s20], $0x4E20  }
0xdf: {  	[sflag:s20] =	ssyncset.done $0x0  }
0xe0: {  	[sflag:s20] =	ssyncadd.s32 $0xFFFFB1E0  }
0xe1: {  	_ =	sfence.sel $0x180000  }
0xe2: {  	[bflag:$0x0] =	sbarrier.arrive $0xFFFF  }
0xe3: {  	_ =	strace $0x90000050  }
0xe4: {  	s0 =	stileid.u32;
	[bflag:$0x2] =	sbarrier.arrive $0xFFFF  }
0xe5: {  	p0 =	sne.s32 s0, $0x0;
	s0 =	rddreg [dreg:$0x7]  }
0xe6: {  	s0 =	sadd.s32 @!p0 $0x100000, s0  }
0xe7: {  	[sflag:s0] =	ssyncadd.tile.s32 @!p0 $0x1;
	_ =	shalt  }
.Lfunc_end2:
_tile_overlayer_lowered:
.L_overlay_start_2:
0xe8: {  	(tag) =	ssettag $0x2  }
0xe9: {  	s0 =	rddreg [dreg:$0x0];
	s2 =	stileid.u32  }
0xea: {  	s1 =	rddreg [dreg:$0x1];
	p0 =	sne.s32 s2, $0x0  }
0xeb: {  	s3 =	rddreg [dreg:$0x2];
	[bflag:$0x3] =	sbarrier.arrive $0xFFFF;
	s2 =	simm.s32 @!p0 $0x1C01  }
0xec: {  	[timem:s3], [sflag:s2] =	dma.local @!p0 [hbm:s0], s1  }
0xed: {  	s0 =	simm.s32 @!p0 $0x1  }
0xee: {  	_ =	swait.ge @!p0 [sflag:s0], s1  }
0xef: {  	s1 =	ssub.s32 @!p0 $0x0, s1;
	[sflag:s0] =	ssyncset.done @!p0 $0x0  }
0xf0: {  	[sflag:s0] =	ssyncadd.s32 @!p0 s1  }
0xf1: {  	[bflag:$0x3] =	sbarrier.arrive $0xFFFF  }
0xf2: {  	_ =	shalt  }

// kernel: kernel.9.cloned.1.call-start
scs
__scs_entry_jumppad:
0x0: {  	(pc) =	sbr.rel $0x88, $3  }
0x1: {  	(tag) =	ssettag $0x0;
	lr =	simm.s32 $0x1  }
0x2: {  	[smem:$0x3F99] =	sst lr;
	_ =	strace $0xD0000000  }
0x3: {  	_ = 	snop  }
0x4: {  	_ = 	snop  }
0x5: {  	_ = 	snop  }
0x6: {  	_ = 	snop  }
0x7: {  	_ = 	snop  }
__scs_overlays_trampoline_lowered:
0x8: {  	[smem:$0x3FA8] =	sst s0  }
0x9: {  	[smem:$0x3FA9] =	sst s1  }
0xa: {  	[smem:$0x3FAA] =	sst s2  }
0xb: {  	[smem:$0x3FAB] =	sst s3  }
0xc: {  	[smem:$0x3FAC] =	sst s4  }
0xd: {  	[smem:$0x3FAD] =	sst s5  }
0xe: {  	[smem:$0x3FAE] =	sst s6  }
0xf: {  	[smem:$0x3FAF] =	sst s7  }
0x10: {  	[smem:$0x3FB0] =	sst s8  }
0x11: {  	[smem:$0x3FB1] =	sst s9;
	s0 =	simm.s32 @!p0 $0x0  }
0x12: {  	s1 =	sld [smem:$0x3F97];
	s0 =	simm.s32 @p0 $0x1  }
0x13: {  	[smem:$0x3FB2] =	sst s0;
	s0 =	simm.s32 @!p1 $0x0  }
0x14: {  	s2 =	sld [smem:$0x3F96];
	s0 =	simm.s32 @p1 $0x1  }
0x15: {  	[smem:$0x3FB3] =	sst s0;
	s0 =	simm.s32 @!p2 $0x0  }
0x16: {  	s3 =	sld [smem:$0x3FDB];
	s0 =	simm.s32 @p2 $0x1  }
0x17: {  	s4 =	simm.s32 $0x1BF5;
	[smem:$0x3FB5] =	sst s0  }
0x18: {  	s0 =	sld [smem:$0x3F98];
	_ =	swait.ge [sflag:s4], $0x0  }
0x19: {  	s7 =	sld [smem:$0x3F99]  }
0x1a: {  	s8 =	sadd.s32 $0xFFFFE003, lr  }
0x1b: {  	s9 =	sadd.s32 $0xFFFFFEF7, lr;
	s5 =	simm.s32 $0xFFFFFFFF;
	p2 =	slt.u32 s8, $0xFFFFF086  }
0x1c: {  	p1 =	slt.u32 s9, $0xF7A;
	s5 =	simm.s32 @!p2 $0x0  }
0x1d: {  	s5 =	simm.s32 @p1 $0x1;
	p0 =	seq.s32 s7, s2  }
0x1e: {  	s7 =	smul.u32 @!p0 $0xF7A, s2;
	p2 =	seq.s32 @!p0 s5, $0x0  }
0x1f: {  	s9 =	smul.u32 $0xF7A, s1;
	s8 =	simm.s32 @!p0 $0x1BF5;
	p2 =	por !p2, p0  }
0x20: {  	[sflag:s8] =	ssyncset.s32 @!p0 $0xFFFFF086;
	s6 =	sadd.s32 @!p0 s3, s7;
	s7 =	simm.s32 @!p0 $0x108  }
0x21: {  	s3 =	sadd.s32 s3, s9;
	s6 =	sadd.s32 @!p0 $0x88, s6;
	s7 =	simm.s32 @p2 $0x1082  }
0x22: {  	[simem:s7], [sflag:s8] =	dma.local @!p0 [hbm:s6], $0xF7A  }
0x23: {  	s9 =	sor.u32 $0xD0000000, s2;
	s6 =	simm.s32 $0x108;
	_ =	swait.ge @!p0 [sflag:s8], $0x0  }
0x24: {  	s3 =	sadd.s32 $0x88, s3;
	s6 =	simm.s32 @!p1 $0x1082;
	[sflag:s4] =	ssyncset.s32 $0xFFFFF086  }
0x25: {  	[simem:s6], [sflag:s4] =	dma.local [hbm:s3], $0xF7A  }
0x26: {  	[smem:$0x3F99] =	sst s1;
	(tag) =	ssettag s2;
	_ =	strace s9  }
0x27: {  	s1 =	sld [smem:$0x3FA9]  }
0x28: {  	s2 =	sld [smem:$0x3FAA]  }
0x29: {  	s4 =	sld [smem:$0x3FAC]  }
0x2a: {  	p0 =	seq.s32 s5, $0x0;
	s5 =	sld [smem:$0x3FAD]  }
0x2b: {  	s6 =	sld [smem:$0x3FAE]  }
0x2c: {  	s7 =	sld [smem:$0x3FAF]  }
0x2d: {  	s3 =	simm.s32 $0x108;
	s8 =	sld [smem:$0x3FB0]  }
0x2e: {  	s3 =	simm.s32 @!p0 $0x1082;
	s9 =	sld [smem:$0x3FB1]  }
0x2f: {  	lr =	sadd.s32 s0, s3;
	s0 =	sld [smem:$0x3FA8]  }
0x30: {  	s3 =	sld [smem:$0x3FAB]  }
0x31: {  	[smem:$0x3FB4] =	sst s10  }
0x32: {  	s10 =	sld [smem:$0x3FB2];
	_ =	sdelay $0x3  }
0x33: {  	p0 =	seq.s32 s10, $0x1;
	s10 =	sld [smem:$0x3FB4];
	_ =	sdelay $0x3  }
0x34: {  	[smem:$0x3FB4] =	sst s10  }
0x35: {  	s10 =	sld [smem:$0x3FB3];
	_ =	sdelay $0x3  }
0x36: {  	p1 =	seq.s32 s10, $0x1;
	s10 =	sld [smem:$0x3FB4];
	_ =	sdelay $0x3  }
0x37: {  	[smem:$0x3FB4] =	sst s10  }
0x38: {  	s10 =	sld [smem:$0x3FB5]  }
0x39: {  	_ = 	snop;
	(pc) =	sbr.ind lr, $3  }
0x3a: {  	_ = 	snop  }
0x3b: {  	_ = 	snop  }
0x3c: {  	p2 =	seq.s32 s10, $0x1;
	s10 =	sld [smem:$0x3FB4]  }
0x3d: {  	_ =	shalt  }
0x3e: {  	_ =	shalt  }
0x3f: {  	_ =	shalt  }
0x40: {  	_ =	shalt  }
0x41: {  	_ =	shalt  }
0x42: {  	_ =	shalt  }
0x43: {  	_ =	shalt  }
0x44: {  	_ =	shalt  }
0x45: {  	_ =	shalt  }
0x46: {  	_ =	shalt  }
0x47: {  	_ =	shalt  }
0x48: {  	_ =	shalt  }
0x49: {  	_ =	shalt  }
0x4a: {  	_ =	shalt  }
0x4b: {  	_ =	shalt  }
0x4c: {  	_ =	shalt  }
0x4d: {  	_ =	shalt  }
0x4e: {  	_ =	shalt  }
0x4f: {  	_ =	shalt  }
0x50: {  	_ =	shalt  }
0x51: {  	_ =	shalt  }
0x52: {  	_ =	shalt  }
0x53: {  	_ =	shalt  }
0x54: {  	_ =	shalt  }
0x55: {  	_ =	shalt  }
0x56: {  	_ =	shalt  }
0x57: {  	_ =	shalt  }
0x58: {  	_ =	shalt  }
0x59: {  	_ =	shalt  }
0x5a: {  	_ =	shalt  }
0x5b: {  	_ =	shalt  }
0x5c: {  	_ =	shalt  }
0x5d: {  	_ =	shalt  }
0x5e: {  	_ =	shalt  }
0x5f: {  	_ =	shalt  }
0x60: {  	_ =	shalt  }
0x61: {  	_ =	shalt  }
0x62: {  	_ =	shalt  }
0x63: {  	_ =	shalt  }
0x64: {  	_ =	shalt  }
0x65: {  	_ =	shalt  }
0x66: {  	_ =	shalt  }
0x67: {  	_ =	shalt  }
0x68: {  	_ =	shalt  }
0x69: {  	_ =	shalt  }
0x6a: {  	_ =	shalt  }
0x6b: {  	_ =	shalt  }
0x6c: {  	_ =	shalt  }
0x6d: {  	_ =	shalt  }
0x6e: {  	_ =	shalt  }
0x6f: {  	_ =	shalt  }
0x70: {  	_ =	shalt  }
0x71: {  	_ =	shalt  }
0x72: {  	_ =	shalt  }
0x73: {  	_ =	shalt  }
0x74: {  	_ =	shalt  }
0x75: {  	_ =	shalt  }
0x76: {  	_ =	shalt  }
0x77: {  	_ =	shalt  }
0x78: {  	_ =	shalt  }
0x79: {  	_ =	shalt  }
0x7a: {  	_ =	shalt  }
0x7b: {  	_ =	shalt  }
0x7c: {  	_ =	shalt  }
0x7d: {  	_ =	shalt  }
0x7e: {  	_ =	shalt  }
0x7f: {  	_ =	shalt  }
0x80: {  	_ =	shalt  }
0x81: {  	_ =	shalt  }
0x82: {  	_ =	shalt  }
0x83: {  	_ =	shalt  }
0x84: {  	_ =	shalt  }
0x85: {  	_ =	shalt  }
0x86: {  	_ =	shalt  }
0x87: {  	_ =	shalt  }
.Lfunc_end0:
.L_simem_size_0:
called_computation_lowered:
.L_overlay_start_0:
0x88: {  	s2 =	sld [smem:$0x3FD9]  }
0x89: {  	s3 =	sld [smem:$0x3FFE];
	_ =	sdelay $0x1  }
0x8a: {  	s1 =	srdreg.scid  }
0x8b: {  	s0 =	sand.u32 $0x1, s1  }
0x8c: {  	s14 =	sshll.u32 s0, $0xA;
	s2 =	sadd.s32 s3, s2  }
0x8d: {  	s2 =	sadd.s32 s2, s14  }
0x8e: {  	[smem:$0x3FC0] =	sst s2  }
0x8f: {  	_ = 	snop  }
0x90: {  	s2 =	sld [smem:$0x3FD0];
	_ =	sdelay $0x2  }
0x91: {  	s15 =	simm.s32 $0xA;
	s4 =	simm.s32 $0x10  }
0x92: {  	[smem:s4], [sflag:s15] =	dma.local [hbm:s2], $0x1  }
0x93: {  	_ =	swait.eq [sflag:s15], $0x1  }
0x94: {  	[sflag:s15] =	ssyncset.done $0x0  }
0x95: {  	[sflag:s15] =	ssyncadd.s32 $0xFFFFFFFF  }
0x96: {  	s16 =	sld [smem:$0x11];
	(tm) =	ssettm $0x1  }
0x97: {  	s17 =	sld [smem:$0x3FFB];
	_ =	sdelay $0x3  }
0x98: {  	_ =	strace s17  }
0x99: {  	s3 =	sld [smem:$0x3FFC];
	_ =	sdelay $0x3  }
0x9a: {  	_ =	strace s3  }
0x9b: {  	s3 =	sld [smem:$0x3FFD];
	_ =	sdelay $0x3  }
0x9c: {  	_ =	strace s3  }
0x9d: {  	_ =	strace $0x8FFFFFFF  }
0x9e: {  	s18 =	sld [smem:$0x3FDB];
	_ =	sdelay $0x1  }
0x9f: {  	s19 =	simm.s32 $_scs_section_size  }
0xa0: {  	s5 =	simm.s32 $_size__tile_overlayer_lowered;
	s6 =	simm.s32 $_tile_overlayer_lowered  }
0xa1: {  	s22 =	simm.s32 $0x1BFF;
	s21 =	sshll.u32 s6, $0x1;
	s3 =	sadd.s32 s19, s18  }
0xa2: {  	s7 =	simm.s32 $0x0;
	s20 =	sshll.u32 s5, $0x1;
	s5 =	sadd.s32 s21, s3  }
0xa3: {  	[timem:s7], [sflag:s22] =	dma.local [hbm:s5], s20  }
0xa4: {  	_ =	swait.ge [sflag:s22], s20  }
0xa5: {  	s4 =	ssub.s32 $0x0, s20;
	[sflag:s22] =	ssyncset.done $0x0  }
0xa6: {  	[sflag:s22] =	ssyncadd.s32 s4;
	_ =	sdelay $0x1  }
0xa7: {  	s23 =	simm.s32 $0x1B8B  }
0xa8: {  	_ =	swait.ge [sflag:s23], $0x1  }
0xa9: {  	[sflag:s23] =	ssyncset.done $0x0  }
0xaa: {  	s25 =	simm.s32 $0x1B8E;
	s24 =	sld [smem:$0x3FFE];
	[sflag:s23] =	ssyncadd.s32 $0xFFFFFFFF  }
0xab: {  	s26 =	simm.s32 $execute0_lowered;
	[smem:$0x3FD2] =	sst s25  }
0xac: {  	s5 =	sshll.u32 s26, $0x1;
	_ =	strace $0x80000046;
	[dreg:$0x1] =	wrdreg $0xFFFFFFFF  }
0xad: {  	s28 =	simm.s32 $_size_execute0_lowered;
	s3 =	sadd.s32 s3, s5;
	[dreg:$0x0] =	wrdreg $0x0  }
0xae: {  	s5 =	sshll.u32 s28, $0x1;
	[dreg:$0x2] =	wrdreg s3  }
0xaf: {  	[dreg:$0x3] =	wrdreg s5  }
0xb0: {  	[dreg:$0x4] =	wrdreg $0xC0  }
0xb1: {  	_ =	task [dreg:s7], $0x5FFFF  }
0xb2: {  	[dreg:$0x1] =	wrdreg $0xFFFFFFFF  }
0xb3: {  	[dreg:$0x0] =	wrdreg $0x60  }
0xb4: {  	[dreg:$0x2] =	wrdreg s16  }
0xb5: {  	[dreg:$0x3] =	wrdreg s24  }
0xb6: {  	[dreg:$0x4] =	wrdreg $0x43000  }
0xb7: {  	[dreg:$0x5] =	wrdreg $0x9  }
0xb8: {  	_ =	task.clear_ibuf [dreg:s7], $0x6FFFF;
	_ =	strace $0x90000046  }
0xb9: {  	s29 =	simm.s32 $0x9;
	_ =	strace $0x80000048  }
0xba: {  	_ =	swait.ge [sflag:s29], $0x1  }
0xbb: {  	[sflag:s29] =	ssyncadd.s32 $0xFFFFFFFF  }
0xbc: {  	_ =	strace $0x90000048  }
0xbd: {  	_ =	sfence  }
0xbe: {  	s30 =	sld [smem:$0x0];
	_ =	sdelay $0x2  }
0xbf: {  	s31 =	sshll.u32 s1, $0xD;
	s1 =	sshrl.u32 s1, $0x2  }
0xc0: {  	s3 =	sand.u32 $0x4000, s31;
	s1 =	sadd.s32 s1, s30  }
0xc1: {  	s0 =	sor.u32 s3, s0;
	s1 =	sshll.u32 s1, $0x11  }
0xc2: {  	s0 =	sor.u32 s1, s0  }
0xc3: {  	s0 =	sadd.s32 $0x8F2B, s0  }
0xc4: {  	[sflag:s0] =	ssyncadd.remote.s32 $0x1  }
0xc5: {  	_ =	sfence.sel $0xFFFF  }
0xc6: {  	[dreg:$0x0] =	wrdreg $0xFFFFFFFF;
	(pc) =	sbr.abs _section_cstart, $3  }
0xc7: {  	[dreg:$0x1] =	wrdreg $0xFFFFFFFF  }
0xc8: {  	_ =	task.clear_ibuf [dreg:s7], $0x2FFFF;
	_ =	strace $0x9FFFFFFF  }
0xc9: {  	(tm) =	ssettm $0x7FFFFFFF  }
tec
execute0_lowered:
.L_overlay_start_1:
0x0: {  	(tag) =	ssettag $0x1  }
0x1: {  	s4 =	rddreg [dreg:$0x0]  }
0x2: {  	s1 =	srdreg.scid;
	s5 =	rddreg [dreg:$0x1]  }
0x3: {  	s0 =	stileid.u32;
	s2 =	rddreg [dreg:$0x2]  }
0x4: {  	s3 =	simm.s32 $0x0;
	s11 =	simm.s32 $0x4000;
	s12 =	simm.s32 $0x1  }
0x5: {  	s13 =	simm.s32 $0x4580;
	s6 =	sand.u32 $0x1, s1;
	s1 =	rddreg [dreg:$0x3]  }
0x6: {  	s14 =	simm.s32 $0x0;
	s7 =	smul.u32 $0x280, s0;
	[smem:$0x7FF] =	sst s3  }
0x7: {  	s9 =	sshll.u32 s0, $0xB;
	s8 =	smul.u32 $0x2800, s6;
	s31 =	ssub.s32 $0x2, s6  }
0x8: {  	_ =	strace $0x80000047;
	s6 =	sshll.u32 s6, $0xF;
	s10 =	sshrl.u32 s31, $0x1  }
0x9: {  	s9 =	sadd.s32 s4, s9;
	s8 =	sadd.s32 s7, s8;
	s10 =	ssub.s32 s31, s10  }
0xa: {  	s4 =	sadd.s32 s7, s2;
	s8 =	sshrl.u32 s8, $0x3;
	s7 =	smax.u32 s10, $0x1  }
0xb: {  	s10 =	simm.s32 $0x50;
	s8 =	sadd.s32 s8, s5;
	s5 =	sadd.s32 s6, s9  }
0xc: {  	v0 =	vimm.f32 $0.0e+00;
	v1 =	vimm.f32 $1.000000000e+00;
	s9 =	simm.s32 $0x2;
	s6 =	sadd.s32 $0x18400, s8;
	s8 =	simm.s32 $0x4080  }
.LBB2_1:
0xd: {  	[tilespmem:$0x4080] =	vst v0  }
0xe: {  	[tilespmem:$0x4090] =	vst v0  }
0xf: {  	[tilespmem:$0x40A0] =	vst v0  }
0x10: {  	[tilespmem:$0x40B0] =	vst v0  }
0x11: {  	[tilespmem:$0x40C0] =	vst v0  }
0x12: {  	[tilespmem:$0x40D0] =	vst v0  }
0x13: {  	[tilespmem:$0x40E0] =	vst v0  }
0x14: {  	[tilespmem:$0x40F0] =	vst v0  }
0x15: {  	[tilespmem:$0x4100] =	vst v0  }
0x16: {  	[tilespmem:$0x4110] =	vst v0  }
0x17: {  	[tilespmem:$0x4120] =	vst v0  }
0x18: {  	[tilespmem:$0x4130] =	vst v0  }
0x19: {  	[tilespmem:$0x4140] =	vst v0  }
0x1a: {  	[tilespmem:$0x4150] =	vst v0  }
0x1b: {  	[tilespmem:$0x4160] =	vst v0  }
0x1c: {  	[tilespmem:$0x4170] =	vst v0  }
0x1d: {  	[tilespmem:$0x4180] =	vst v0  }
0x1e: {  	[tilespmem:$0x4190] =	vst v0  }
0x1f: {  	[tilespmem:$0x41A0] =	vst v0  }
0x20: {  	[tilespmem:$0x41B0] =	vst v0  }
0x21: {  	[tilespmem:$0x41C0] =	vst v0  }
0x22: {  	[tilespmem:$0x41D0] =	vst v0  }
0x23: {  	[tilespmem:$0x41E0] =	vst v0  }
0x24: {  	[tilespmem:$0x41F0] =	vst v0  }
0x25: {  	[tilespmem:$0x4200] =	vst v0  }
0x26: {  	[tilespmem:$0x4210] =	vst v0  }
0x27: {  	[tilespmem:$0x4220] =	vst v0  }
0x28: {  	[tilespmem:$0x4230] =	vst v0  }
0x29: {  	[tilespmem:$0x4240] =	vst v0  }
0x2a: {  	[tilespmem:$0x4250] =	vst v0  }
0x2b: {  	[tilespmem:$0x4260] =	vst v0  }
0x2c: {  	[tilespmem:$0x4270] =	vst v0  }
0x2d: {  	[tilespmem:$0x4280] =	vst v0  }
0x2e: {  	[tilespmem:$0x4290] =	vst v0  }
0x2f: {  	[tilespmem:$0x42A0] =	vst v0  }
0x30: {  	[tilespmem:$0x42B0] =	vst v0  }
0x31: {  	[tilespmem:$0x42C0] =	vst v0  }
0x32: {  	[tilespmem:$0x42D0] =	vst v0  }
0x33: {  	[tilespmem:$0x42E0] =	vst v0  }
0x34: {  	[tilespmem:$0x42F0] =	vst v0  }
0x35: {  	[spmem:s4] =	stream.linear.scatter [tilespmem:s8], [sflag:$0x2], $0x280, $0x38;
	[tilespmem:$0x4800] =	vst v63  }
0x36: {  	_ =	swait.ge [sflag:s9], $0x280  }
0x37: {  	[sflag:s9] =	ssyncset.done $0x0  }
0x38: {  	[sflag:s9] =	ssyncadd.s32 $0xFFFFFD80  }
0x39: {  	[bflag:$0x0] =	sbarrier.arrive $0xFFFF  }
0x3a: {  	[tilespmem:s3], [sflag:$0x2] =	stream.linear.gather [hbm4b:s5+s3], $0x3E80, $0x38;
	[tilespmem:$0x4800] =	vst v63  }
0x3b: {  	_ =	swait.ge [sflag:s9], $0x3E80  }
0x3c: {  	[sflag:s9] =	ssyncset.done $0x0  }
0x3d: {  	[sflag:s9] =	ssyncadd.s32 $0xFFFFC180  }
0x3e: {  	[tilespmem:$0x4000] =	vst v1  }
0x3f: {  	[tilespmem:$0x4010] =	vst v1  }
0x40: {  	[tilespmem:$0x4020] =	vst v1  }
0x41: {  	p0 =	por $0x1, $0x1;
	[tilespmem:$0x4030] =	vst v1  }
0x42: {  	s17 =	simm.s32 @!p0 $0x1;
	[tilespmem:$0x4040] =	vst v1  }
0x43: {  	[spmem:s2] =	stream.indirect.scatter.add.f32 [tilespmem:s11], [sflag:$0x1], $0x1, s3, s10, $0xb8;
	[tilespmem:$0x4800] =	vst v63  }
0x44: {  	_ =	swait.ge @!p0 [sflag:s17], $0x50  }
0x45: {  	s15 =	simm.s32 $0x1;
	s16 =	simm.s32 $0x0;
	[sflag:s17] =	ssyncset.done @!p0 $0x0  }
.LBB2_2:
0x46: {  	[sflag:s17] =	ssyncadd.s32 @!p0 $0xFFFFFFB0  }
0x47: {  	s16 =	sadd.s32 $0x80, s16;
	s17 =	smov.u32 s15;
	s15 =	sadd.s32 $0x1, s15  }
0x48: {  	p1 =	sne.s32 s15, $0x7D  }
0x49: {  	[spmem:s2] =	stream.indirect.scatter.add.f32 [tilespmem:s11], [sflag:$0x1], $0x1, s16, s10, $0xb8;
	[tilespmem:$0x4800] =	vst v63  }
.Ltmp0:
0x4a: {  	_ = 	snop;
	(pc) =	sbr.rel @p1 .LBB2_2-.Ltmp0, $4  }
0x4b: {  	p0 =	slt.u32 s17, $0x10  }
0x4c: {  	s17 =	simm.s32 @!p0 $0x1  }
0x4d: {  	_ =	swait.ge @!p0 [sflag:s17], $0x50  }
0x4e: {  	[sflag:s17] =	ssyncset.done @!p0 $0x0  }
0x4f: {  	[sflag:s17] =	ssyncadd.s32 @!p0 $0xFFFFFFB0  }
0x50: {  	_ =	swait.ge [sflag:s12], $0x50  }
0x51: {  	[sflag:s12] =	ssyncset.done $0x0  }
0x52: {  	[sflag:s12] =	ssyncadd.s32 $0xFFFFFFB0  }
0x53: {  	_ =	swait.ge [sflag:s12], $0x50  }
0x54: {  	[sflag:s12] =	ssyncset.done $0x0  }
0x55: {  	[sflag:s12] =	ssyncadd.s32 $0xFFFFFFB0  }
0x56: {  	_ =	swait.ge [sflag:s12], $0x50  }
0x57: {  	[sflag:s12] =	ssyncset.done $0x0  }
0x58: {  	[sflag:s12] =	ssyncadd.s32 $0xFFFFFFB0  }
0x59: {  	_ =	swait.ge [sflag:s12], $0x50  }
0x5a: {  	[sflag:s12] =	ssyncset.done $0x0  }
0x5b: {  	[sflag:s12] =	ssyncadd.s32 $0xFFFFFFB0  }
0x5c: {  	_ =	swait.ge [sflag:s12], $0x50  }
0x5d: {  	[sflag:s12] =	ssyncset.done $0x0  }
0x5e: {  	[sflag:s12] =	ssyncadd.s32 $0xFFFFFFB0  }
0x5f: {  	_ =	swait.ge [sflag:s12], $0x50  }
0x60: {  	[sflag:s12] =	ssyncset.done $0x0  }
0x61: {  	[sflag:s12] =	ssyncadd.s32 $0xFFFFFFB0  }
0x62: {  	_ =	swait.ge [sflag:s12], $0x50  }
0x63: {  	[sflag:s12] =	ssyncset.done $0x0  }
0x64: {  	[sflag:s12] =	ssyncadd.s32 $0xFFFFFFB0  }
0x65: {  	_ =	swait.ge [sflag:s12], $0x50  }
0x66: {  	[sflag:s12] =	ssyncset.done $0x0  }
0x67: {  	[sflag:s12] =	ssyncadd.s32 $0xFFFFFFB0  }
0x68: {  	_ =	swait.ge [sflag:s12], $0x50  }
0x69: {  	[sflag:s12] =	ssyncset.done $0x0  }
0x6a: {  	[sflag:s12] =	ssyncadd.s32 $0xFFFFFFB0  }
0x6b: {  	_ =	swait.ge [sflag:s12], $0x50  }
0x6c: {  	[sflag:s12] =	ssyncset.done $0x0  }
0x6d: {  	[sflag:s12] =	ssyncadd.s32 $0xFFFFFFB0  }
0x6e: {  	_ =	swait.ge [sflag:s12], $0x50  }
0x6f: {  	[sflag:s12] =	ssyncset.done $0x0  }
0x70: {  	[sflag:s12] =	ssyncadd.s32 $0xFFFFFFB0  }
0x71: {  	_ =	swait.ge [sflag:s12], $0x50  }
0x72: {  	[sflag:s12] =	ssyncset.done $0x0  }
0x73: {  	[sflag:s12] =	ssyncadd.s32 $0xFFFFFFB0  }
0x74: {  	_ =	swait.ge [sflag:s12], $0x50  }
0x75: {  	[sflag:s12] =	ssyncset.done $0x0  }
0x76: {  	[sflag:s12] =	ssyncadd.s32 $0xFFFFFFB0  }
0x77: {  	_ =	swait.ge [sflag:s12], $0x50  }
0x78: {  	[sflag:s12] =	ssyncset.done $0x0  }
0x79: {  	[sflag:s12] =	ssyncadd.s32 $0xFFFFFFB0  }
0x7a: {  	_ =	swait.ge [sflag:s12], $0x50  }
0x7b: {  	[sflag:s12] =	ssyncset.done $0x0  }
0x7c: {  	[sflag:s12] =	ssyncadd.s32 $0xFFFFFFB0  }
0x7d: {  	_ =	swait.ge [sflag:s12], $0x50  }
0x7e: {  	[sflag:s12] =	ssyncset.done $0x0  }
0x7f: {  	[sflag:s12] =	ssyncadd.s32 $0xFFFFFFB0  }
0x80: {  	[bflag:$0x0] =	sbarrier.arrive $0xFFFF  }
0x81: {  	[tilespmem:s13], [sflag:$0x2] =	stream.linear.gather [spmem:s4], $0x280, $0x38;
	[tilespmem:$0x4800] =	vst v63  }
0x82: {  	s14 =	sadd.s32 $0x1, s14;
	_ =	swait.ge [sflag:s9], $0x280  }
0x83: {  	p0 =	sne.s32 s14, s7;
	[sflag:s9] =	ssyncset.done $0x0  }
.Ltmp1:
0x84: {  	[sflag:s9] =	ssyncadd.s32 $0xFFFFFD80;
	(pc) =	sbr.rel @p0 .LBB2_1-.Ltmp1, $4  }
0x85: {  	[hbm4b:s6+s3] =	stream.linear.scatter [tilespmem:s13], [sflag:$0x2], $0x280, $0x38;
	[tilespmem:$0x4800] =	vst v63  }
0x86: {  	_ =	swait.ge [sflag:s9], $0x280  }
0x87: {  	[sflag:s9] =	ssyncset.done $0x0  }
0x88: {  	[sflag:s9] =	ssyncadd.s32 $0xFFFFFD80  }
0x89: {  	_ =	sfence.sel $0x180000  }
0x8a: {  	[bflag:$0x0] =	sbarrier.arrive $0xFFFF  }
0x8b: {  	p0 =	sne.s32 s0, $0x0;
	_ =	strace $0x90000047  }
0x8c: {  	s0 =	sadd.s32 @!p0 $0x100000, s1;
	[bflag:$0x2] =	sbarrier.arrive $0xFFFF  }
0x8d: {  	[sflag:s0] =	ssyncadd.tile.s32 @!p0 $0x1;
	_ =	shalt  }
.Lfunc_end2:
_tile_overlayer_lowered:
.L_overlay_start_2:
0x8e: {  	(tag) =	ssettag $0x2  }
0x8f: {  	s0 =	rddreg [dreg:$0x0];
	s2 =	stileid.u32  }
0x90: {  	s1 =	rddreg [dreg:$0x1];
	p0 =	sne.s32 s2, $0x0  }
0x91: {  	s3 =	rddreg [dreg:$0x2];
	[bflag:$0x3] =	sbarrier.arrive $0xFFFF;
	s2 =	simm.s32 @!p0 $0x1C02  }
0x92: {  	[timem:s3], [sflag:s2] =	dma.local @!p0 [hbm:s0], s1  }
0x93: {  	s0 =	simm.s32 @!p0 $0x2  }
0x94: {  	_ =	swait.ge @!p0 [sflag:s0], s1  }
0x95: {  	s1 =	ssub.s32 @!p0 $0x0, s1;
	[sflag:s0] =	ssyncset.done @!p0 $0x0  }
0x96: {  	[sflag:s0] =	ssyncadd.s32 @!p0 s1  }
0x97: {  	[bflag:$0x3] =	sbarrier.arrive $0xFFFF  }
0x98: {  	_ =	shalt  }

</sc_bundles>
